<compile_context>
chip_gen: v7x
topology: tpu7x:2x2x1
jax: 0.10.2.dev20260603
libtpu: 0.0.44.dev20260713+nightly
codegen_flags: <defaults>
</compile_context>

<pallas_src>
import functools

import jax
import jax.numpy as jnp
from jax import lax
from jax.experimental import pallas as pl
from jax.experimental.pallas import tpu as pltpu
from jax.experimental.pallas import tpu_sc as plsc

VOCAB = 100000
HIDDEN = 128
MAX_POS = 64
BATCH = 4096
SEQ = 64

N = BATCH * SEQ
NC, NS = 2, 16
NW = NC * NS
B_W = N // NW
C = 128
NCHUNK = B_W // C
NBUF = 4
LANES = 16
NLG = HIDDEN // LANES

_mesh = plsc.VectorSubcoreMesh(core_axis_name="c", subcore_axis_name="s")


@functools.partial(
    pl.kernel,
    mesh=_mesh,
    out_type=jax.ShapeDtypeStruct((N, HIDDEN), jnp.float32),
    scratch_types=[
        pltpu.VMEM((NCHUNK, C), jnp.int32),
        pltpu.VMEM((NBUF, C, HIDDEN), jnp.float32),
        pltpu.VMEM((MAX_POS, HIDDEN), jnp.float32),
        [pltpu.SemaphoreType.DMA] * NBUF,
        [pltpu.SemaphoreType.DMA] * NBUF,
    ],
)
def _embed(ids_hbm, tok_hbm, pos_hbm, out_hbm, idx_v, rows_v, pos_v,
           g_sems, s_sems):
    wid = lax.axis_index("s") * NC + lax.axis_index("c")
    base = wid * B_W
    pltpu.sync_copy(ids_hbm.at[pl.ds(wid * NCHUNK, NCHUNK)], idx_v)
    pltpu.sync_copy(pos_hbm, pos_v)

    def start_gather(ci, b):
        pltpu.async_copy(tok_hbm.at[idx_v.at[ci]], rows_v.at[b], g_sems[b])

    def wait_gather(b):
        pltpu.make_async_copy(tok_hbm.at[idx_v.at[0]], rows_v.at[b],
                              g_sems[b]).wait()

    def start_store(ci, b):
        pltpu.async_copy(rows_v.at[b], out_hbm.at[pl.ds(base + ci * C, C)],
                         s_sems[b])

    def wait_store(b):
        pltpu.make_async_copy(rows_v.at[b], out_hbm.at[pl.ds(base, C)],
                              s_sems[b]).wait()

    def add_pos(b):
        buf = rows_v.at[b]

        def pos_body(j, carry):
            p = [pos_v[j, pl.ds(l * LANES, LANES)] for l in range(NLG)]
            for rep in range(C // MAX_POS):
                r = rep * MAX_POS + j
                for l in range(NLG):
                    sl = pl.ds(l * LANES, LANES)
                    plsc.addupdate(buf.at[r, sl], p[l])
            return carry

        lax.fori_loop(0, MAX_POS, pos_body, 0)

    for b in range(NBUF - 1):
        start_gather(b, b)

    def process(ci, b):
        wait_gather(b)
        add_pos(b)
        start_store(ci, b)
        nb = (b + NBUF - 1) % NBUF
        nci = ci + NBUF - 1

        def prefetch():
            wait_store(nb)
            start_gather(nci, nb)

        if isinstance(nci, int):
            if nci < NCHUNK:
                prefetch()
        else:
            pl.when(nci < NCHUNK)(prefetch)

    wait_gather(0)
    add_pos(0)
    start_store(0, 0)
    start_gather(NBUF - 1, NBUF - 1)
    for b in range(1, NBUF):
        process(b, b)

    def outer(o, carry):
        for b in range(NBUF):
            process(o * NBUF + b, b)
        return carry

    lax.fori_loop(1, NCHUNK // NBUF, outer, 0)

    for b in range(NBUF):
        wait_store(b)


def kernel(input_ids, token_table, position_table):
    ids_chunked = input_ids.reshape(N // C, C).astype(jnp.int32)
    out = _embed(ids_chunked, token_table, position_table)
    return out.reshape(BATCH, SEQ, HIDDEN)

# --- scband reference (transcript-rebuilt; emitter-appended) ---
"""Pipeline reference for scband-siglip-text-embeddings-49572512530636 (READ-ONLY COPY).

The authoritative reference and input builder live on the scoring server;
editing this copy changes nothing except your own understanding.
"""

import jax, jax.numpy as jnp
import numpy as np

VOCAB = 100000
HIDDEN = 128
MAX_POS = 64
BATCH = 4096
SEQ = 64


def setup_inputs(seed: int = 0) -> dict:
    key = jax.random.key(seed)
    k1, k2, k3 = jax.random.split(key, 3)
    input_ids = jax.random.randint(k1, (BATCH, SEQ), 0, VOCAB, dtype=jnp.int64 if jax.config.jax_enable_x64 else jnp.int32)
    token_table = jax.random.normal(k2, (VOCAB, HIDDEN), dtype=jnp.float32) * 0.02
    position_table = jax.random.normal(k3, (MAX_POS, HIDDEN), dtype=jnp.float32) * 0.02
    return {"input_ids": input_ids, "token_table": token_table, "position_table": position_table}


def reference(input_ids, token_table, position_table):
    # Faithful translation of SiglipTextEmbeddings.forward
    if input_ids.ndim == 1:
        input_ids = input_ids[None, :]
    seq_length = input_ids.shape[1]
    max_position_embeddings = position_table.shape[0]
    if seq_length > max_position_embeddings:
        input_ids = input_ids[:, :max_position_embeddings]
        seq_length = max_position_embeddings
    position_ids = jnp.arange(seq_length)[None, :]
    token_embeds = jnp.take(token_table, input_ids, axis=0)
    position_embeds = jnp.take(position_table, position_ids, axis=0)
    embeddings = token_embeds + position_embeds
    return embeddings

if __name__ == "__main__":
    import jax
    _d = setup_inputs()
    print(jax.jit(kernel)(*tuple(_d.values())))

</pallas_src>

<mosaic_0001>
#map = affine_map<(d0, d1) -> (0, 0)>
module attributes {stable_mosaic.version = 14 : i64} {
  func.func @_embed(%arg0: i32, %arg1: i32, %arg2: memref<2048x128xi32, #tpu.memory_space<hbm>>, %arg3: memref<100000x128xf32, #tpu.memory_space<hbm>>, %arg4: memref<64x128xf32, #tpu.memory_space<hbm>>, %arg5: memref<262144x128xf32, #tpu.memory_space<hbm>>, %arg6: memref<64x128xi32, #tpu.memory_space<vmem>>, %arg7: memref<4x128x128xf32, #tpu.memory_space<vmem>>, %arg8: memref<64x128xf32, #tpu.memory_space<vmem>>, %arg9: memref<!tpu.dma_semaphore, #tpu.memory_space<semaphore_mem>>, %arg10: memref<!tpu.dma_semaphore, #tpu.memory_space<semaphore_mem>>, %arg11: memref<!tpu.dma_semaphore, #tpu.memory_space<semaphore_mem>>, %arg12: memref<!tpu.dma_semaphore, #tpu.memory_space<semaphore_mem>>, %arg13: memref<!tpu.dma_semaphore, #tpu.memory_space<semaphore_mem>>, %arg14: memref<!tpu.dma_semaphore, #tpu.memory_space<semaphore_mem>>, %arg15: memref<!tpu.dma_semaphore, #tpu.memory_space<semaphore_mem>>, %arg16: memref<!tpu.dma_semaphore, #tpu.memory_space<semaphore_mem>>) attributes {dimension_semantics = [#tpu.dimension_semantics<core_parallel>, #tpu.dimension_semantics<subcore_parallel>], iteration_bounds = array<i64: 2, 16>, scalar_prefetch = 0 : i64, scratch_operands = 11 : i64, tpu.core_type = #tpu.core_type<sc_vector_subcore>, window_params = [{transform_indices = #map}, {transform_indices = #map}, {transform_indices = #map}, {transform_indices = #map}]} {
    %mul3A = arith.constant 2 : i32
    %mul3A_0 = arith.muli %arg1, %mul3A : i32
    %add3A = arith.addi %mul3A_0, %arg0 : i32
    %mul3A_1 = arith.constant 8192 : i32
    %mul3A_2 = arith.muli %add3A, %mul3A_1 : i32
    %mul3A_3 = arith.constant 64 : i32
    %mul3A_4 = arith.muli %add3A, %mul3A_3 : i32
    "tpu.region"() ({
      %run_scoped3A = tpu.sem_alloc : memref<!tpu.dma_semaphore, #tpu.memory_space<semaphore_mem>>
      %dma_start3A_319 = arith.constant 0 : i32
      %dma_start3A_320 = tpu.memref_slice %arg2[%mul3A_4, %dma_start3A_319] : memref<2048x128xi32, #tpu.memory_space<hbm>> -> memref<64x128xi32, #tpu.memory_space<hbm>>
      %dma_start3A_321 = arith.constant 0 : i32
      %dma_start3A_322 = tpu.memref_slice %arg2[%mul3A_4, %dma_start3A_321] : memref<2048x128xi32, #tpu.memory_space<hbm>> -> memref<64x128xi32, #tpu.memory_space<hbm>>
      tpu.enqueue_dma source(%dma_start3A_322 : memref<64x128xi32, #tpu.memory_space<hbm>>) target(%arg6 : memref<64x128xi32, #tpu.memory_space<vmem>>) target_semaphore(%run_scoped3A : memref<!tpu.dma_semaphore, #tpu.memory_space<semaphore_mem>>)
      %dma_wait3A_323 = arith.constant 0 : i32
      %dma_wait3A_324 = tpu.memref_slice %arg2[%mul3A_4, %dma_wait3A_323] : memref<2048x128xi32, #tpu.memory_space<hbm>> -> memref<64x128xi32, #tpu.memory_space<hbm>>
      %dma_wait3A_325 = arith.constant 0 : i32
      %dma_wait3A_326 = tpu.memref_slice %arg2[%mul3A_4, %dma_wait3A_325] : memref<2048x128xi32, #tpu.memory_space<hbm>> -> memref<64x128xi32, #tpu.memory_space<hbm>>
      tpu.wait_dma2 semaphore(%run_scoped3A : memref<!tpu.dma_semaphore, #tpu.memory_space<semaphore_mem>>) src(%dma_wait3A_326 : memref<64x128xi32, #tpu.memory_space<hbm>>) dst(%arg6 : memref<64x128xi32, #tpu.memory_space<vmem>>)
      tpu.yield
    }) : () -> ()
    "tpu.region"() ({
      %run_scoped3A = tpu.sem_alloc : memref<!tpu.dma_semaphore, #tpu.memory_space<semaphore_mem>>
      tpu.enqueue_dma source(%arg4 : memref<64x128xf32, #tpu.memory_space<hbm>>) target(%arg8 : memref<64x128xf32, #tpu.memory_space<vmem>>) target_semaphore(%run_scoped3A : memref<!tpu.dma_semaphore, #tpu.memory_space<semaphore_mem>>)
      tpu.wait_dma2 semaphore(%run_scoped3A : memref<!tpu.dma_semaphore, #tpu.memory_space<semaphore_mem>>) src(%arg4 : memref<64x128xf32, #tpu.memory_space<hbm>>) dst(%arg8 : memref<64x128xf32, #tpu.memory_space<vmem>>)
      tpu.yield
    }) : () -> ()
    %dma_start3A = arith.constant 0 : i32
    %dma_start3A_5 = arith.constant 0 : i32
    %dma_start3A_6 = arith.constant 0 : i32
    %dma_start3A_7 = arith.constant 0 : i32
    %dma_start3A_8 = tpu.memref_slice %arg7[%dma_start3A_5, %dma_start3A_6, %dma_start3A_7] : memref<4x128x128xf32, #tpu.memory_space<vmem>> -> memref<1x128x128xf32, #tpu.memory_space<vmem>>
    %dma_start3A_9 = tpu.memref_squeeze %dma_start3A_8 : memref<1x128x128xf32, #tpu.memory_space<vmem>> -> memref<128x128xf32, #tpu.memory_space<vmem>>
    %dma_start3A_10 = arith.constant 0 : i32
    %dma_start3A_11 = tpu.memref_slice %arg6[%dma_start3A, %dma_start3A_10] : memref<64x128xi32, #tpu.memory_space<vmem>> -> memref<1x128xi32, #tpu.memory_space<vmem>>
    %dma_start3A_12 = tpu.memref_squeeze %dma_start3A_11 : memref<1x128xi32, #tpu.memory_space<vmem>> -> memref<128xi32, #tpu.memory_space<vmem>>
    %dma_start3A_13 = arith.constant 0 : i32
    %dma_start3A_14 = arith.constant 0 : i32
    %dma_start3A_15 = tpu.memref_slice %arg3[%dma_start3A_13, %dma_start3A_14] : memref<100000x128xf32, #tpu.memory_space<hbm>> -> memref<100000x128xf32, #tpu.memory_space<hbm>>
    tpu.enqueue_indirect_dma source(%dma_start3A_15 : memref<100000x128xf32, #tpu.memory_space<hbm>>) target(%dma_start3A_9 : memref<128x128xf32, #tpu.memory_space<vmem>>) offsets(%dma_start3A_12 : memref<128xi32, #tpu.memory_space<vmem>>) semaphore(%arg9 : memref<!tpu.dma_semaphore, #tpu.memory_space<semaphore_mem>>)
    %dma_start3A_16 = arith.constant 1 : i32
    %dma_start3A_17 = arith.constant 1 : i32
    %dma_start3A_18 = arith.constant 0 : i32
    %dma_start3A_19 = arith.constant 0 : i32
    %dma_start3A_20 = tpu.memref_slice %arg7[%dma_start3A_17, %dma_start3A_18, %dma_start3A_19] : memref<4x128x128xf32, #tpu.memory_space<vmem>> -> memref<1x128x128xf32, #tpu.memory_space<vmem>>
    %dma_start3A_21 = tpu.memref_squeeze %dma_start3A_20 : memref<1x128x128xf32, #tpu.memory_space<vmem>> -> memref<128x128xf32, #tpu.memory_space<vmem>>
    %dma_start3A_22 = arith.constant 0 : i32
    %dma_start3A_23 = tpu.memref_slice %arg6[%dma_start3A_16, %dma_start3A_22] : memref<64x128xi32, #tpu.memory_space<vmem>> -> memref<1x128xi32, #tpu.memory_space<vmem>>
    %dma_start3A_24 = tpu.memref_squeeze %dma_start3A_23 : memref<1x128xi32, #tpu.memory_space<vmem>> -> memref<128xi32, #tpu.memory_space<vmem>>
    %dma_start3A_25 = arith.constant 0 : i32
    %dma_start3A_26 = arith.constant 0 : i32
    %dma_start3A_27 = tpu.memref_slice %arg3[%dma_start3A_25, %dma_start3A_26] : memref<100000x128xf32, #tpu.memory_space<hbm>> -> memref<100000x128xf32, #tpu.memory_space<hbm>>
    tpu.enqueue_indirect_dma source(%dma_start3A_27 : memref<100000x128xf32, #tpu.memory_space<hbm>>) target(%dma_start3A_21 : memref<128x128xf32, #tpu.memory_space<vmem>>) offsets(%dma_start3A_24 : memref<128xi32, #tpu.memory_space<vmem>>) semaphore(%arg10 : memref<!tpu.dma_semaphore, #tpu.memory_space<semaphore_mem>>)
    %dma_start3A_28 = arith.constant 2 : i32
    %dma_start3A_29 = arith.constant 2 : i32
    %dma_start3A_30 = arith.constant 0 : i32
    %dma_start3A_31 = arith.constant 0 : i32
    %dma_start3A_32 = tpu.memref_slice %arg7[%dma_start3A_29, %dma_start3A_30, %dma_start3A_31] : memref<4x128x128xf32, #tpu.memory_space<vmem>> -> memref<1x128x128xf32, #tpu.memory_space<vmem>>
    %dma_start3A_33 = tpu.memref_squeeze %dma_start3A_32 : memref<1x128x128xf32, #tpu.memory_space<vmem>> -> memref<128x128xf32, #tpu.memory_space<vmem>>
    %dma_start3A_34 = arith.constant 0 : i32
    %dma_start3A_35 = tpu.memref_slice %arg6[%dma_start3A_28, %dma_start3A_34] : memref<64x128xi32, #tpu.memory_space<vmem>> -> memref<1x128xi32, #tpu.memory_space<vmem>>
    %dma_start3A_36 = tpu.memref_squeeze %dma_start3A_35 : memref<1x128xi32, #tpu.memory_space<vmem>> -> memref<128xi32, #tpu.memory_space<vmem>>
    %dma_start3A_37 = arith.constant 0 : i32
    %dma_start3A_38 = arith.constant 0 : i32
    %dma_start3A_39 = tpu.memref_slice %arg3[%dma_start3A_37, %dma_start3A_38] : memref<100000x128xf32, #tpu.memory_space<hbm>> -> memref<100000x128xf32, #tpu.memory_space<hbm>>
    tpu.enqueue_indirect_dma source(%dma_start3A_39 : memref<100000x128xf32, #tpu.memory_space<hbm>>) target(%dma_start3A_33 : memref<128x128xf32, #tpu.memory_space<vmem>>) offsets(%dma_start3A_36 : memref<128xi32, #tpu.memory_space<vmem>>) semaphore(%arg11 : memref<!tpu.dma_semaphore, #tpu.memory_space<semaphore_mem>>)
    %dma_wait3A = arith.constant 0 : i32
    %dma_wait3A_40 = arith.constant 0 : i32
    %dma_wait3A_41 = arith.constant 0 : i32
    %dma_wait3A_42 = arith.constant 0 : i32
    %dma_wait3A_43 = tpu.memref_slice %arg7[%dma_wait3A_40, %dma_wait3A_41, %dma_wait3A_42] : memref<4x128x128xf32, #tpu.memory_space<vmem>> -> memref<1x128x128xf32, #tpu.memory_space<vmem>>
    %dma_wait3A_44 = tpu.memref_squeeze %dma_wait3A_43 : memref<1x128x128xf32, #tpu.memory_space<vmem>> -> memref<128x128xf32, #tpu.memory_space<vmem>>
    %dma_wait3A_45 = arith.constant 0 : i32
    %dma_wait3A_46 = tpu.memref_slice %arg6[%dma_wait3A, %dma_wait3A_45] : memref<64x128xi32, #tpu.memory_space<vmem>> -> memref<1x128xi32, #tpu.memory_space<vmem>>
    %dma_wait3A_47 = tpu.memref_squeeze %dma_wait3A_46 : memref<1x128xi32, #tpu.memory_space<vmem>> -> memref<128xi32, #tpu.memory_space<vmem>>
    %dma_wait3A_48 = arith.constant 0 : i32
    %dma_wait3A_49 = arith.constant 0 : i32
    %dma_wait3A_50 = tpu.memref_slice %arg3[%dma_wait3A_48, %dma_wait3A_49] : memref<100000x128xf32, #tpu.memory_space<hbm>> -> memref<100000x128xf32, #tpu.memory_space<hbm>>
    tpu.wait_indirect_dma semaphore(%arg9 : memref<!tpu.dma_semaphore, #tpu.memory_space<semaphore_mem>>) src(%dma_wait3A_50 : memref<100000x128xf32, #tpu.memory_space<hbm>>) dst(%dma_wait3A_44 : memref<128x128xf32, #tpu.memory_space<vmem>>)
    %scan3A = arith.constant 0 : i32
    %scan3A_51 = arith.constant 0 : i32
    %scan3A_52 = arith.constant 0 : i32
    %scan3A_53 = arith.constant 64 : i32
    %scan3A_54 = arith.addi %scan3A_52, %scan3A_53 : i32
    %scan3A_55 = arith.constant 1 : i32
    scf.for %scan3A_319 = %scan3A_52 to %scan3A_54 step %scan3A_55  : i32 {
      %get3A = arith.index_cast %scan3A_319 : i32 to index
      %get3A_320 = arith.constant 0 : index
      %get3A_321 = tpu.vector_load %arg8[%get3A, %get3A_320] {strides = array<i32>} : memref<64x128xf32, #tpu.memory_space<vmem>>, vector<1x16xf32>,
      %get3A_322 = vector.shape_cast %get3A_321 : vector<1x16xf32> to vector<16xf32>
      %get3A_323 = arith.index_cast %scan3A_319 : i32 to index
      %get3A_324 = arith.constant 16 : index
      %get3A_325 = tpu.vector_load %arg8[%get3A_323, %get3A_324] {strides = array<i32>} : memref<64x128xf32, #tpu.memory_space<vmem>>, vector<1x16xf32>,
      %get3A_326 = vector.shape_cast %get3A_325 : vector<1x16xf32> to vector<16xf32>
      %get3A_327 = arith.index_cast %scan3A_319 : i32 to index
      %get3A_328 = arith.constant 32 : index
      %get3A_329 = tpu.vector_load %arg8[%get3A_327, %get3A_328] {strides = array<i32>} : memref<64x128xf32, #tpu.memory_space<vmem>>, vector<1x16xf32>,
      %get3A_330 = vector.shape_cast %get3A_329 : vector<1x16xf32> to vector<16xf32>
      %get3A_331 = arith.index_cast %scan3A_319 : i32 to index
      %get3A_332 = arith.constant 48 : index
      %get3A_333 = tpu.vector_load %arg8[%get3A_331, %get3A_332] {strides = array<i32>} : memref<64x128xf32, #tpu.memory_space<vmem>>, vector<1x16xf32>,
      %get3A_334 = vector.shape_cast %get3A_333 : vector<1x16xf32> to vector<16xf32>
      %get3A_335 = arith.index_cast %scan3A_319 : i32 to index
      %get3A_336 = arith.constant 64 : index
      %get3A_337 = tpu.vector_load %arg8[%get3A_335, %get3A_336] {strides = array<i32>} : memref<64x128xf32, #tpu.memory_space<vmem>>, vector<1x16xf32>,
      %get3A_338 = vector.shape_cast %get3A_337 : vector<1x16xf32> to vector<16xf32>
      %get3A_339 = arith.index_cast %scan3A_319 : i32 to index
      %get3A_340 = arith.constant 80 : index
      %get3A_341 = tpu.vector_load %arg8[%get3A_339, %get3A_340] {strides = array<i32>} : memref<64x128xf32, #tpu.memory_space<vmem>>, vector<1x16xf32>,
      %get3A_342 = vector.shape_cast %get3A_341 : vector<1x16xf32> to vector<16xf32>
      %get3A_343 = arith.index_cast %scan3A_319 : i32 to index
      %get3A_344 = arith.constant 96 : index
      %get3A_345 = tpu.vector_load %arg8[%get3A_343, %get3A_344] {strides = array<i32>} : memref<64x128xf32, #tpu.memory_space<vmem>>, vector<1x16xf32>,
      %get3A_346 = vector.shape_cast %get3A_345 : vector<1x16xf32> to vector<16xf32>
      %get3A_347 = arith.index_cast %scan3A_319 : i32 to index
      %get3A_348 = arith.constant 112 : index
      %get3A_349 = tpu.vector_load %arg8[%get3A_347, %get3A_348] {strides = array<i32>} : memref<64x128xf32, #tpu.memory_space<vmem>>, vector<1x16xf32>,
      %get3A_350 = vector.shape_cast %get3A_349 : vector<1x16xf32> to vector<16xf32>
      %add3A_351 = arith.constant 0 : i32
      %add3A_352 = arith.addi %add3A_351, %scan3A_319 : i32
      %swap3A = arith.constant 0 : i32
      %swap3A_353 = arith.constant 0 : i32
      %swap3A_354 = tpu.memref_slice %arg7[%scan3A_51, %swap3A, %swap3A_353] : memref<4x128x128xf32, #tpu.memory_space<vmem>> -> memref<1x128x128xf32, #tpu.memory_space<vmem>>
      %swap3A_355 = tpu.memref_squeeze %swap3A_354 : memref<1x128x128xf32, #tpu.memory_space<vmem>> -> memref<128x128xf32, #tpu.memory_space<vmem>>
      %swap3A_356 = arith.index_cast %add3A_352 : i32 to index
      %swap3A_357 = arith.constant 0 : index
      %swap3A_358 = tpu.vector_load %swap3A_355[%swap3A_356, %swap3A_357] {strides = array<i32>} : memref<128x128xf32, #tpu.memory_space<vmem>>, vector<1x16xf32>,
      %swap3A_359 = vector.shape_cast %swap3A_358 : vector<1x16xf32> to vector<16xf32>
      %swap3A_360 = vector.shape_cast %get3A_322 : vector<16xf32> to vector<1x16xf32>
      tpu.vector_store %swap3A_355[%swap3A_356, %swap3A_357], %swap3A_360 {add = true, strides = array<i32>} : memref<128x128xf32, #tpu.memory_space<vmem>>, vector<1x16xf32>,
      %swap3A_361 = arith.constant 0 : i32
      %swap3A_362 = arith.constant 0 : i32
      %swap3A_363 = tpu.memref_slice %arg7[%scan3A_51, %swap3A_361, %swap3A_362] : memref<4x128x128xf32, #tpu.memory_space<vmem>> -> memref<1x128x128xf32, #tpu.memory_space<vmem>>
      %swap3A_364 = tpu.memref_squeeze %swap3A_363 : memref<1x128x128xf32, #tpu.memory_space<vmem>> -> memref<128x128xf32, #tpu.memory_space<vmem>>
      %swap3A_365 = arith.index_cast %add3A_352 : i32 to index
      %swap3A_366 = arith.constant 16 : index
      %swap3A_367 = tpu.vector_load %swap3A_364[%swap3A_365, %swap3A_366] {strides = array<i32>} : memref<128x128xf32, #tpu.memory_space<vmem>>, vector<1x16xf32>,
      %swap3A_368 = vector.shape_cast %swap3A_367 : vector<1x16xf32> to vector<16xf32>
      %swap3A_369 = vector.shape_cast %get3A_326 : vector<16xf32> to vector<1x16xf32>
      tpu.vector_store %swap3A_364[%swap3A_365, %swap3A_366], %swap3A_369 {add = true, strides = array<i32>} : memref<128x128xf32, #tpu.memory_space<vmem>>, vector<1x16xf32>,
      %swap3A_370 = arith.constant 0 : i32
      %swap3A_371 = arith.constant 0 : i32
      %swap3A_372 = tpu.memref_slice %arg7[%scan3A_51, %swap3A_370, %swap3A_371] : memref<4x128x128xf32, #tpu.memory_space<vmem>> -> memref<1x128x128xf32, #tpu.memory_space<vmem>>
      %swap3A_373 = tpu.memref_squeeze %swap3A_372 : memref<1x128x128xf32, #tpu.memory_space<vmem>> -> memref<128x128xf32, #tpu.memory_space<vmem>>
      %swap3A_374 = arith.index_cast %add3A_352 : i32 to index
      %swap3A_375 = arith.constant 32 : index
      %swap3A_376 = tpu.vector_load %swap3A_373[%swap3A_374, %swap3A_375] {strides = array<i32>} : memref<128x128xf32, #tpu.memory_space<vmem>>, vector<1x16xf32>,
      %swap3A_377 = vector.shape_cast %swap3A_376 : vector<1x16xf32> to vector<16xf32>
      %swap3A_378 = vector.shape_cast %get3A_330 : vector<16xf32> to vector<1x16xf32>
      tpu.vector_store %swap3A_373[%swap3A_374, %swap3A_375], %swap3A_378 {add = true, strides = array<i32>} : memref<128x128xf32, #tpu.memory_space<vmem>>, vector<1x16xf32>,
      %swap3A_379 = arith.constant 0 : i32
      %swap3A_380 = arith.constant 0 : i32
      %swap3A_381 = tpu.memref_slice %arg7[%scan3A_51, %swap3A_379, %swap3A_380] : memref<4x128x128xf32, #tpu.memory_space<vmem>> -> memref<1x128x128xf32, #tpu.memory_space<vmem>>
      %swap3A_382 = tpu.memref_squeeze %swap3A_381 : memref<1x128x128xf32, #tpu.memory_space<vmem>> -> memref<128x128xf32, #tpu.memory_space<vmem>>
      %swap3A_383 = arith.index_cast %add3A_352 : i32 to index
      %swap3A_384 = arith.constant 48 : index
      %swap3A_385 = tpu.vector_load %swap3A_382[%swap3A_383, %swap3A_384] {strides = array<i32>} : memref<128x128xf32, #tpu.memory_space<vmem>>, vector<1x16xf32>,
      %swap3A_386 = vector.shape_cast %swap3A_385 : vector<1x16xf32> to vector<16xf32>
      %swap3A_387 = vector.shape_cast %get3A_334 : vector<16xf32> to vector<1x16xf32>
      tpu.vector_store %swap3A_382[%swap3A_383, %swap3A_384], %swap3A_387 {add = true, strides = array<i32>} : memref<128x128xf32, #tpu.memory_space<vmem>>, vector<1x16xf32>,
      %swap3A_388 = arith.constant 0 : i32
      %swap3A_389 = arith.constant 0 : i32
      %swap3A_390 = tpu.memref_slice %arg7[%scan3A_51, %swap3A_388, %swap3A_389] : memref<4x128x128xf32, #tpu.memory_space<vmem>> -> memref<1x128x128xf32, #tpu.memory_space<vmem>>
      %swap3A_391 = tpu.memref_squeeze %swap3A_390 : memref<1x128x128xf32, #tpu.memory_space<vmem>> -> memref<128x128xf32, #tpu.memory_space<vmem>>
      %swap3A_392 = arith.index_cast %add3A_352 : i32 to index
      %swap3A_393 = arith.constant 64 : index
      %swap3A_394 = tpu.vector_load %swap3A_391[%swap3A_392, %swap3A_393] {strides = array<i32>} : memref<128x128xf32, #tpu.memory_space<vmem>>, vector<1x16xf32>,
      %swap3A_395 = vector.shape_cast %swap3A_394 : vector<1x16xf32> to vector<16xf32>
      %swap3A_396 = vector.shape_cast %get3A_338 : vector<16xf32> to vector<1x16xf32>
      tpu.vector_store %swap3A_391[%swap3A_392, %swap3A_393], %swap3A_396 {add = true, strides = array<i32>} : memref<128x128xf32, #tpu.memory_space<vmem>>, vector<1x16xf32>,
      %swap3A_397 = arith.constant 0 : i32
      %swap3A_398 = arith.constant 0 : i32
      %swap3A_399 = tpu.memref_slice %arg7[%scan3A_51, %swap3A_397, %swap3A_398] : memref<4x128x128xf32, #tpu.memory_space<vmem>> -> memref<1x128x128xf32, #tpu.memory_space<vmem>>
      %swap3A_400 = tpu.memref_squeeze %swap3A_399 : memref<1x128x128xf32, #tpu.memory_space<vmem>> -> memref<128x128xf32, #tpu.memory_space<vmem>>
      %swap3A_401 = arith.index_cast %add3A_352 : i32 to index
      %swap3A_402 = arith.constant 80 : index
      %swap3A_403 = tpu.vector_load %swap3A_400[%swap3A_401, %swap3A_402] {strides = array<i32>} : memref<128x128xf32, #tpu.memory_space<vmem>>, vector<1x16xf32>,
      %swap3A_404 = vector.shape_cast %swap3A_403 : vector<1x16xf32> to vector<16xf32>
      %swap3A_405 = vector.shape_cast %get3A_342 : vector<16xf32> to vector<1x16xf32>
      tpu.vector_store %swap3A_400[%swap3A_401, %swap3A_402], %swap3A_405 {add = true, strides = array<i32>} : memref<128x128xf32, #tpu.memory_space<vmem>>, vector<1x16xf32>,
      %swap3A_406 = arith.constant 0 : i32
      %swap3A_407 = arith.constant 0 : i32
      %swap3A_408 = tpu.memref_slice %arg7[%scan3A_51, %swap3A_406, %swap3A_407] : memref<4x128x128xf32, #tpu.memory_space<vmem>> -> memref<1x128x128xf32, #tpu.memory_space<vmem>>
      %swap3A_409 = tpu.memref_squeeze %swap3A_408 : memref<1x128x128xf32, #tpu.memory_space<vmem>> -> memref<128x128xf32, #tpu.memory_space<vmem>>
      %swap3A_410 = arith.index_cast %add3A_352 : i32 to index
      %swap3A_411 = arith.constant 96 : index
      %swap3A_412 = tpu.vector_load %swap3A_409[%swap3A_410, %swap3A_411] {strides = array<i32>} : memref<128x128xf32, #tpu.memory_space<vmem>>, vector<1x16xf32>,
      %swap3A_413 = vector.shape_cast %swap3A_412 : vector<1x16xf32> to vector<16xf32>
      %swap3A_414 = vector.shape_cast %get3A_346 : vector<16xf32> to vector<1x16xf32>
      tpu.vector_store %swap3A_409[%swap3A_410, %swap3A_411], %swap3A_414 {add = true, strides = array<i32>} : memref<128x128xf32, #tpu.memory_space<vmem>>, vector<1x16xf32>,
      %swap3A_415 = arith.constant 0 : i32
      %swap3A_416 = arith.constant 0 : i32
      %swap3A_417 = tpu.memref_slice %arg7[%scan3A_51, %swap3A_415, %swap3A_416] : memref<4x128x128xf32, #tpu.memory_space<vmem>> -> memref<1x128x128xf32, #tpu.memory_space<vmem>>
      %swap3A_418 = tpu.memref_squeeze %swap3A_417 : memref<1x128x128xf32, #tpu.memory_space<vmem>> -> memref<128x128xf32, #tpu.memory_space<vmem>>
      %swap3A_419 = arith.index_cast %add3A_352 : i32 to index
      %swap3A_420 = arith.constant 112 : index
      %swap3A_421 = tpu.vector_load %swap3A_418[%swap3A_419, %swap3A_420] {strides = array<i32>} : memref<128x128xf32, #tpu.memory_space<vmem>>, vector<1x16xf32>,
      %swap3A_422 = vector.shape_cast %swap3A_421 : vector<1x16xf32> to vector<16xf32>
      %swap3A_423 = vector.shape_cast %get3A_350 : vector<16xf32> to vector<1x16xf32>
      tpu.vector_store %swap3A_418[%swap3A_419, %swap3A_420], %swap3A_423 {add = true, strides = array<i32>} : memref<128x128xf32, #tpu.memory_space<vmem>>, vector<1x16xf32>,
      %add3A_424 = arith.constant 64 : i32
      %add3A_425 = arith.addi %add3A_424, %scan3A_319 : i32
      %swap3A_426 = arith.constant 0 : i32
      %swap3A_427 = arith.constant 0 : i32
      %swap3A_428 = tpu.memref_slice %arg7[%scan3A_51, %swap3A_426, %swap3A_427] : memref<4x128x128xf32, #tpu.memory_space<vmem>> -> memref<1x128x128xf32, #tpu.memory_space<vmem>>
      %swap3A_429 = tpu.memref_squeeze %swap3A_428 : memref<1x128x128xf32, #tpu.memory_space<vmem>> -> memref<128x128xf32, #tpu.memory_space<vmem>>
      %swap3A_430 = arith.index_cast %add3A_425 : i32 to index
      %swap3A_431 = arith.constant 0 : index
      %swap3A_432 = tpu.vector_load %swap3A_429[%swap3A_430, %swap3A_431] {strides = array<i32>} : memref<128x128xf32, #tpu.memory_space<vmem>>, vector<1x16xf32>,
      %swap3A_433 = vector.shape_cast %swap3A_432 : vector<1x16xf32> to vector<16xf32>
      %swap3A_434 = vector.shape_cast %get3A_322 : vector<16xf32> to vector<1x16xf32>
      tpu.vector_store %swap3A_429[%swap3A_430, %swap3A_431], %swap3A_434 {add = true, strides = array<i32>} : memref<128x128xf32, #tpu.memory_space<vmem>>, vector<1x16xf32>,
      %swap3A_435 = arith.constant 0 : i32
      %swap3A_436 = arith.constant 0 : i32
      %swap3A_437 = tpu.memref_slice %arg7[%scan3A_51, %swap3A_435, %swap3A_436] : memref<4x128x128xf32, #tpu.memory_space<vmem>> -> memref<1x128x128xf32, #tpu.memory_space<vmem>>
      %swap3A_438 = tpu.memref_squeeze %swap3A_437 : memref<1x128x128xf32, #tpu.memory_space<vmem>> -> memref<128x128xf32, #tpu.memory_space<vmem>>
      %swap3A_439 = arith.index_cast %add3A_425 : i32 to index
      %swap3A_440 = arith.constant 16 : index
      %swap3A_441 = tpu.vector_load %swap3A_438[%swap3A_439, %swap3A_440] {strides = array<i32>} : memref<128x128xf32, #tpu.memory_space<vmem>>, vector<1x16xf32>,
      %swap3A_442 = vector.shape_cast %swap3A_441 : vector<1x16xf32> to vector<16xf32>
      %swap3A_443 = vector.shape_cast %get3A_326 : vector<16xf32> to vector<1x16xf32>
      tpu.vector_store %swap3A_438[%swap3A_439, %swap3A_440], %swap3A_443 {add = true, strides = array<i32>} : memref<128x128xf32, #tpu.memory_space<vmem>>, vector<1x16xf32>,
      %swap3A_444 = arith.constant 0 : i32
      %swap3A_445 = arith.constant 0 : i32
      %swap3A_446 = tpu.memref_slice %arg7[%scan3A_51, %swap3A_444, %swap3A_445] : memref<4x128x128xf32, #tpu.memory_space<vmem>> -> memref<1x128x128xf32, #tpu.memory_space<vmem>>
      %swap3A_447 = tpu.memref_squeeze %swap3A_446 : memref<1x128x128xf32, #tpu.memory_space<vmem>> -> memref<128x128xf32, #tpu.memory_space<vmem>>
      %swap3A_448 = arith.index_cast %add3A_425 : i32 to index
      %swap3A_449 = arith.constant 32 : index
      %swap3A_450 = tpu.vector_load %swap3A_447[%swap3A_448, %swap3A_449] {strides = array<i32>} : memref<128x128xf32, #tpu.memory_space<vmem>>, vector<1x16xf32>,
      %swap3A_451 = vector.shape_cast %swap3A_450 : vector<1x16xf32> to vector<16xf32>
      %swap3A_452 = vector.shape_cast %get3A_330 : vector<16xf32> to vector<1x16xf32>
      tpu.vector_store %swap3A_447[%swap3A_448, %swap3A_449], %swap3A_452 {add = true, strides = array<i32>} : memref<128x128xf32, #tpu.memory_space<vmem>>, vector<1x16xf32>,
      %swap3A_453 = arith.constant 0 : i32
      %swap3A_454 = arith.constant 0 : i32
      %swap3A_455 = tpu.memref_slice %arg7[%scan3A_51, %swap3A_453, %swap3A_454] : memref<4x128x128xf32, #tpu.memory_space<vmem>> -> memref<1x128x128xf32, #tpu.memory_space<vmem>>
      %swap3A_456 = tpu.memref_squeeze %swap3A_455 : memref<1x128x128xf32, #tpu.memory_space<vmem>> -> memref<128x128xf32, #tpu.memory_space<vmem>>
      %swap3A_457 = arith.index_cast %add3A_425 : i32 to index
      %swap3A_458 = arith.constant 48 : index
      %swap3A_459 = tpu.vector_load %swap3A_456[%swap3A_457, %swap3A_458] {strides = array<i32>} : memref<128x128xf32, #tpu.memory_space<vmem>>, vector<1x16xf32>,
      %swap3A_460 = vector.shape_cast %swap3A_459 : vector<1x16xf32> to vector<16xf32>
      %swap3A_461 = vector.shape_cast %get3A_334 : vector<16xf32> to vector<1x16xf32>
      tpu.vector_store %swap3A_456[%swap3A_457, %swap3A_458], %swap3A_461 {add = true, strides = array<i32>} : memref<128x128xf32, #tpu.memory_space<vmem>>, vector<1x16xf32>,
      %swap3A_462 = arith.constant 0 : i32
      %swap3A_463 = arith.constant 0 : i32
      %swap3A_464 = tpu.memref_slice %arg7[%scan3A_51, %swap3A_462, %swap3A_463] : memref<4x128x128xf32, #tpu.memory_space<vmem>> -> memref<1x128x128xf32, #tpu.memory_space<vmem>>
      %swap3A_465 = tpu.memref_squeeze %swap3A_464 : memref<1x128x128xf32, #tpu.memory_space<vmem>> -> memref<128x128xf32, #tpu.memory_space<vmem>>
      %swap3A_466 = arith.index_cast %add3A_425 : i32 to index
      %swap3A_467 = arith.constant 64 : index
      %swap3A_468 = tpu.vector_load %swap3A_465[%swap3A_466, %swap3A_467] {strides = array<i32>} : memref<128x128xf32, #tpu.memory_space<vmem>>, vector<1x16xf32>,
      %swap3A_469 = vector.shape_cast %swap3A_468 : vector<1x16xf32> to vector<16xf32>
      %swap3A_470 = vector.shape_cast %get3A_338 : vector<16xf32> to vector<1x16xf32>
      tpu.vector_store %swap3A_465[%swap3A_466, %swap3A_467], %swap3A_470 {add = true, strides = array<i32>} : memref<128x128xf32, #tpu.memory_space<vmem>>, vector<1x16xf32>,
      %swap3A_471 = arith.constant 0 : i32
      %swap3A_472 = arith.constant 0 : i32
      %swap3A_473 = tpu.memref_slice %arg7[%scan3A_51, %swap3A_471, %swap3A_472] : memref<4x128x128xf32, #tpu.memory_space<vmem>> -> memref<1x128x128xf32, #tpu.memory_space<vmem>>
      %swap3A_474 = tpu.memref_squeeze %swap3A_473 : memref<1x128x128xf32, #tpu.memory_space<vmem>> -> memref<128x128xf32, #tpu.memory_space<vmem>>
      %swap3A_475 = arith.index_cast %add3A_425 : i32 to index
      %swap3A_476 = arith.constant 80 : index
      %swap3A_477 = tpu.vector_load %swap3A_474[%swap3A_475, %swap3A_476] {strides = array<i32>} : memref<128x128xf32, #tpu.memory_space<vmem>>, vector<1x16xf32>,
      %swap3A_478 = vector.shape_cast %swap3A_477 : vector<1x16xf32> to vector<16xf32>
      %swap3A_479 = vector.shape_cast %get3A_342 : vector<16xf32> to vector<1x16xf32>
      tpu.vector_store %swap3A_474[%swap3A_475, %swap3A_476], %swap3A_479 {add = true, strides = array<i32>} : memref<128x128xf32, #tpu.memory_space<vmem>>, vector<1x16xf32>,
      %swap3A_480 = arith.constant 0 : i32
      %swap3A_481 = arith.constant 0 : i32
      %swap3A_482 = tpu.memref_slice %arg7[%scan3A_51, %swap3A_480, %swap3A_481] : memref<4x128x128xf32, #tpu.memory_space<vmem>> -> memref<1x128x128xf32, #tpu.memory_space<vmem>>
      %swap3A_483 = tpu.memref_squeeze %swap3A_482 : memref<1x128x128xf32, #tpu.memory_space<vmem>> -> memref<128x128xf32, #tpu.memory_space<vmem>>
      %swap3A_484 = arith.index_cast %add3A_425 : i32 to index
      %swap3A_485 = arith.constant 96 : index
      %swap3A_486 = tpu.vector_load %swap3A_483[%swap3A_484, %swap3A_485] {strides = array<i32>} : memref<128x128xf32, #tpu.memory_space<vmem>>, vector<1x16xf32>,
      %swap3A_487 = vector.shape_cast %swap3A_486 : vector<1x16xf32> to vector<16xf32>
      %swap3A_488 = vector.shape_cast %get3A_346 : vector<16xf32> to vector<1x16xf32>
      tpu.vector_store %swap3A_483[%swap3A_484, %swap3A_485], %swap3A_488 {add = true, strides = array<i32>} : memref<128x128xf32, #tpu.memory_space<vmem>>, vector<1x16xf32>,
      %swap3A_489 = arith.constant 0 : i32
      %swap3A_490 = arith.constant 0 : i32
      %swap3A_491 = tpu.memref_slice %arg7[%scan3A_51, %swap3A_489, %swap3A_490] : memref<4x128x128xf32, #tpu.memory_space<vmem>> -> memref<1x128x128xf32, #tpu.memory_space<vmem>>
      %swap3A_492 = tpu.memref_squeeze %swap3A_491 : memref<1x128x128xf32, #tpu.memory_space<vmem>> -> memref<128x128xf32, #tpu.memory_space<vmem>>
      %swap3A_493 = arith.index_cast %add3A_425 : i32 to index
      %swap3A_494 = arith.constant 112 : index
      %swap3A_495 = tpu.vector_load %swap3A_492[%swap3A_493, %swap3A_494] {strides = array<i32>} : memref<128x128xf32, #tpu.memory_space<vmem>>, vector<1x16xf32>,
      %swap3A_496 = vector.shape_cast %swap3A_495 : vector<1x16xf32> to vector<16xf32>
      %swap3A_497 = vector.shape_cast %get3A_350 : vector<16xf32> to vector<1x16xf32>
      tpu.vector_store %swap3A_492[%swap3A_493, %swap3A_494], %swap3A_497 {add = true, strides = array<i32>} : memref<128x128xf32, #tpu.memory_space<vmem>>, vector<1x16xf32>,
    }
    %scan3A_56 = arith.constant 64 : i32
    %add3A_57 = arith.constant 0 : i32
    %add3A_58 = arith.addi %mul3A_2, %add3A_57 : i32
    %dma_start3A_59 = arith.constant 0 : i32
    %dma_start3A_60 = arith.constant 0 : i32
    %dma_start3A_61 = arith.constant 0 : i32
    %dma_start3A_62 = tpu.memref_slice %arg7[%dma_start3A_59, %dma_start3A_60, %dma_start3A_61] : memref<4x128x128xf32, #tpu.memory_space<vmem>> -> memref<1x128x128xf32, #tpu.memory_space<vmem>>
    %dma_start3A_63 = tpu.memref_squeeze %dma_start3A_62 : memref<1x128x128xf32, #tpu.memory_space<vmem>> -> memref<128x128xf32, #tpu.memory_space<vmem>>
    %dma_start3A_64 = arith.constant 0 : i32
    %dma_start3A_65 = tpu.memref_slice %arg5[%add3A_58, %dma_start3A_64] : memref<262144x128xf32, #tpu.memory_space<hbm>> -> memref<128x128xf32, #tpu.memory_space<hbm>>
    %dma_start3A_66 = arith.constant 0 : i32
    %dma_start3A_67 = tpu.memref_slice %arg5[%add3A_58, %dma_start3A_66] : memref<262144x128xf32, #tpu.memory_space<hbm>> -> memref<128x128xf32, #tpu.memory_space<hbm>>
    %dma_start3A_68 = arith.constant 0 : i32
    %dma_start3A_69 = arith.constant 0 : i32
    %dma_start3A_70 = tpu.memref_slice %arg7[%dma_start3A_59, %dma_start3A_68, %dma_start3A_69] : memref<4x128x128xf32, #tpu.memory_space<vmem>> -> memref<1x128x128xf32, #tpu.memory_space<vmem>>
    %dma_start3A_71 = tpu.memref_squeeze %dma_start3A_70 : memref<1x128x128xf32, #tpu.memory_space<vmem>> -> memref<128x128xf32, #tpu.memory_space<vmem>>
    tpu.enqueue_dma source(%dma_start3A_71 : memref<128x128xf32, #tpu.memory_space<vmem>>) target(%dma_start3A_67 : memref<128x128xf32, #tpu.memory_space<hbm>>) target_semaphore(%arg13 : memref<!tpu.dma_semaphore, #tpu.memory_space<semaphore_mem>>)
    %dma_start3A_72 = arith.constant 3 : i32
    %dma_start3A_73 = arith.constant 3 : i32
    %dma_start3A_74 = arith.constant 0 : i32
    %dma_start3A_75 = arith.constant 0 : i32
    %dma_start3A_76 = tpu.memref_slice %arg7[%dma_start3A_73, %dma_start3A_74, %dma_start3A_75] : memref<4x128x128xf32, #tpu.memory_space<vmem>> -> memref<1x128x128xf32, #tpu.memory_space<vmem>>
    %dma_start3A_77 = tpu.memref_squeeze %dma_start3A_76 : memref<1x128x128xf32, #tpu.memory_space<vmem>> -> memref<128x128xf32, #tpu.memory_space<vmem>>
    %dma_start3A_78 = arith.constant 0 : i32
    %dma_start3A_79 = tpu.memref_slice %arg6[%dma_start3A_72, %dma_start3A_78] : memref<64x128xi32, #tpu.memory_space<vmem>> -> memref<1x128xi32, #tpu.memory_space<vmem>>
    %dma_start3A_80 = tpu.memref_squeeze %dma_start3A_79 : memref<1x128xi32, #tpu.memory_space<vmem>> -> memref<128xi32, #tpu.memory_space<vmem>>
    %dma_start3A_81 = arith.constant 0 : i32
    %dma_start3A_82 = arith.constant 0 : i32
    %dma_start3A_83 = tpu.memref_slice %arg3[%dma_start3A_81, %dma_start3A_82] : memref<100000x128xf32, #tpu.memory_space<hbm>> -> memref<100000x128xf32, #tpu.memory_space<hbm>>
    tpu.enqueue_indirect_dma source(%dma_start3A_83 : memref<100000x128xf32, #tpu.memory_space<hbm>>) target(%dma_start3A_77 : memref<128x128xf32, #tpu.memory_space<vmem>>) offsets(%dma_start3A_80 : memref<128xi32, #tpu.memory_space<vmem>>) semaphore(%arg12 : memref<!tpu.dma_semaphore, #tpu.memory_space<semaphore_mem>>)
    %dma_wait3A_84 = arith.constant 0 : i32
    %dma_wait3A_85 = arith.constant 1 : i32
    %dma_wait3A_86 = arith.constant 0 : i32
    %dma_wait3A_87 = arith.constant 0 : i32
    %dma_wait3A_88 = tpu.memref_slice %arg7[%dma_wait3A_85, %dma_wait3A_86, %dma_wait3A_87] : memref<4x128x128xf32, #tpu.memory_space<vmem>> -> memref<1x128x128xf32, #tpu.memory_space<vmem>>
    %dma_wait3A_89 = tpu.memref_squeeze %dma_wait3A_88 : memref<1x128x128xf32, #tpu.memory_space<vmem>> -> memref<128x128xf32, #tpu.memory_space<vmem>>
    %dma_wait3A_90 = arith.constant 0 : i32
    %dma_wait3A_91 = tpu.memref_slice %arg6[%dma_wait3A_84, %dma_wait3A_90] : memref<64x128xi32, #tpu.memory_space<vmem>> -> memref<1x128xi32, #tpu.memory_space<vmem>>
    %dma_wait3A_92 = tpu.memref_squeeze %dma_wait3A_91 : memref<1x128xi32, #tpu.memory_space<vmem>> -> memref<128xi32, #tpu.memory_space<vmem>>
    %dma_wait3A_93 = arith.constant 0 : i32
    %dma_wait3A_94 = arith.constant 0 : i32
    %dma_wait3A_95 = tpu.memref_slice %arg3[%dma_wait3A_93, %dma_wait3A_94] : memref<100000x128xf32, #tpu.memory_space<hbm>> -> memref<100000x128xf32, #tpu.memory_space<hbm>>
    tpu.wait_indirect_dma semaphore(%arg10 : memref<!tpu.dma_semaphore, #tpu.memory_space<semaphore_mem>>) src(%dma_wait3A_95 : memref<100000x128xf32, #tpu.memory_space<hbm>>) dst(%dma_wait3A_89 : memref<128x128xf32, #tpu.memory_space<vmem>>)
    %scan3A_96 = arith.constant 0 : i32
    %scan3A_97 = arith.constant 1 : i32
    %scan3A_98 = arith.constant 0 : i32
    %scan3A_99 = arith.constant 64 : i32
    %scan3A_100 = arith.addi %scan3A_98, %scan3A_99 : i32
    %scan3A_101 = arith.constant 1 : i32
    scf.for %scan3A_319 = %scan3A_98 to %scan3A_100 step %scan3A_101  : i32 {
      %get3A = arith.index_cast %scan3A_319 : i32 to index
      %get3A_320 = arith.constant 0 : index
      %get3A_321 = tpu.vector_load %arg8[%get3A, %get3A_320] {strides = array<i32>} : memref<64x128xf32, #tpu.memory_space<vmem>>, vector<1x16xf32>,
      %get3A_322 = vector.shape_cast %get3A_321 : vector<1x16xf32> to vector<16xf32>
      %get3A_323 = arith.index_cast %scan3A_319 : i32 to index
      %get3A_324 = arith.constant 16 : index
      %get3A_325 = tpu.vector_load %arg8[%get3A_323, %get3A_324] {strides = array<i32>} : memref<64x128xf32, #tpu.memory_space<vmem>>, vector<1x16xf32>,
      %get3A_326 = vector.shape_cast %get3A_325 : vector<1x16xf32> to vector<16xf32>
      %get3A_327 = arith.index_cast %scan3A_319 : i32 to index
      %get3A_328 = arith.constant 32 : index
      %get3A_329 = tpu.vector_load %arg8[%get3A_327, %get3A_328] {strides = array<i32>} : memref<64x128xf32, #tpu.memory_space<vmem>>, vector<1x16xf32>,
      %get3A_330 = vector.shape_cast %get3A_329 : vector<1x16xf32> to vector<16xf32>
      %get3A_331 = arith.index_cast %scan3A_319 : i32 to index
      %get3A_332 = arith.constant 48 : index
      %get3A_333 = tpu.vector_load %arg8[%get3A_331, %get3A_332] {strides = array<i32>} : memref<64x128xf32, #tpu.memory_space<vmem>>, vector<1x16xf32>,
      %get3A_334 = vector.shape_cast %get3A_333 : vector<1x16xf32> to vector<16xf32>
      %get3A_335 = arith.index_cast %scan3A_319 : i32 to index
      %get3A_336 = arith.constant 64 : index
      %get3A_337 = tpu.vector_load %arg8[%get3A_335, %get3A_336] {strides = array<i32>} : memref<64x128xf32, #tpu.memory_space<vmem>>, vector<1x16xf32>,
      %get3A_338 = vector.shape_cast %get3A_337 : vector<1x16xf32> to vector<16xf32>
      %get3A_339 = arith.index_cast %scan3A_319 : i32 to index
      %get3A_340 = arith.constant 80 : index
      %get3A_341 = tpu.vector_load %arg8[%get3A_339, %get3A_340] {strides = array<i32>} : memref<64x128xf32, #tpu.memory_space<vmem>>, vector<1x16xf32>,
      %get3A_342 = vector.shape_cast %get3A_341 : vector<1x16xf32> to vector<16xf32>
      %get3A_343 = arith.index_cast %scan3A_319 : i32 to index
      %get3A_344 = arith.constant 96 : index
      %get3A_345 = tpu.vector_load %arg8[%get3A_343, %get3A_344] {strides = array<i32>} : memref<64x128xf32, #tpu.memory_space<vmem>>, vector<1x16xf32>,
      %get3A_346 = vector.shape_cast %get3A_345 : vector<1x16xf32> to vector<16xf32>
      %get3A_347 = arith.index_cast %scan3A_319 : i32 to index
      %get3A_348 = arith.constant 112 : index
      %get3A_349 = tpu.vector_load %arg8[%get3A_347, %get3A_348] {strides = array<i32>} : memref<64x128xf32, #tpu.memory_space<vmem>>, vector<1x16xf32>,
      %get3A_350 = vector.shape_cast %get3A_349 : vector<1x16xf32> to vector<16xf32>
      %add3A_351 = arith.constant 0 : i32
      %add3A_352 = arith.addi %add3A_351, %scan3A_319 : i32
      %swap3A = arith.constant 0 : i32
      %swap3A_353 = arith.constant 0 : i32
      %swap3A_354 = tpu.memref_slice %arg7[%scan3A_97, %swap3A, %swap3A_353] : memref<4x128x128xf32, #tpu.memory_space<vmem>> -> memref<1x128x128xf32, #tpu.memory_space<vmem>>
      %swap3A_355 = tpu.memref_squeeze %swap3A_354 : memref<1x128x128xf32, #tpu.memory_space<vmem>> -> memref<128x128xf32, #tpu.memory_space<vmem>>
      %swap3A_356 = arith.index_cast %add3A_352 : i32 to index
      %swap3A_357 = arith.constant 0 : index
      %swap3A_358 = tpu.vector_load %swap3A_355[%swap3A_356, %swap3A_357] {strides = array<i32>} : memref<128x128xf32, #tpu.memory_space<vmem>>, vector<1x16xf32>,
      %swap3A_359 = vector.shape_cast %swap3A_358 : vector<1x16xf32> to vector<16xf32>
      %swap3A_360 = vector.shape_cast %get3A_322 : vector<16xf32> to vector<1x16xf32>
      tpu.vector_store %swap3A_355[%swap3A_356, %swap3A_357], %swap3A_360 {add = true, strides = array<i32>} : memref<128x128xf32, #tpu.memory_space<vmem>>, vector<1x16xf32>,
      %swap3A_361 = arith.constant 0 : i32
      %swap3A_362 = arith.constant 0 : i32
      %swap3A_363 = tpu.memref_slice %arg7[%scan3A_97, %swap3A_361, %swap3A_362] : memref<4x128x128xf32, #tpu.memory_space<vmem>> -> memref<1x128x128xf32, #tpu.memory_space<vmem>>
      %swap3A_364 = tpu.memref_squeeze %swap3A_363 : memref<1x128x128xf32, #tpu.memory_space<vmem>> -> memref<128x128xf32, #tpu.memory_space<vmem>>
      %swap3A_365 = arith.index_cast %add3A_352 : i32 to index
      %swap3A_366 = arith.constant 16 : index
      %swap3A_367 = tpu.vector_load %swap3A_364[%swap3A_365, %swap3A_366] {strides = array<i32>} : memref<128x128xf32, #tpu.memory_space<vmem>>, vector<1x16xf32>,
      %swap3A_368 = vector.shape_cast %swap3A_367 : vector<1x16xf32> to vector<16xf32>
      %swap3A_369 = vector.shape_cast %get3A_326 : vector<16xf32> to vector<1x16xf32>
      tpu.vector_store %swap3A_364[%swap3A_365, %swap3A_366], %swap3A_369 {add = true, strides = array<i32>} : memref<128x128xf32, #tpu.memory_space<vmem>>, vector<1x16xf32>,
      %swap3A_370 = arith.constant 0 : i32
      %swap3A_371 = arith.constant 0 : i32
      %swap3A_372 = tpu.memref_slice %arg7[%scan3A_97, %swap3A_370, %swap3A_371] : memref<4x128x128xf32, #tpu.memory_space<vmem>> -> memref<1x128x128xf32, #tpu.memory_space<vmem>>
      %swap3A_373 = tpu.memref_squeeze %swap3A_372 : memref<1x128x128xf32, #tpu.memory_space<vmem>> -> memref<128x128xf32, #tpu.memory_space<vmem>>
      %swap3A_374 = arith.index_cast %add3A_352 : i32 to index
      %swap3A_375 = arith.constant 32 : index
      %swap3A_376 = tpu.vector_load %swap3A_373[%swap3A_374, %swap3A_375] {strides = array<i32>} : memref<128x128xf32, #tpu.memory_space<vmem>>, vector<1x16xf32>,
      %swap3A_377 = vector.shape_cast %swap3A_376 : vector<1x16xf32> to vector<16xf32>
      %swap3A_378 = vector.shape_cast %get3A_330 : vector<16xf32> to vector<1x16xf32>
      tpu.vector_store %swap3A_373[%swap3A_374, %swap3A_375], %swap3A_378 {add = true, strides = array<i32>} : memref<128x128xf32, #tpu.memory_space<vmem>>, vector<1x16xf32>,
      %swap3A_379 = arith.constant 0 : i32
      %swap3A_380 = arith.constant 0 : i32
      %swap3A_381 = tpu.memref_slice %arg7[%scan3A_97, %swap3A_379, %swap3A_380] : memref<4x128x128xf32, #tpu.memory_space<vmem>> -> memref<1x128x128xf32, #tpu.memory_space<vmem>>
      %swap3A_382 = tpu.memref_squeeze %swap3A_381 : memref<1x128x128xf32, #tpu.memory_space<vmem>> -> memref<128x128xf32, #tpu.memory_space<vmem>>
      %swap3A_383 = arith.index_cast %add3A_352 : i32 to index
      %swap3A_384 = arith.constant 48 : index
      %swap3A_385 = tpu.vector_load %swap3A_382[%swap3A_383, %swap3A_384] {strides = array<i32>} : memref<128x128xf32, #tpu.memory_space<vmem>>, vector<1x16xf32>,
      %swap3A_386 = vector.shape_cast %swap3A_385 : vector<1x16xf32> to vector<16xf32>
      %swap3A_387 = vector.shape_cast %get3A_334 : vector<16xf32> to vector<1x16xf32>
      tpu.vector_store %swap3A_382[%swap3A_383, %swap3A_384], %swap3A_387 {add = true, strides = array<i32>} : memref<128x128xf32, #tpu.memory_space<vmem>>, vector<1x16xf32>,
      %swap3A_388 = arith.constant 0 : i32
      %swap3A_389 = arith.constant 0 : i32
      %swap3A_390 = tpu.memref_slice %arg7[%scan3A_97, %swap3A_388, %swap3A_389] : memref<4x128x128xf32, #tpu.memory_space<vmem>> -> memref<1x128x128xf32, #tpu.memory_space<vmem>>
      %swap3A_391 = tpu.memref_squeeze %swap3A_390 : memref<1x128x128xf32, #tpu.memory_space<vmem>> -> memref<128x128xf32, #tpu.memory_space<vmem>>
      %swap3A_392 = arith.index_cast %add3A_352 : i32 to index
      %swap3A_393 = arith.constant 64 : index
      %swap3A_394 = tpu.vector_load %swap3A_391[%swap3A_392, %swap3A_393] {strides = array<i32>} : memref<128x128xf32, #tpu.memory_space<vmem>>, vector<1x16xf32>,
      %swap3A_395 = vector.shape_cast %swap3A_394 : vector<1x16xf32> to vector<16xf32>
      %swap3A_396 = vector.shape_cast %get3A_338 : vector<16xf32> to vector<1x16xf32>
      tpu.vector_store %swap3A_391[%swap3A_392, %swap3A_393], %swap3A_396 {add = true, strides = array<i32>} : memref<128x128xf32, #tpu.memory_space<vmem>>, vector<1x16xf32>,
      %swap3A_397 = arith.constant 0 : i32
      %swap3A_398 = arith.constant 0 : i32
      %swap3A_399 = tpu.memref_slice %arg7[%scan3A_97, %swap3A_397, %swap3A_398] : memref<4x128x128xf32, #tpu.memory_space<vmem>> -> memref<1x128x128xf32, #tpu.memory_space<vmem>>
      %swap3A_400 = tpu.memref_squeeze %swap3A_399 : memref<1x128x128xf32, #tpu.memory_space<vmem>> -> memref<128x128xf32, #tpu.memory_space<vmem>>
      %swap3A_401 = arith.index_cast %add3A_352 : i32 to index
      %swap3A_402 = arith.constant 80 : index
      %swap3A_403 = tpu.vector_load %swap3A_400[%swap3A_401, %swap3A_402] {strides = array<i32>} : memref<128x128xf32, #tpu.memory_space<vmem>>, vector<1x16xf32>,
      %swap3A_404 = vector.shape_cast %swap3A_403 : vector<1x16xf32> to vector<16xf32>
      %swap3A_405 = vector.shape_cast %get3A_342 : vector<16xf32> to vector<1x16xf32>
      tpu.vector_store %swap3A_400[%swap3A_401, %swap3A_402], %swap3A_405 {add = true, strides = array<i32>} : memref<128x128xf32, #tpu.memory_space<vmem>>, vector<1x16xf32>,
      %swap3A_406 = arith.constant 0 : i32
      %swap3A_407 = arith.constant 0 : i32
      %swap3A_408 = tpu.memref_slice %arg7[%scan3A_97, %swap3A_406, %swap3A_407] : memref<4x128x128xf32, #tpu.memory_space<vmem>> -> memref<1x128x128xf32, #tpu.memory_space<vmem>>
      %swap3A_409 = tpu.memref_squeeze %swap3A_408 : memref<1x128x128xf32, #tpu.memory_space<vmem>> -> memref<128x128xf32, #tpu.memory_space<vmem>>
      %swap3A_410 = arith.index_cast %add3A_352 : i32 to index
      %swap3A_411 = arith.constant 96 : index
      %swap3A_412 = tpu.vector_load %swap3A_409[%swap3A_410, %swap3A_411] {strides = array<i32>} : memref<128x128xf32, #tpu.memory_space<vmem>>, vector<1x16xf32>,
      %swap3A_413 = vector.shape_cast %swap3A_412 : vector<1x16xf32> to vector<16xf32>
      %swap3A_414 = vector.shape_cast %get3A_346 : vector<16xf32> to vector<1x16xf32>
      tpu.vector_store %swap3A_409[%swap3A_410, %swap3A_411], %swap3A_414 {add = true, strides = array<i32>} : memref<128x128xf32, #tpu.memory_space<vmem>>, vector<1x16xf32>,
      %swap3A_415 = arith.constant 0 : i32
      %swap3A_416 = arith.constant 0 : i32
      %swap3A_417 = tpu.memref_slice %arg7[%scan3A_97, %swap3A_415, %swap3A_416] : memref<4x128x128xf32, #tpu.memory_space<vmem>> -> memref<1x128x128xf32, #tpu.memory_space<vmem>>
      %swap3A_418 = tpu.memref_squeeze %swap3A_417 : memref<1x128x128xf32, #tpu.memory_space<vmem>> -> memref<128x128xf32, #tpu.memory_space<vmem>>
      %swap3A_419 = arith.index_cast %add3A_352 : i32 to index
      %swap3A_420 = arith.constant 112 : index
      %swap3A_421 = tpu.vector_load %swap3A_418[%swap3A_419, %swap3A_420] {strides = array<i32>} : memref<128x128xf32, #tpu.memory_space<vmem>>, vector<1x16xf32>,
      %swap3A_422 = vector.shape_cast %swap3A_421 : vector<1x16xf32> to vector<16xf32>
      %swap3A_423 = vector.shape_cast %get3A_350 : vector<16xf32> to vector<1x16xf32>
      tpu.vector_store %swap3A_418[%swap3A_419, %swap3A_420], %swap3A_423 {add = true, strides = array<i32>} : memref<128x128xf32, #tpu.memory_space<vmem>>, vector<1x16xf32>,
      %add3A_424 = arith.constant 64 : i32
      %add3A_425 = arith.addi %add3A_424, %scan3A_319 : i32
      %swap3A_426 = arith.constant 0 : i32
      %swap3A_427 = arith.constant 0 : i32
      %swap3A_428 = tpu.memref_slice %arg7[%scan3A_97, %swap3A_426, %swap3A_427] : memref<4x128x128xf32, #tpu.memory_space<vmem>> -> memref<1x128x128xf32, #tpu.memory_space<vmem>>
      %swap3A_429 = tpu.memref_squeeze %swap3A_428 : memref<1x128x128xf32, #tpu.memory_space<vmem>> -> memref<128x128xf32, #tpu.memory_space<vmem>>
      %swap3A_430 = arith.index_cast %add3A_425 : i32 to index
      %swap3A_431 = arith.constant 0 : index
      %swap3A_432 = tpu.vector_load %swap3A_429[%swap3A_430, %swap3A_431] {strides = array<i32>} : memref<128x128xf32, #tpu.memory_space<vmem>>, vector<1x16xf32>,
      %swap3A_433 = vector.shape_cast %swap3A_432 : vector<1x16xf32> to vector<16xf32>
      %swap3A_434 = vector.shape_cast %get3A_322 : vector<16xf32> to vector<1x16xf32>
      tpu.vector_store %swap3A_429[%swap3A_430, %swap3A_431], %swap3A_434 {add = true, strides = array<i32>} : memref<128x128xf32, #tpu.memory_space<vmem>>, vector<1x16xf32>,
      %swap3A_435 = arith.constant 0 : i32
      %swap3A_436 = arith.constant 0 : i32
      %swap3A_437 = tpu.memref_slice %arg7[%scan3A_97, %swap3A_435, %swap3A_436] : memref<4x128x128xf32, #tpu.memory_space<vmem>> -> memref<1x128x128xf32, #tpu.memory_space<vmem>>
      %swap3A_438 = tpu.memref_squeeze %swap3A_437 : memref<1x128x128xf32, #tpu.memory_space<vmem>> -> memref<128x128xf32, #tpu.memory_space<vmem>>
      %swap3A_439 = arith.index_cast %add3A_425 : i32 to index
      %swap3A_440 = arith.constant 16 : index
      %swap3A_441 = tpu.vector_load %swap3A_438[%swap3A_439, %swap3A_440] {strides = array<i32>} : memref<128x128xf32, #tpu.memory_space<vmem>>, vector<1x16xf32>,
      %swap3A_442 = vector.shape_cast %swap3A_441 : vector<1x16xf32> to vector<16xf32>
      %swap3A_443 = vector.shape_cast %get3A_326 : vector<16xf32> to vector<1x16xf32>
      tpu.vector_store %swap3A_438[%swap3A_439, %swap3A_440], %swap3A_443 {add = true, strides = array<i32>} : memref<128x128xf32, #tpu.memory_space<vmem>>, vector<1x16xf32>,
      %swap3A_444 = arith.constant 0 : i32
      %swap3A_445 = arith.constant 0 : i32
      %swap3A_446 = tpu.memref_slice %arg7[%scan3A_97, %swap3A_444, %swap3A_445] : memref<4x128x128xf32, #tpu.memory_space<vmem>> -> memref<1x128x128xf32, #tpu.memory_space<vmem>>
      %swap3A_447 = tpu.memref_squeeze %swap3A_446 : memref<1x128x128xf32, #tpu.memory_space<vmem>> -> memref<128x128xf32, #tpu.memory_space<vmem>>
      %swap3A_448 = arith.index_cast %add3A_425 : i32 to index
      %swap3A_449 = arith.constant 32 : index
      %swap3A_450 = tpu.vector_load %swap3A_447[%swap3A_448, %swap3A_449] {strides = array<i32>} : memref<128x128xf32, #tpu.memory_space<vmem>>, vector<1x16xf32>,
      %swap3A_451 = vector.shape_cast %swap3A_450 : vector<1x16xf32> to vector<16xf32>
      %swap3A_452 = vector.shape_cast %get3A_330 : vector<16xf32> to vector<1x16xf32>
      tpu.vector_store %swap3A_447[%swap3A_448, %swap3A_449], %swap3A_452 {add = true, strides = array<i32>} : memref<128x128xf32, #tpu.memory_space<vmem>>, vector<1x16xf32>,
      %swap3A_453 = arith.constant 0 : i32
      %swap3A_454 = arith.constant 0 : i32
      %swap3A_455 = tpu.memref_slice %arg7[%scan3A_97, %swap3A_453, %swap3A_454] : memref<4x128x128xf32, #tpu.memory_space<vmem>> -> memref<1x128x128xf32, #tpu.memory_space<vmem>>
      %swap3A_456 = tpu.memref_squeeze %swap3A_455 : memref<1x128x128xf32, #tpu.memory_space<vmem>> -> memref<128x128xf32, #tpu.memory_space<vmem>>
      %swap3A_457 = arith.index_cast %add3A_425 : i32 to index
      %swap3A_458 = arith.constant 48 : index
      %swap3A_459 = tpu.vector_load %swap3A_456[%swap3A_457, %swap3A_458] {strides = array<i32>} : memref<128x128xf32, #tpu.memory_space<vmem>>, vector<1x16xf32>,
      %swap3A_460 = vector.shape_cast %swap3A_459 : vector<1x16xf32> to vector<16xf32>
      %swap3A_461 = vector.shape_cast %get3A_334 : vector<16xf32> to vector<1x16xf32>
      tpu.vector_store %swap3A_456[%swap3A_457, %swap3A_458], %swap3A_461 {add = true, strides = array<i32>} : memref<128x128xf32, #tpu.memory_space<vmem>>, vector<1x16xf32>,
      %swap3A_462 = arith.constant 0 : i32
      %swap3A_463 = arith.constant 0 : i32
      %swap3A_464 = tpu.memref_slice %arg7[%scan3A_97, %swap3A_462, %swap3A_463] : memref<4x128x128xf32, #tpu.memory_space<vmem>> -> memref<1x128x128xf32, #tpu.memory_space<vmem>>
      %swap3A_465 = tpu.memref_squeeze %swap3A_464 : memref<1x128x128xf32, #tpu.memory_space<vmem>> -> memref<128x128xf32, #tpu.memory_space<vmem>>
      %swap3A_466 = arith.index_cast %add3A_425 : i32 to index
      %swap3A_467 = arith.constant 64 : index
      %swap3A_468 = tpu.vector_load %swap3A_465[%swap3A_466, %swap3A_467] {strides = array<i32>} : memref<128x128xf32, #tpu.memory_space<vmem>>, vector<1x16xf32>,
      %swap3A_469 = vector.shape_cast %swap3A_468 : vector<1x16xf32> to vector<16xf32>
      %swap3A_470 = vector.shape_cast %get3A_338 : vector<16xf32> to vector<1x16xf32>
      tpu.vector_store %swap3A_465[%swap3A_466, %swap3A_467], %swap3A_470 {add = true, strides = array<i32>} : memref<128x128xf32, #tpu.memory_space<vmem>>, vector<1x16xf32>,
      %swap3A_471 = arith.constant 0 : i32
      %swap3A_472 = arith.constant 0 : i32
      %swap3A_473 = tpu.memref_slice %arg7[%scan3A_97, %swap3A_471, %swap3A_472] : memref<4x128x128xf32, #tpu.memory_space<vmem>> -> memref<1x128x128xf32, #tpu.memory_space<vmem>>
      %swap3A_474 = tpu.memref_squeeze %swap3A_473 : memref<1x128x128xf32, #tpu.memory_space<vmem>> -> memref<128x128xf32, #tpu.memory_space<vmem>>
      %swap3A_475 = arith.index_cast %add3A_425 : i32 to index
      %swap3A_476 = arith.constant 80 : index
      %swap3A_477 = tpu.vector_load %swap3A_474[%swap3A_475, %swap3A_476] {strides = array<i32>} : memref<128x128xf32, #tpu.memory_space<vmem>>, vector<1x16xf32>,
      %swap3A_478 = vector.shape_cast %swap3A_477 : vector<1x16xf32> to vector<16xf32>
      %swap3A_479 = vector.shape_cast %get3A_342 : vector<16xf32> to vector<1x16xf32>
      tpu.vector_store %swap3A_474[%swap3A_475, %swap3A_476], %swap3A_479 {add = true, strides = array<i32>} : memref<128x128xf32, #tpu.memory_space<vmem>>, vector<1x16xf32>,
      %swap3A_480 = arith.constant 0 : i32
      %swap3A_481 = arith.constant 0 : i32
      %swap3A_482 = tpu.memref_slice %arg7[%scan3A_97, %swap3A_480, %swap3A_481] : memref<4x128x128xf32, #tpu.memory_space<vmem>> -> memref<1x128x128xf32, #tpu.memory_space<vmem>>
      %swap3A_483 = tpu.memref_squeeze %swap3A_482 : memref<1x128x128xf32, #tpu.memory_space<vmem>> -> memref<128x128xf32, #tpu.memory_space<vmem>>
      %swap3A_484 = arith.index_cast %add3A_425 : i32 to index
      %swap3A_485 = arith.constant 96 : index
      %swap3A_486 = tpu.vector_load %swap3A_483[%swap3A_484, %swap3A_485] {strides = array<i32>} : memref<128x128xf32, #tpu.memory_space<vmem>>, vector<1x16xf32>,
      %swap3A_487 = vector.shape_cast %swap3A_486 : vector<1x16xf32> to vector<16xf32>
      %swap3A_488 = vector.shape_cast %get3A_346 : vector<16xf32> to vector<1x16xf32>
      tpu.vector_store %swap3A_483[%swap3A_484, %swap3A_485], %swap3A_488 {add = true, strides = array<i32>} : memref<128x128xf32, #tpu.memory_space<vmem>>, vector<1x16xf32>,
      %swap3A_489 = arith.constant 0 : i32
      %swap3A_490 = arith.constant 0 : i32
      %swap3A_491 = tpu.memref_slice %arg7[%scan3A_97, %swap3A_489, %swap3A_490] : memref<4x128x128xf32, #tpu.memory_space<vmem>> -> memref<1x128x128xf32, #tpu.memory_space<vmem>>
      %swap3A_492 = tpu.memref_squeeze %swap3A_491 : memref<1x128x128xf32, #tpu.memory_space<vmem>> -> memref<128x128xf32, #tpu.memory_space<vmem>>
      %swap3A_493 = arith.index_cast %add3A_425 : i32 to index
      %swap3A_494 = arith.constant 112 : index
      %swap3A_495 = tpu.vector_load %swap3A_492[%swap3A_493, %swap3A_494] {strides = array<i32>} : memref<128x128xf32, #tpu.memory_space<vmem>>, vector<1x16xf32>,
      %swap3A_496 = vector.shape_cast %swap3A_495 : vector<1x16xf32> to vector<16xf32>
      %swap3A_497 = vector.shape_cast %get3A_350 : vector<16xf32> to vector<1x16xf32>
      tpu.vector_store %swap3A_492[%swap3A_493, %swap3A_494], %swap3A_497 {add = true, strides = array<i32>} : memref<128x128xf32, #tpu.memory_space<vmem>>, vector<1x16xf32>,
    }
    %scan3A_102 = arith.constant 64 : i32
    %add3A_103 = arith.constant 128 : i32
    %add3A_104 = arith.addi %mul3A_2, %add3A_103 : i32
    %dma_start3A_105 = arith.constant 1 : i32
    %dma_start3A_106 = arith.constant 0 : i32
    %dma_start3A_107 = arith.constant 0 : i32
    %dma_start3A_108 = tpu.memref_slice %arg7[%dma_start3A_105, %dma_start3A_106, %dma_start3A_107] : memref<4x128x128xf32, #tpu.memory_space<vmem>> -> memref<1x128x128xf32, #tpu.memory_space<vmem>>
    %dma_start3A_109 = tpu.memref_squeeze %dma_start3A_108 : memref<1x128x128xf32, #tpu.memory_space<vmem>> -> memref<128x128xf32, #tpu.memory_space<vmem>>
    %dma_start3A_110 = arith.constant 0 : i32
    %dma_start3A_111 = tpu.memref_slice %arg5[%add3A_104, %dma_start3A_110] : memref<262144x128xf32, #tpu.memory_space<hbm>> -> memref<128x128xf32, #tpu.memory_space<hbm>>
    %dma_start3A_112 = arith.constant 0 : i32
    %dma_start3A_113 = tpu.memref_slice %arg5[%add3A_104, %dma_start3A_112] : memref<262144x128xf32, #tpu.memory_space<hbm>> -> memref<128x128xf32, #tpu.memory_space<hbm>>
    %dma_start3A_114 = arith.constant 0 : i32
    %dma_start3A_115 = arith.constant 0 : i32
    %dma_start3A_116 = tpu.memref_slice %arg7[%dma_start3A_105, %dma_start3A_114, %dma_start3A_115] : memref<4x128x128xf32, #tpu.memory_space<vmem>> -> memref<1x128x128xf32, #tpu.memory_space<vmem>>
    %dma_start3A_117 = tpu.memref_squeeze %dma_start3A_116 : memref<1x128x128xf32, #tpu.memory_space<vmem>> -> memref<128x128xf32, #tpu.memory_space<vmem>>
    tpu.enqueue_dma source(%dma_start3A_117 : memref<128x128xf32, #tpu.memory_space<vmem>>) target(%dma_start3A_113 : memref<128x128xf32, #tpu.memory_space<hbm>>) target_semaphore(%arg14 : memref<!tpu.dma_semaphore, #tpu.memory_space<semaphore_mem>>)
    %dma_wait3A_118 = arith.constant 0 : i32
    %dma_wait3A_119 = arith.constant 0 : i32
    %dma_wait3A_120 = arith.constant 0 : i32
    %dma_wait3A_121 = tpu.memref_slice %arg7[%dma_wait3A_118, %dma_wait3A_119, %dma_wait3A_120] : memref<4x128x128xf32, #tpu.memory_space<vmem>> -> memref<1x128x128xf32, #tpu.memory_space<vmem>>
    %dma_wait3A_122 = tpu.memref_squeeze %dma_wait3A_121 : memref<1x128x128xf32, #tpu.memory_space<vmem>> -> memref<128x128xf32, #tpu.memory_space<vmem>>
    %dma_wait3A_123 = arith.constant 0 : i32
    %dma_wait3A_124 = tpu.memref_slice %arg5[%mul3A_2, %dma_wait3A_123] : memref<262144x128xf32, #tpu.memory_space<hbm>> -> memref<128x128xf32, #tpu.memory_space<hbm>>
    %dma_wait3A_125 = arith.constant 0 : i32
    %dma_wait3A_126 = tpu.memref_slice %arg5[%mul3A_2, %dma_wait3A_125] : memref<262144x128xf32, #tpu.memory_space<hbm>> -> memref<128x128xf32, #tpu.memory_space<hbm>>
    %dma_wait3A_127 = arith.constant 0 : i32
    %dma_wait3A_128 = arith.constant 0 : i32
    %dma_wait3A_129 = tpu.memref_slice %arg7[%dma_wait3A_118, %dma_wait3A_127, %dma_wait3A_128] : memref<4x128x128xf32, #tpu.memory_space<vmem>> -> memref<1x128x128xf32, #tpu.memory_space<vmem>>
    %dma_wait3A_130 = tpu.memref_squeeze %dma_wait3A_129 : memref<1x128x128xf32, #tpu.memory_space<vmem>> -> memref<128x128xf32, #tpu.memory_space<vmem>>
    tpu.wait_dma2 semaphore(%arg13 : memref<!tpu.dma_semaphore, #tpu.memory_space<semaphore_mem>>) src(%dma_wait3A_130 : memref<128x128xf32, #tpu.memory_space<vmem>>) dst(%dma_wait3A_126 : memref<128x128xf32, #tpu.memory_space<hbm>>)
    %dma_start3A_131 = arith.constant 4 : i32
    %dma_start3A_132 = arith.constant 0 : i32
    %dma_start3A_133 = arith.constant 0 : i32
    %dma_start3A_134 = arith.constant 0 : i32
    %dma_start3A_135 = tpu.memref_slice %arg7[%dma_start3A_132, %dma_start3A_133, %dma_start3A_134] : memref<4x128x128xf32, #tpu.memory_space<vmem>> -> memref<1x128x128xf32, #tpu.memory_space<vmem>>
    %dma_start3A_136 = tpu.memref_squeeze %dma_start3A_135 : memref<1x128x128xf32, #tpu.memory_space<vmem>> -> memref<128x128xf32, #tpu.memory_space<vmem>>
    %dma_start3A_137 = arith.constant 0 : i32
    %dma_start3A_138 = tpu.memref_slice %arg6[%dma_start3A_131, %dma_start3A_137] : memref<64x128xi32, #tpu.memory_space<vmem>> -> memref<1x128xi32, #tpu.memory_space<vmem>>
    %dma_start3A_139 = tpu.memref_squeeze %dma_start3A_138 : memref<1x128xi32, #tpu.memory_space<vmem>> -> memref<128xi32, #tpu.memory_space<vmem>>
    %dma_start3A_140 = arith.constant 0 : i32
    %dma_start3A_141 = arith.constant 0 : i32
    %dma_start3A_142 = tpu.memref_slice %arg3[%dma_start3A_140, %dma_start3A_141] : memref<100000x128xf32, #tpu.memory_space<hbm>> -> memref<100000x128xf32, #tpu.memory_space<hbm>>
    tpu.enqueue_indirect_dma source(%dma_start3A_142 : memref<100000x128xf32, #tpu.memory_space<hbm>>) target(%dma_start3A_136 : memref<128x128xf32, #tpu.memory_space<vmem>>) offsets(%dma_start3A_139 : memref<128xi32, #tpu.memory_space<vmem>>) semaphore(%arg9 : memref<!tpu.dma_semaphore, #tpu.memory_space<semaphore_mem>>)
    %dma_wait3A_143 = arith.constant 0 : i32
    %dma_wait3A_144 = arith.constant 2 : i32
    %dma_wait3A_145 = arith.constant 0 : i32
    %dma_wait3A_146 = arith.constant 0 : i32
    %dma_wait3A_147 = tpu.memref_slice %arg7[%dma_wait3A_144, %dma_wait3A_145, %dma_wait3A_146] : memref<4x128x128xf32, #tpu.memory_space<vmem>> -> memref<1x128x128xf32, #tpu.memory_space<vmem>>
    %dma_wait3A_148 = tpu.memref_squeeze %dma_wait3A_147 : memref<1x128x128xf32, #tpu.memory_space<vmem>> -> memref<128x128xf32, #tpu.memory_space<vmem>>
    %dma_wait3A_149 = arith.constant 0 : i32
    %dma_wait3A_150 = tpu.memref_slice %arg6[%dma_wait3A_143, %dma_wait3A_149] : memref<64x128xi32, #tpu.memory_space<vmem>> -> memref<1x128xi32, #tpu.memory_space<vmem>>
    %dma_wait3A_151 = tpu.memref_squeeze %dma_wait3A_150 : memref<1x128xi32, #tpu.memory_space<vmem>> -> memref<128xi32, #tpu.memory_space<vmem>>
    %dma_wait3A_152 = arith.constant 0 : i32
    %dma_wait3A_153 = arith.constant 0 : i32
    %dma_wait3A_154 = tpu.memref_slice %arg3[%dma_wait3A_152, %dma_wait3A_153] : memref<100000x128xf32, #tpu.memory_space<hbm>> -> memref<100000x128xf32, #tpu.memory_space<hbm>>
    tpu.wait_indirect_dma semaphore(%arg11 : memref<!tpu.dma_semaphore, #tpu.memory_space<semaphore_mem>>) src(%dma_wait3A_154 : memref<100000x128xf32, #tpu.memory_space<hbm>>) dst(%dma_wait3A_148 : memref<128x128xf32, #tpu.memory_space<vmem>>)
    %scan3A_155 = arith.constant 0 : i32
    %scan3A_156 = arith.constant 2 : i32
    %scan3A_157 = arith.constant 0 : i32
    %scan3A_158 = arith.constant 64 : i32
    %scan3A_159 = arith.addi %scan3A_157, %scan3A_158 : i32
    %scan3A_160 = arith.constant 1 : i32
    scf.for %scan3A_319 = %scan3A_157 to %scan3A_159 step %scan3A_160  : i32 {
      %get3A = arith.index_cast %scan3A_319 : i32 to index
      %get3A_320 = arith.constant 0 : index
      %get3A_321 = tpu.vector_load %arg8[%get3A, %get3A_320] {strides = array<i32>} : memref<64x128xf32, #tpu.memory_space<vmem>>, vector<1x16xf32>,
      %get3A_322 = vector.shape_cast %get3A_321 : vector<1x16xf32> to vector<16xf32>
      %get3A_323 = arith.index_cast %scan3A_319 : i32 to index
      %get3A_324 = arith.constant 16 : index
      %get3A_325 = tpu.vector_load %arg8[%get3A_323, %get3A_324] {strides = array<i32>} : memref<64x128xf32, #tpu.memory_space<vmem>>, vector<1x16xf32>,
      %get3A_326 = vector.shape_cast %get3A_325 : vector<1x16xf32> to vector<16xf32>
      %get3A_327 = arith.index_cast %scan3A_319 : i32 to index
      %get3A_328 = arith.constant 32 : index
      %get3A_329 = tpu.vector_load %arg8[%get3A_327, %get3A_328] {strides = array<i32>} : memref<64x128xf32, #tpu.memory_space<vmem>>, vector<1x16xf32>,
      %get3A_330 = vector.shape_cast %get3A_329 : vector<1x16xf32> to vector<16xf32>
      %get3A_331 = arith.index_cast %scan3A_319 : i32 to index
      %get3A_332 = arith.constant 48 : index
      %get3A_333 = tpu.vector_load %arg8[%get3A_331, %get3A_332] {strides = array<i32>} : memref<64x128xf32, #tpu.memory_space<vmem>>, vector<1x16xf32>,
      %get3A_334 = vector.shape_cast %get3A_333 : vector<1x16xf32> to vector<16xf32>
      %get3A_335 = arith.index_cast %scan3A_319 : i32 to index
      %get3A_336 = arith.constant 64 : index
      %get3A_337 = tpu.vector_load %arg8[%get3A_335, %get3A_336] {strides = array<i32>} : memref<64x128xf32, #tpu.memory_space<vmem>>, vector<1x16xf32>,
      %get3A_338 = vector.shape_cast %get3A_337 : vector<1x16xf32> to vector<16xf32>
      %get3A_339 = arith.index_cast %scan3A_319 : i32 to index
      %get3A_340 = arith.constant 80 : index
      %get3A_341 = tpu.vector_load %arg8[%get3A_339, %get3A_340] {strides = array<i32>} : memref<64x128xf32, #tpu.memory_space<vmem>>, vector<1x16xf32>,
      %get3A_342 = vector.shape_cast %get3A_341 : vector<1x16xf32> to vector<16xf32>
      %get3A_343 = arith.index_cast %scan3A_319 : i32 to index
      %get3A_344 = arith.constant 96 : index
      %get3A_345 = tpu.vector_load %arg8[%get3A_343, %get3A_344] {strides = array<i32>} : memref<64x128xf32, #tpu.memory_space<vmem>>, vector<1x16xf32>,
      %get3A_346 = vector.shape_cast %get3A_345 : vector<1x16xf32> to vector<16xf32>
      %get3A_347 = arith.index_cast %scan3A_319 : i32 to index
      %get3A_348 = arith.constant 112 : index
      %get3A_349 = tpu.vector_load %arg8[%get3A_347, %get3A_348] {strides = array<i32>} : memref<64x128xf32, #tpu.memory_space<vmem>>, vector<1x16xf32>,
      %get3A_350 = vector.shape_cast %get3A_349 : vector<1x16xf32> to vector<16xf32>
      %add3A_351 = arith.constant 0 : i32
      %add3A_352 = arith.addi %add3A_351, %scan3A_319 : i32
      %swap3A = arith.constant 0 : i32
      %swap3A_353 = arith.constant 0 : i32
      %swap3A_354 = tpu.memref_slice %arg7[%scan3A_156, %swap3A, %swap3A_353] : memref<4x128x128xf32, #tpu.memory_space<vmem>> -> memref<1x128x128xf32, #tpu.memory_space<vmem>>
      %swap3A_355 = tpu.memref_squeeze %swap3A_354 : memref<1x128x128xf32, #tpu.memory_space<vmem>> -> memref<128x128xf32, #tpu.memory_space<vmem>>
      %swap3A_356 = arith.index_cast %add3A_352 : i32 to index
      %swap3A_357 = arith.constant 0 : index
      %swap3A_358 = tpu.vector_load %swap3A_355[%swap3A_356, %swap3A_357] {strides = array<i32>} : memref<128x128xf32, #tpu.memory_space<vmem>>, vector<1x16xf32>,
      %swap3A_359 = vector.shape_cast %swap3A_358 : vector<1x16xf32> to vector<16xf32>
      %swap3A_360 = vector.shape_cast %get3A_322 : vector<16xf32> to vector<1x16xf32>
      tpu.vector_store %swap3A_355[%swap3A_356, %swap3A_357], %swap3A_360 {add = true, strides = array<i32>} : memref<128x128xf32, #tpu.memory_space<vmem>>, vector<1x16xf32>,
      %swap3A_361 = arith.constant 0 : i32
      %swap3A_362 = arith.constant 0 : i32
      %swap3A_363 = tpu.memref_slice %arg7[%scan3A_156, %swap3A_361, %swap3A_362] : memref<4x128x128xf32, #tpu.memory_space<vmem>> -> memref<1x128x128xf32, #tpu.memory_space<vmem>>
      %swap3A_364 = tpu.memref_squeeze %swap3A_363 : memref<1x128x128xf32, #tpu.memory_space<vmem>> -> memref<128x128xf32, #tpu.memory_space<vmem>>
      %swap3A_365 = arith.index_cast %add3A_352 : i32 to index
      %swap3A_366 = arith.constant 16 : index
      %swap3A_367 = tpu.vector_load %swap3A_364[%swap3A_365, %swap3A_366] {strides = array<i32>} : memref<128x128xf32, #tpu.memory_space<vmem>>, vector<1x16xf32>,
      %swap3A_368 = vector.shape_cast %swap3A_367 : vector<1x16xf32> to vector<16xf32>
      %swap3A_369 = vector.shape_cast %get3A_326 : vector<16xf32> to vector<1x16xf32>
      tpu.vector_store %swap3A_364[%swap3A_365, %swap3A_366], %swap3A_369 {add = true, strides = array<i32>} : memref<128x128xf32, #tpu.memory_space<vmem>>, vector<1x16xf32>,
      %swap3A_370 = arith.constant 0 : i32
      %swap3A_371 = arith.constant 0 : i32
      %swap3A_372 = tpu.memref_slice %arg7[%scan3A_156, %swap3A_370, %swap3A_371] : memref<4x128x128xf32, #tpu.memory_space<vmem>> -> memref<1x128x128xf32, #tpu.memory_space<vmem>>
      %swap3A_373 = tpu.memref_squeeze %swap3A_372 : memref<1x128x128xf32, #tpu.memory_space<vmem>> -> memref<128x128xf32, #tpu.memory_space<vmem>>
      %swap3A_374 = arith.index_cast %add3A_352 : i32 to index
      %swap3A_375 = arith.constant 32 : index
      %swap3A_376 = tpu.vector_load %swap3A_373[%swap3A_374, %swap3A_375] {strides = array<i32>} : memref<128x128xf32, #tpu.memory_space<vmem>>, vector<1x16xf32>,
      %swap3A_377 = vector.shape_cast %swap3A_376 : vector<1x16xf32> to vector<16xf32>
      %swap3A_378 = vector.shape_cast %get3A_330 : vector<16xf32> to vector<1x16xf32>
      tpu.vector_store %swap3A_373[%swap3A_374, %swap3A_375], %swap3A_378 {add = true, strides = array<i32>} : memref<128x128xf32, #tpu.memory_space<vmem>>, vector<1x16xf32>,
      %swap3A_379 = arith.constant 0 : i32
      %swap3A_380 = arith.constant 0 : i32
      %swap3A_381 = tpu.memref_slice %arg7[%scan3A_156, %swap3A_379, %swap3A_380] : memref<4x128x128xf32, #tpu.memory_space<vmem>> -> memref<1x128x128xf32, #tpu.memory_space<vmem>>
      %swap3A_382 = tpu.memref_squeeze %swap3A_381 : memref<1x128x128xf32, #tpu.memory_space<vmem>> -> memref<128x128xf32, #tpu.memory_space<vmem>>
      %swap3A_383 = arith.index_cast %add3A_352 : i32 to index
      %swap3A_384 = arith.constant 48 : index
      %swap3A_385 = tpu.vector_load %swap3A_382[%swap3A_383, %swap3A_384] {strides = array<i32>} : memref<128x128xf32, #tpu.memory_space<vmem>>, vector<1x16xf32>,
      %swap3A_386 = vector.shape_cast %swap3A_385 : vector<1x16xf32> to vector<16xf32>
      %swap3A_387 = vector.shape_cast %get3A_334 : vector<16xf32> to vector<1x16xf32>
      tpu.vector_store %swap3A_382[%swap3A_383, %swap3A_384], %swap3A_387 {add = true, strides = array<i32>} : memref<128x128xf32, #tpu.memory_space<vmem>>, vector<1x16xf32>,
      %swap3A_388 = arith.constant 0 : i32
      %swap3A_389 = arith.constant 0 : i32
      %swap3A_390 = tpu.memref_slice %arg7[%scan3A_156, %swap3A_388, %swap3A_389] : memref<4x128x128xf32, #tpu.memory_space<vmem>> -> memref<1x128x128xf32, #tpu.memory_space<vmem>>
      %swap3A_391 = tpu.memref_squeeze %swap3A_390 : memref<1x128x128xf32, #tpu.memory_space<vmem>> -> memref<128x128xf32, #tpu.memory_space<vmem>>
      %swap3A_392 = arith.index_cast %add3A_352 : i32 to index
      %swap3A_393 = arith.constant 64 : index
      %swap3A_394 = tpu.vector_load %swap3A_391[%swap3A_392, %swap3A_393] {strides = array<i32>} : memref<128x128xf32, #tpu.memory_space<vmem>>, vector<1x16xf32>,
      %swap3A_395 = vector.shape_cast %swap3A_394 : vector<1x16xf32> to vector<16xf32>
      %swap3A_396 = vector.shape_cast %get3A_338 : vector<16xf32> to vector<1x16xf32>
      tpu.vector_store %swap3A_391[%swap3A_392, %swap3A_393], %swap3A_396 {add = true, strides = array<i32>} : memref<128x128xf32, #tpu.memory_space<vmem>>, vector<1x16xf32>,
      %swap3A_397 = arith.constant 0 : i32
      %swap3A_398 = arith.constant 0 : i32
      %swap3A_399 = tpu.memref_slice %arg7[%scan3A_156, %swap3A_397, %swap3A_398] : memref<4x128x128xf32, #tpu.memory_space<vmem>> -> memref<1x128x128xf32, #tpu.memory_space<vmem>>
      %swap3A_400 = tpu.memref_squeeze %swap3A_399 : memref<1x128x128xf32, #tpu.memory_space<vmem>> -> memref<128x128xf32, #tpu.memory_space<vmem>>
      %swap3A_401 = arith.index_cast %add3A_352 : i32 to index
      %swap3A_402 = arith.constant 80 : index
      %swap3A_403 = tpu.vector_load %swap3A_400[%swap3A_401, %swap3A_402] {strides = array<i32>} : memref<128x128xf32, #tpu.memory_space<vmem>>, vector<1x16xf32>,
      %swap3A_404 = vector.shape_cast %swap3A_403 : vector<1x16xf32> to vector<16xf32>
      %swap3A_405 = vector.shape_cast %get3A_342 : vector<16xf32> to vector<1x16xf32>
      tpu.vector_store %swap3A_400[%swap3A_401, %swap3A_402], %swap3A_405 {add = true, strides = array<i32>} : memref<128x128xf32, #tpu.memory_space<vmem>>, vector<1x16xf32>,
      %swap3A_406 = arith.constant 0 : i32
      %swap3A_407 = arith.constant 0 : i32
      %swap3A_408 = tpu.memref_slice %arg7[%scan3A_156, %swap3A_406, %swap3A_407] : memref<4x128x128xf32, #tpu.memory_space<vmem>> -> memref<1x128x128xf32, #tpu.memory_space<vmem>>
      %swap3A_409 = tpu.memref_squeeze %swap3A_408 : memref<1x128x128xf32, #tpu.memory_space<vmem>> -> memref<128x128xf32, #tpu.memory_space<vmem>>
      %swap3A_410 = arith.index_cast %add3A_352 : i32 to index
      %swap3A_411 = arith.constant 96 : index
      %swap3A_412 = tpu.vector_load %swap3A_409[%swap3A_410, %swap3A_411] {strides = array<i32>} : memref<128x128xf32, #tpu.memory_space<vmem>>, vector<1x16xf32>,
      %swap3A_413 = vector.shape_cast %swap3A_412 : vector<1x16xf32> to vector<16xf32>
      %swap3A_414 = vector.shape_cast %get3A_346 : vector<16xf32> to vector<1x16xf32>
      tpu.vector_store %swap3A_409[%swap3A_410, %swap3A_411], %swap3A_414 {add = true, strides = array<i32>} : memref<128x128xf32, #tpu.memory_space<vmem>>, vector<1x16xf32>,
      %swap3A_415 = arith.constant 0 : i32
      %swap3A_416 = arith.constant 0 : i32
      %swap3A_417 = tpu.memref_slice %arg7[%scan3A_156, %swap3A_415, %swap3A_416] : memref<4x128x128xf32, #tpu.memory_space<vmem>> -> memref<1x128x128xf32, #tpu.memory_space<vmem>>
      %swap3A_418 = tpu.memref_squeeze %swap3A_417 : memref<1x128x128xf32, #tpu.memory_space<vmem>> -> memref<128x128xf32, #tpu.memory_space<vmem>>
      %swap3A_419 = arith.index_cast %add3A_352 : i32 to index
      %swap3A_420 = arith.constant 112 : index
      %swap3A_421 = tpu.vector_load %swap3A_418[%swap3A_419, %swap3A_420] {strides = array<i32>} : memref<128x128xf32, #tpu.memory_space<vmem>>, vector<1x16xf32>,
      %swap3A_422 = vector.shape_cast %swap3A_421 : vector<1x16xf32> to vector<16xf32>
      %swap3A_423 = vector.shape_cast %get3A_350 : vector<16xf32> to vector<1x16xf32>
      tpu.vector_store %swap3A_418[%swap3A_419, %swap3A_420], %swap3A_423 {add = true, strides = array<i32>} : memref<128x128xf32, #tpu.memory_space<vmem>>, vector<1x16xf32>,
      %add3A_424 = arith.constant 64 : i32
      %add3A_425 = arith.addi %add3A_424, %scan3A_319 : i32
      %swap3A_426 = arith.constant 0 : i32
      %swap3A_427 = arith.constant 0 : i32
      %swap3A_428 = tpu.memref_slice %arg7[%scan3A_156, %swap3A_426, %swap3A_427] : memref<4x128x128xf32, #tpu.memory_space<vmem>> -> memref<1x128x128xf32, #tpu.memory_space<vmem>>
      %swap3A_429 = tpu.memref_squeeze %swap3A_428 : memref<1x128x128xf32, #tpu.memory_space<vmem>> -> memref<128x128xf32, #tpu.memory_space<vmem>>
      %swap3A_430 = arith.index_cast %add3A_425 : i32 to index
      %swap3A_431 = arith.constant 0 : index
      %swap3A_432 = tpu.vector_load %swap3A_429[%swap3A_430, %swap3A_431] {strides = array<i32>} : memref<128x128xf32, #tpu.memory_space<vmem>>, vector<1x16xf32>,
      %swap3A_433 = vector.shape_cast %swap3A_432 : vector<1x16xf32> to vector<16xf32>
      %swap3A_434 = vector.shape_cast %get3A_322 : vector<16xf32> to vector<1x16xf32>
      tpu.vector_store %swap3A_429[%swap3A_430, %swap3A_431], %swap3A_434 {add = true, strides = array<i32>} : memref<128x128xf32, #tpu.memory_space<vmem>>, vector<1x16xf32>,
      %swap3A_435 = arith.constant 0 : i32
      %swap3A_436 = arith.constant 0 : i32
      %swap3A_437 = tpu.memref_slice %arg7[%scan3A_156, %swap3A_435, %swap3A_436] : memref<4x128x128xf32, #tpu.memory_space<vmem>> -> memref<1x128x128xf32, #tpu.memory_space<vmem>>
      %swap3A_438 = tpu.memref_squeeze %swap3A_437 : memref<1x128x128xf32, #tpu.memory_space<vmem>> -> memref<128x128xf32, #tpu.memory_space<vmem>>
      %swap3A_439 = arith.index_cast %add3A_425 : i32 to index
      %swap3A_440 = arith.constant 16 : index
      %swap3A_441 = tpu.vector_load %swap3A_438[%swap3A_439, %swap3A_440] {strides = array<i32>} : memref<128x128xf32, #tpu.memory_space<vmem>>, vector<1x16xf32>,
      %swap3A_442 = vector.shape_cast %swap3A_441 : vector<1x16xf32> to vector<16xf32>
      %swap3A_443 = vector.shape_cast %get3A_326 : vector<16xf32> to vector<1x16xf32>
      tpu.vector_store %swap3A_438[%swap3A_439, %swap3A_440], %swap3A_443 {add = true, strides = array<i32>} : memref<128x128xf32, #tpu.memory_space<vmem>>, vector<1x16xf32>,
      %swap3A_444 = arith.constant 0 : i32
      %swap3A_445 = arith.constant 0 : i32
      %swap3A_446 = tpu.memref_slice %arg7[%scan3A_156, %swap3A_444, %swap3A_445] : memref<4x128x128xf32, #tpu.memory_space<vmem>> -> memref<1x128x128xf32, #tpu.memory_space<vmem>>
      %swap3A_447 = tpu.memref_squeeze %swap3A_446 : memref<1x128x128xf32, #tpu.memory_space<vmem>> -> memref<128x128xf32, #tpu.memory_space<vmem>>
      %swap3A_448 = arith.index_cast %add3A_425 : i32 to index
      %swap3A_449 = arith.constant 32 : index
      %swap3A_450 = tpu.vector_load %swap3A_447[%swap3A_448, %swap3A_449] {strides = array<i32>} : memref<128x128xf32, #tpu.memory_space<vmem>>, vector<1x16xf32>,
      %swap3A_451 = vector.shape_cast %swap3A_450 : vector<1x16xf32> to vector<16xf32>
      %swap3A_452 = vector.shape_cast %get3A_330 : vector<16xf32> to vector<1x16xf32>
      tpu.vector_store %swap3A_447[%swap3A_448, %swap3A_449], %swap3A_452 {add = true, strides = array<i32>} : memref<128x128xf32, #tpu.memory_space<vmem>>, vector<1x16xf32>,
      %swap3A_453 = arith.constant 0 : i32
      %swap3A_454 = arith.constant 0 : i32
      %swap3A_455 = tpu.memref_slice %arg7[%scan3A_156, %swap3A_453, %swap3A_454] : memref<4x128x128xf32, #tpu.memory_space<vmem>> -> memref<1x128x128xf32, #tpu.memory_space<vmem>>
      %swap3A_456 = tpu.memref_squeeze %swap3A_455 : memref<1x128x128xf32, #tpu.memory_space<vmem>> -> memref<128x128xf32, #tpu.memory_space<vmem>>
      %swap3A_457 = arith.index_cast %add3A_425 : i32 to index
      %swap3A_458 = arith.constant 48 : index
      %swap3A_459 = tpu.vector_load %swap3A_456[%swap3A_457, %swap3A_458] {strides = array<i32>} : memref<128x128xf32, #tpu.memory_space<vmem>>, vector<1x16xf32>,
      %swap3A_460 = vector.shape_cast %swap3A_459 : vector<1x16xf32> to vector<16xf32>
      %swap3A_461 = vector.shape_cast %get3A_334 : vector<16xf32> to vector<1x16xf32>
      tpu.vector_store %swap3A_456[%swap3A_457, %swap3A_458], %swap3A_461 {add = true, strides = array<i32>} : memref<128x128xf32, #tpu.memory_space<vmem>>, vector<1x16xf32>,
      %swap3A_462 = arith.constant 0 : i32
      %swap3A_463 = arith.constant 0 : i32
      %swap3A_464 = tpu.memref_slice %arg7[%scan3A_156, %swap3A_462, %swap3A_463] : memref<4x128x128xf32, #tpu.memory_space<vmem>> -> memref<1x128x128xf32, #tpu.memory_space<vmem>>
      %swap3A_465 = tpu.memref_squeeze %swap3A_464 : memref<1x128x128xf32, #tpu.memory_space<vmem>> -> memref<128x128xf32, #tpu.memory_space<vmem>>
      %swap3A_466 = arith.index_cast %add3A_425 : i32 to index
      %swap3A_467 = arith.constant 64 : index
      %swap3A_468 = tpu.vector_load %swap3A_465[%swap3A_466, %swap3A_467] {strides = array<i32>} : memref<128x128xf32, #tpu.memory_space<vmem>>, vector<1x16xf32>,
      %swap3A_469 = vector.shape_cast %swap3A_468 : vector<1x16xf32> to vector<16xf32>
      %swap3A_470 = vector.shape_cast %get3A_338 : vector<16xf32> to vector<1x16xf32>
      tpu.vector_store %swap3A_465[%swap3A_466, %swap3A_467], %swap3A_470 {add = true, strides = array<i32>} : memref<128x128xf32, #tpu.memory_space<vmem>>, vector<1x16xf32>,
      %swap3A_471 = arith.constant 0 : i32
      %swap3A_472 = arith.constant 0 : i32
      %swap3A_473 = tpu.memref_slice %arg7[%scan3A_156, %swap3A_471, %swap3A_472] : memref<4x128x128xf32, #tpu.memory_space<vmem>> -> memref<1x128x128xf32, #tpu.memory_space<vmem>>
      %swap3A_474 = tpu.memref_squeeze %swap3A_473 : memref<1x128x128xf32, #tpu.memory_space<vmem>> -> memref<128x128xf32, #tpu.memory_space<vmem>>
      %swap3A_475 = arith.index_cast %add3A_425 : i32 to index
      %swap3A_476 = arith.constant 80 : index
      %swap3A_477 = tpu.vector_load %swap3A_474[%swap3A_475, %swap3A_476] {strides = array<i32>} : memref<128x128xf32, #tpu.memory_space<vmem>>, vector<1x16xf32>,
      %swap3A_478 = vector.shape_cast %swap3A_477 : vector<1x16xf32> to vector<16xf32>
      %swap3A_479 = vector.shape_cast %get3A_342 : vector<16xf32> to vector<1x16xf32>
      tpu.vector_store %swap3A_474[%swap3A_475, %swap3A_476], %swap3A_479 {add = true, strides = array<i32>} : memref<128x128xf32, #tpu.memory_space<vmem>>, vector<1x16xf32>,
      %swap3A_480 = arith.constant 0 : i32
      %swap3A_481 = arith.constant 0 : i32
      %swap3A_482 = tpu.memref_slice %arg7[%scan3A_156, %swap3A_480, %swap3A_481] : memref<4x128x128xf32, #tpu.memory_space<vmem>> -> memref<1x128x128xf32, #tpu.memory_space<vmem>>
      %swap3A_483 = tpu.memref_squeeze %swap3A_482 : memref<1x128x128xf32, #tpu.memory_space<vmem>> -> memref<128x128xf32, #tpu.memory_space<vmem>>
      %swap3A_484 = arith.index_cast %add3A_425 : i32 to index
      %swap3A_485 = arith.constant 96 : index
      %swap3A_486 = tpu.vector_load %swap3A_483[%swap3A_484, %swap3A_485] {strides = array<i32>} : memref<128x128xf32, #tpu.memory_space<vmem>>, vector<1x16xf32>,
      %swap3A_487 = vector.shape_cast %swap3A_486 : vector<1x16xf32> to vector<16xf32>
      %swap3A_488 = vector.shape_cast %get3A_346 : vector<16xf32> to vector<1x16xf32>
      tpu.vector_store %swap3A_483[%swap3A_484, %swap3A_485], %swap3A_488 {add = true, strides = array<i32>} : memref<128x128xf32, #tpu.memory_space<vmem>>, vector<1x16xf32>,
      %swap3A_489 = arith.constant 0 : i32
      %swap3A_490 = arith.constant 0 : i32
      %swap3A_491 = tpu.memref_slice %arg7[%scan3A_156, %swap3A_489, %swap3A_490] : memref<4x128x128xf32, #tpu.memory_space<vmem>> -> memref<1x128x128xf32, #tpu.memory_space<vmem>>
      %swap3A_492 = tpu.memref_squeeze %swap3A_491 : memref<1x128x128xf32, #tpu.memory_space<vmem>> -> memref<128x128xf32, #tpu.memory_space<vmem>>
      %swap3A_493 = arith.index_cast %add3A_425 : i32 to index
      %swap3A_494 = arith.constant 112 : index
      %swap3A_495 = tpu.vector_load %swap3A_492[%swap3A_493, %swap3A_494] {strides = array<i32>} : memref<128x128xf32, #tpu.memory_space<vmem>>, vector<1x16xf32>,
      %swap3A_496 = vector.shape_cast %swap3A_495 : vector<1x16xf32> to vector<16xf32>
      %swap3A_497 = vector.shape_cast %get3A_350 : vector<16xf32> to vector<1x16xf32>
      tpu.vector_store %swap3A_492[%swap3A_493, %swap3A_494], %swap3A_497 {add = true, strides = array<i32>} : memref<128x128xf32, #tpu.memory_space<vmem>>, vector<1x16xf32>,
    }
    %scan3A_161 = arith.constant 64 : i32
    %add3A_162 = arith.constant 256 : i32
    %add3A_163 = arith.addi %mul3A_2, %add3A_162 : i32
    %dma_start3A_164 = arith.constant 2 : i32
    %dma_start3A_165 = arith.constant 0 : i32
    %dma_start3A_166 = arith.constant 0 : i32
    %dma_start3A_167 = tpu.memref_slice %arg7[%dma_start3A_164, %dma_start3A_165, %dma_start3A_166] : memref<4x128x128xf32, #tpu.memory_space<vmem>> -> memref<1x128x128xf32, #tpu.memory_space<vmem>>
    %dma_start3A_168 = tpu.memref_squeeze %dma_start3A_167 : memref<1x128x128xf32, #tpu.memory_space<vmem>> -> memref<128x128xf32, #tpu.memory_space<vmem>>
    %dma_start3A_169 = arith.constant 0 : i32
    %dma_start3A_170 = tpu.memref_slice %arg5[%add3A_163, %dma_start3A_169] : memref<262144x128xf32, #tpu.memory_space<hbm>> -> memref<128x128xf32, #tpu.memory_space<hbm>>
    %dma_start3A_171 = arith.constant 0 : i32
    %dma_start3A_172 = tpu.memref_slice %arg5[%add3A_163, %dma_start3A_171] : memref<262144x128xf32, #tpu.memory_space<hbm>> -> memref<128x128xf32, #tpu.memory_space<hbm>>
    %dma_start3A_173 = arith.constant 0 : i32
    %dma_start3A_174 = arith.constant 0 : i32
    %dma_start3A_175 = tpu.memref_slice %arg7[%dma_start3A_164, %dma_start3A_173, %dma_start3A_174] : memref<4x128x128xf32, #tpu.memory_space<vmem>> -> memref<1x128x128xf32, #tpu.memory_space<vmem>>
    %dma_start3A_176 = tpu.memref_squeeze %dma_start3A_175 : memref<1x128x128xf32, #tpu.memory_space<vmem>> -> memref<128x128xf32, #tpu.memory_space<vmem>>
    tpu.enqueue_dma source(%dma_start3A_176 : memref<128x128xf32, #tpu.memory_space<vmem>>) target(%dma_start3A_172 : memref<128x128xf32, #tpu.memory_space<hbm>>) target_semaphore(%arg15 : memref<!tpu.dma_semaphore, #tpu.memory_space<semaphore_mem>>)
    %dma_wait3A_177 = arith.constant 1 : i32
    %dma_wait3A_178 = arith.constant 0 : i32
    %dma_wait3A_179 = arith.constant 0 : i32
    %dma_wait3A_180 = tpu.memref_slice %arg7[%dma_wait3A_177, %dma_wait3A_178, %dma_wait3A_179] : memref<4x128x128xf32, #tpu.memory_space<vmem>> -> memref<1x128x128xf32, #tpu.memory_space<vmem>>
    %dma_wait3A_181 = tpu.memref_squeeze %dma_wait3A_180 : memref<1x128x128xf32, #tpu.memory_space<vmem>> -> memref<128x128xf32, #tpu.memory_space<vmem>>
    %dma_wait3A_182 = arith.constant 0 : i32
    %dma_wait3A_183 = tpu.memref_slice %arg5[%mul3A_2, %dma_wait3A_182] : memref<262144x128xf32, #tpu.memory_space<hbm>> -> memref<128x128xf32, #tpu.memory_space<hbm>>
    %dma_wait3A_184 = arith.constant 0 : i32
    %dma_wait3A_185 = tpu.memref_slice %arg5[%mul3A_2, %dma_wait3A_184] : memref<262144x128xf32, #tpu.memory_space<hbm>> -> memref<128x128xf32, #tpu.memory_space<hbm>>
    %dma_wait3A_186 = arith.constant 0 : i32
    %dma_wait3A_187 = arith.constant 0 : i32
    %dma_wait3A_188 = tpu.memref_slice %arg7[%dma_wait3A_177, %dma_wait3A_186, %dma_wait3A_187] : memref<4x128x128xf32, #tpu.memory_space<vmem>> -> memref<1x128x128xf32, #tpu.memory_space<vmem>>
    %dma_wait3A_189 = tpu.memref_squeeze %dma_wait3A_188 : memref<1x128x128xf32, #tpu.memory_space<vmem>> -> memref<128x128xf32, #tpu.memory_space<vmem>>
    tpu.wait_dma2 semaphore(%arg14 : memref<!tpu.dma_semaphore, #tpu.memory_space<semaphore_mem>>) src(%dma_wait3A_189 : memref<128x128xf32, #tpu.memory_space<vmem>>) dst(%dma_wait3A_185 : memref<128x128xf32, #tpu.memory_space<hbm>>)
    %dma_start3A_190 = arith.constant 5 : i32
    %dma_start3A_191 = arith.constant 1 : i32
    %dma_start3A_192 = arith.constant 0 : i32
    %dma_start3A_193 = arith.constant 0 : i32
    %dma_start3A_194 = tpu.memref_slice %arg7[%dma_start3A_191, %dma_start3A_192, %dma_start3A_193] : memref<4x128x128xf32, #tpu.memory_space<vmem>> -> memref<1x128x128xf32, #tpu.memory_space<vmem>>
    %dma_start3A_195 = tpu.memref_squeeze %dma_start3A_194 : memref<1x128x128xf32, #tpu.memory_space<vmem>> -> memref<128x128xf32, #tpu.memory_space<vmem>>
    %dma_start3A_196 = arith.constant 0 : i32
    %dma_start3A_197 = tpu.memref_slice %arg6[%dma_start3A_190, %dma_start3A_196] : memref<64x128xi32, #tpu.memory_space<vmem>> -> memref<1x128xi32, #tpu.memory_space<vmem>>
    %dma_start3A_198 = tpu.memref_squeeze %dma_start3A_197 : memref<1x128xi32, #tpu.memory_space<vmem>> -> memref<128xi32, #tpu.memory_space<vmem>>
    %dma_start3A_199 = arith.constant 0 : i32
    %dma_start3A_200 = arith.constant 0 : i32
    %dma_start3A_201 = tpu.memref_slice %arg3[%dma_start3A_199, %dma_start3A_200] : memref<100000x128xf32, #tpu.memory_space<hbm>> -> memref<100000x128xf32, #tpu.memory_space<hbm>>
    tpu.enqueue_indirect_dma source(%dma_start3A_201 : memref<100000x128xf32, #tpu.memory_space<hbm>>) target(%dma_start3A_195 : memref<128x128xf32, #tpu.memory_space<vmem>>) offsets(%dma_start3A_198 : memref<128xi32, #tpu.memory_space<vmem>>) semaphore(%arg10 : memref<!tpu.dma_semaphore, #tpu.memory_space<semaphore_mem>>)
    %dma_wait3A_202 = arith.constant 0 : i32
    %dma_wait3A_203 = arith.constant 3 : i32
    %dma_wait3A_204 = arith.constant 0 : i32
    %dma_wait3A_205 = arith.constant 0 : i32
    %dma_wait3A_206 = tpu.memref_slice %arg7[%dma_wait3A_203, %dma_wait3A_204, %dma_wait3A_205] : memref<4x128x128xf32, #tpu.memory_space<vmem>> -> memref<1x128x128xf32, #tpu.memory_space<vmem>>
    %dma_wait3A_207 = tpu.memref_squeeze %dma_wait3A_206 : memref<1x128x128xf32, #tpu.memory_space<vmem>> -> memref<128x128xf32, #tpu.memory_space<vmem>>
    %dma_wait3A_208 = arith.constant 0 : i32
    %dma_wait3A_209 = tpu.memref_slice %arg6[%dma_wait3A_202, %dma_wait3A_208] : memref<64x128xi32, #tpu.memory_space<vmem>> -> memref<1x128xi32, #tpu.memory_space<vmem>>
    %dma_wait3A_210 = tpu.memref_squeeze %dma_wait3A_209 : memref<1x128xi32, #tpu.memory_space<vmem>> -> memref<128xi32, #tpu.memory_space<vmem>>
    %dma_wait3A_211 = arith.constant 0 : i32
    %dma_wait3A_212 = arith.constant 0 : i32
    %dma_wait3A_213 = tpu.memref_slice %arg3[%dma_wait3A_211, %dma_wait3A_212] : memref<100000x128xf32, #tpu.memory_space<hbm>> -> memref<100000x128xf32, #tpu.memory_space<hbm>>
    tpu.wait_indirect_dma semaphore(%arg12 : memref<!tpu.dma_semaphore, #tpu.memory_space<semaphore_mem>>) src(%dma_wait3A_213 : memref<100000x128xf32, #tpu.memory_space<hbm>>) dst(%dma_wait3A_207 : memref<128x128xf32, #tpu.memory_space<vmem>>)
    %scan3A_214 = arith.constant 0 : i32
    %scan3A_215 = arith.constant 3 : i32
    %scan3A_216 = arith.constant 0 : i32
    %scan3A_217 = arith.constant 64 : i32
    %scan3A_218 = arith.addi %scan3A_216, %scan3A_217 : i32
    %scan3A_219 = arith.constant 1 : i32
    scf.for %scan3A_319 = %scan3A_216 to %scan3A_218 step %scan3A_219  : i32 {
      %get3A = arith.index_cast %scan3A_319 : i32 to index
      %get3A_320 = arith.constant 0 : index
      %get3A_321 = tpu.vector_load %arg8[%get3A, %get3A_320] {strides = array<i32>} : memref<64x128xf32, #tpu.memory_space<vmem>>, vector<1x16xf32>,
      %get3A_322 = vector.shape_cast %get3A_321 : vector<1x16xf32> to vector<16xf32>
      %get3A_323 = arith.index_cast %scan3A_319 : i32 to index
      %get3A_324 = arith.constant 16 : index
      %get3A_325 = tpu.vector_load %arg8[%get3A_323, %get3A_324] {strides = array<i32>} : memref<64x128xf32, #tpu.memory_space<vmem>>, vector<1x16xf32>,
      %get3A_326 = vector.shape_cast %get3A_325 : vector<1x16xf32> to vector<16xf32>
      %get3A_327 = arith.index_cast %scan3A_319 : i32 to index
      %get3A_328 = arith.constant 32 : index
      %get3A_329 = tpu.vector_load %arg8[%get3A_327, %get3A_328] {strides = array<i32>} : memref<64x128xf32, #tpu.memory_space<vmem>>, vector<1x16xf32>,
      %get3A_330 = vector.shape_cast %get3A_329 : vector<1x16xf32> to vector<16xf32>
      %get3A_331 = arith.index_cast %scan3A_319 : i32 to index
      %get3A_332 = arith.constant 48 : index
      %get3A_333 = tpu.vector_load %arg8[%get3A_331, %get3A_332] {strides = array<i32>} : memref<64x128xf32, #tpu.memory_space<vmem>>, vector<1x16xf32>,
      %get3A_334 = vector.shape_cast %get3A_333 : vector<1x16xf32> to vector<16xf32>
      %get3A_335 = arith.index_cast %scan3A_319 : i32 to index
      %get3A_336 = arith.constant 64 : index
      %get3A_337 = tpu.vector_load %arg8[%get3A_335, %get3A_336] {strides = array<i32>} : memref<64x128xf32, #tpu.memory_space<vmem>>, vector<1x16xf32>,
      %get3A_338 = vector.shape_cast %get3A_337 : vector<1x16xf32> to vector<16xf32>
      %get3A_339 = arith.index_cast %scan3A_319 : i32 to index
      %get3A_340 = arith.constant 80 : index
      %get3A_341 = tpu.vector_load %arg8[%get3A_339, %get3A_340] {strides = array<i32>} : memref<64x128xf32, #tpu.memory_space<vmem>>, vector<1x16xf32>,
      %get3A_342 = vector.shape_cast %get3A_341 : vector<1x16xf32> to vector<16xf32>
      %get3A_343 = arith.index_cast %scan3A_319 : i32 to index
      %get3A_344 = arith.constant 96 : index
      %get3A_345 = tpu.vector_load %arg8[%get3A_343, %get3A_344] {strides = array<i32>} : memref<64x128xf32, #tpu.memory_space<vmem>>, vector<1x16xf32>,
      %get3A_346 = vector.shape_cast %get3A_345 : vector<1x16xf32> to vector<16xf32>
      %get3A_347 = arith.index_cast %scan3A_319 : i32 to index
      %get3A_348 = arith.constant 112 : index
      %get3A_349 = tpu.vector_load %arg8[%get3A_347, %get3A_348] {strides = array<i32>} : memref<64x128xf32, #tpu.memory_space<vmem>>, vector<1x16xf32>,
      %get3A_350 = vector.shape_cast %get3A_349 : vector<1x16xf32> to vector<16xf32>
      %add3A_351 = arith.constant 0 : i32
      %add3A_352 = arith.addi %add3A_351, %scan3A_319 : i32
      %swap3A = arith.constant 0 : i32
      %swap3A_353 = arith.constant 0 : i32
      %swap3A_354 = tpu.memref_slice %arg7[%scan3A_215, %swap3A, %swap3A_353] : memref<4x128x128xf32, #tpu.memory_space<vmem>> -> memref<1x128x128xf32, #tpu.memory_space<vmem>>
      %swap3A_355 = tpu.memref_squeeze %swap3A_354 : memref<1x128x128xf32, #tpu.memory_space<vmem>> -> memref<128x128xf32, #tpu.memory_space<vmem>>
      %swap3A_356 = arith.index_cast %add3A_352 : i32 to index
      %swap3A_357 = arith.constant 0 : index
      %swap3A_358 = tpu.vector_load %swap3A_355[%swap3A_356, %swap3A_357] {strides = array<i32>} : memref<128x128xf32, #tpu.memory_space<vmem>>, vector<1x16xf32>,
      %swap3A_359 = vector.shape_cast %swap3A_358 : vector<1x16xf32> to vector<16xf32>
      %swap3A_360 = vector.shape_cast %get3A_322 : vector<16xf32> to vector<1x16xf32>
      tpu.vector_store %swap3A_355[%swap3A_356, %swap3A_357], %swap3A_360 {add = true, strides = array<i32>} : memref<128x128xf32, #tpu.memory_space<vmem>>, vector<1x16xf32>,
      %swap3A_361 = arith.constant 0 : i32
      %swap3A_362 = arith.constant 0 : i32
      %swap3A_363 = tpu.memref_slice %arg7[%scan3A_215, %swap3A_361, %swap3A_362] : memref<4x128x128xf32, #tpu.memory_space<vmem>> -> memref<1x128x128xf32, #tpu.memory_space<vmem>>
      %swap3A_364 = tpu.memref_squeeze %swap3A_363 : memref<1x128x128xf32, #tpu.memory_space<vmem>> -> memref<128x128xf32, #tpu.memory_space<vmem>>
      %swap3A_365 = arith.index_cast %add3A_352 : i32 to index
      %swap3A_366 = arith.constant 16 : index
      %swap3A_367 = tpu.vector_load %swap3A_364[%swap3A_365, %swap3A_366] {strides = array<i32>} : memref<128x128xf32, #tpu.memory_space<vmem>>, vector<1x16xf32>,
      %swap3A_368 = vector.shape_cast %swap3A_367 : vector<1x16xf32> to vector<16xf32>
      %swap3A_369 = vector.shape_cast %get3A_326 : vector<16xf32> to vector<1x16xf32>
      tpu.vector_store %swap3A_364[%swap3A_365, %swap3A_366], %swap3A_369 {add = true, strides = array<i32>} : memref<128x128xf32, #tpu.memory_space<vmem>>, vector<1x16xf32>,
      %swap3A_370 = arith.constant 0 : i32
      %swap3A_371 = arith.constant 0 : i32
      %swap3A_372 = tpu.memref_slice %arg7[%scan3A_215, %swap3A_370, %swap3A_371] : memref<4x128x128xf32, #tpu.memory_space<vmem>> -> memref<1x128x128xf32, #tpu.memory_space<vmem>>
      %swap3A_373 = tpu.memref_squeeze %swap3A_372 : memref<1x128x128xf32, #tpu.memory_space<vmem>> -> memref<128x128xf32, #tpu.memory_space<vmem>>
      %swap3A_374 = arith.index_cast %add3A_352 : i32 to index
      %swap3A_375 = arith.constant 32 : index
      %swap3A_376 = tpu.vector_load %swap3A_373[%swap3A_374, %swap3A_375] {strides = array<i32>} : memref<128x128xf32, #tpu.memory_space<vmem>>, vector<1x16xf32>,
      %swap3A_377 = vector.shape_cast %swap3A_376 : vector<1x16xf32> to vector<16xf32>
      %swap3A_378 = vector.shape_cast %get3A_330 : vector<16xf32> to vector<1x16xf32>
      tpu.vector_store %swap3A_373[%swap3A_374, %swap3A_375], %swap3A_378 {add = true, strides = array<i32>} : memref<128x128xf32, #tpu.memory_space<vmem>>, vector<1x16xf32>,
      %swap3A_379 = arith.constant 0 : i32
      %swap3A_380 = arith.constant 0 : i32
      %swap3A_381 = tpu.memref_slice %arg7[%scan3A_215, %swap3A_379, %swap3A_380] : memref<4x128x128xf32, #tpu.memory_space<vmem>> -> memref<1x128x128xf32, #tpu.memory_space<vmem>>
      %swap3A_382 = tpu.memref_squeeze %swap3A_381 : memref<1x128x128xf32, #tpu.memory_space<vmem>> -> memref<128x128xf32, #tpu.memory_space<vmem>>
      %swap3A_383 = arith.index_cast %add3A_352 : i32 to index
      %swap3A_384 = arith.constant 48 : index
      %swap3A_385 = tpu.vector_load %swap3A_382[%swap3A_383, %swap3A_384] {strides = array<i32>} : memref<128x128xf32, #tpu.memory_space<vmem>>, vector<1x16xf32>,
      %swap3A_386 = vector.shape_cast %swap3A_385 : vector<1x16xf32> to vector<16xf32>
      %swap3A_387 = vector.shape_cast %get3A_334 : vector<16xf32> to vector<1x16xf32>
      tpu.vector_store %swap3A_382[%swap3A_383, %swap3A_384], %swap3A_387 {add = true, strides = array<i32>} : memref<128x128xf32, #tpu.memory_space<vmem>>, vector<1x16xf32>,
      %swap3A_388 = arith.constant 0 : i32
      %swap3A_389 = arith.constant 0 : i32
      %swap3A_390 = tpu.memref_slice %arg7[%scan3A_215, %swap3A_388, %swap3A_389] : memref<4x128x128xf32, #tpu.memory_space<vmem>> -> memref<1x128x128xf32, #tpu.memory_space<vmem>>
      %swap3A_391 = tpu.memref_squeeze %swap3A_390 : memref<1x128x128xf32, #tpu.memory_space<vmem>> -> memref<128x128xf32, #tpu.memory_space<vmem>>
      %swap3A_392 = arith.index_cast %add3A_352 : i32 to index
      %swap3A_393 = arith.constant 64 : index
      %swap3A_394 = tpu.vector_load %swap3A_391[%swap3A_392, %swap3A_393] {strides = array<i32>} : memref<128x128xf32, #tpu.memory_space<vmem>>, vector<1x16xf32>,
      %swap3A_395 = vector.shape_cast %swap3A_394 : vector<1x16xf32> to vector<16xf32>
      %swap3A_396 = vector.shape_cast %get3A_338 : vector<16xf32> to vector<1x16xf32>
      tpu.vector_store %swap3A_391[%swap3A_392, %swap3A_393], %swap3A_396 {add = true, strides = array<i32>} : memref<128x128xf32, #tpu.memory_space<vmem>>, vector<1x16xf32>,
      %swap3A_397 = arith.constant 0 : i32
      %swap3A_398 = arith.constant 0 : i32
      %swap3A_399 = tpu.memref_slice %arg7[%scan3A_215, %swap3A_397, %swap3A_398] : memref<4x128x128xf32, #tpu.memory_space<vmem>> -> memref<1x128x128xf32, #tpu.memory_space<vmem>>
      %swap3A_400 = tpu.memref_squeeze %swap3A_399 : memref<1x128x128xf32, #tpu.memory_space<vmem>> -> memref<128x128xf32, #tpu.memory_space<vmem>>
      %swap3A_401 = arith.index_cast %add3A_352 : i32 to index
      %swap3A_402 = arith.constant 80 : index
      %swap3A_403 = tpu.vector_load %swap3A_400[%swap3A_401, %swap3A_402] {strides = array<i32>} : memref<128x128xf32, #tpu.memory_space<vmem>>, vector<1x16xf32>,
      %swap3A_404 = vector.shape_cast %swap3A_403 : vector<1x16xf32> to vector<16xf32>
      %swap3A_405 = vector.shape_cast %get3A_342 : vector<16xf32> to vector<1x16xf32>
      tpu.vector_store %swap3A_400[%swap3A_401, %swap3A_402], %swap3A_405 {add = true, strides = array<i32>} : memref<128x128xf32, #tpu.memory_space<vmem>>, vector<1x16xf32>,
      %swap3A_406 = arith.constant 0 : i32
      %swap3A_407 = arith.constant 0 : i32
      %swap3A_408 = tpu.memref_slice %arg7[%scan3A_215, %swap3A_406, %swap3A_407] : memref<4x128x128xf32, #tpu.memory_space<vmem>> -> memref<1x128x128xf32, #tpu.memory_space<vmem>>
      %swap3A_409 = tpu.memref_squeeze %swap3A_408 : memref<1x128x128xf32, #tpu.memory_space<vmem>> -> memref<128x128xf32, #tpu.memory_space<vmem>>
      %swap3A_410 = arith.index_cast %add3A_352 : i32 to index
      %swap3A_411 = arith.constant 96 : index
      %swap3A_412 = tpu.vector_load %swap3A_409[%swap3A_410, %swap3A_411] {strides = array<i32>} : memref<128x128xf32, #tpu.memory_space<vmem>>, vector<1x16xf32>,
      %swap3A_413 = vector.shape_cast %swap3A_412 : vector<1x16xf32> to vector<16xf32>
      %swap3A_414 = vector.shape_cast %get3A_346 : vector<16xf32> to vector<1x16xf32>
      tpu.vector_store %swap3A_409[%swap3A_410, %swap3A_411], %swap3A_414 {add = true, strides = array<i32>} : memref<128x128xf32, #tpu.memory_space<vmem>>, vector<1x16xf32>,
      %swap3A_415 = arith.constant 0 : i32
      %swap3A_416 = arith.constant 0 : i32
      %swap3A_417 = tpu.memref_slice %arg7[%scan3A_215, %swap3A_415, %swap3A_416] : memref<4x128x128xf32, #tpu.memory_space<vmem>> -> memref<1x128x128xf32, #tpu.memory_space<vmem>>
      %swap3A_418 = tpu.memref_squeeze %swap3A_417 : memref<1x128x128xf32, #tpu.memory_space<vmem>> -> memref<128x128xf32, #tpu.memory_space<vmem>>
      %swap3A_419 = arith.index_cast %add3A_352 : i32 to index
      %swap3A_420 = arith.constant 112 : index
      %swap3A_421 = tpu.vector_load %swap3A_418[%swap3A_419, %swap3A_420] {strides = array<i32>} : memref<128x128xf32, #tpu.memory_space<vmem>>, vector<1x16xf32>,
      %swap3A_422 = vector.shape_cast %swap3A_421 : vector<1x16xf32> to vector<16xf32>
      %swap3A_423 = vector.shape_cast %get3A_350 : vector<16xf32> to vector<1x16xf32>
      tpu.vector_store %swap3A_418[%swap3A_419, %swap3A_420], %swap3A_423 {add = true, strides = array<i32>} : memref<128x128xf32, #tpu.memory_space<vmem>>, vector<1x16xf32>,
      %add3A_424 = arith.constant 64 : i32
      %add3A_425 = arith.addi %add3A_424, %scan3A_319 : i32
      %swap3A_426 = arith.constant 0 : i32
      %swap3A_427 = arith.constant 0 : i32
      %swap3A_428 = tpu.memref_slice %arg7[%scan3A_215, %swap3A_426, %swap3A_427] : memref<4x128x128xf32, #tpu.memory_space<vmem>> -> memref<1x128x128xf32, #tpu.memory_space<vmem>>
      %swap3A_429 = tpu.memref_squeeze %swap3A_428 : memref<1x128x128xf32, #tpu.memory_space<vmem>> -> memref<128x128xf32, #tpu.memory_space<vmem>>
      %swap3A_430 = arith.index_cast %add3A_425 : i32 to index
      %swap3A_431 = arith.constant 0 : index
      %swap3A_432 = tpu.vector_load %swap3A_429[%swap3A_430, %swap3A_431] {strides = array<i32>} : memref<128x128xf32, #tpu.memory_space<vmem>>, vector<1x16xf32>,
      %swap3A_433 = vector.shape_cast %swap3A_432 : vector<1x16xf32> to vector<16xf32>
      %swap3A_434 = vector.shape_cast %get3A_322 : vector<16xf32> to vector<1x16xf32>
      tpu.vector_store %swap3A_429[%swap3A_430, %swap3A_431], %swap3A_434 {add = true, strides = array<i32>} : memref<128x128xf32, #tpu.memory_space<vmem>>, vector<1x16xf32>,
      %swap3A_435 = arith.constant 0 : i32
      %swap3A_436 = arith.constant 0 : i32
      %swap3A_437 = tpu.memref_slice %arg7[%scan3A_215, %swap3A_435, %swap3A_436] : memref<4x128x128xf32, #tpu.memory_space<vmem>> -> memref<1x128x128xf32, #tpu.memory_space<vmem>>
      %swap3A_438 = tpu.memref_squeeze %swap3A_437 : memref<1x128x128xf32, #tpu.memory_space<vmem>> -> memref<128x128xf32, #tpu.memory_space<vmem>>
      %swap3A_439 = arith.index_cast %add3A_425 : i32 to index
      %swap3A_440 = arith.constant 16 : index
      %swap3A_441 = tpu.vector_load %swap3A_438[%swap3A_439, %swap3A_440] {strides = array<i32>} : memref<128x128xf32, #tpu.memory_space<vmem>>, vector<1x16xf32>,
      %swap3A_442 = vector.shape_cast %swap3A_441 : vector<1x16xf32> to vector<16xf32>
      %swap3A_443 = vector.shape_cast %get3A_326 : vector<16xf32> to vector<1x16xf32>
      tpu.vector_store %swap3A_438[%swap3A_439, %swap3A_440], %swap3A_443 {add = true, strides = array<i32>} : memref<128x128xf32, #tpu.memory_space<vmem>>, vector<1x16xf32>,
      %swap3A_444 = arith.constant 0 : i32
      %swap3A_445 = arith.constant 0 : i32
      %swap3A_446 = tpu.memref_slice %arg7[%scan3A_215, %swap3A_444, %swap3A_445] : memref<4x128x128xf32, #tpu.memory_space<vmem>> -> memref<1x128x128xf32, #tpu.memory_space<vmem>>
      %swap3A_447 = tpu.memref_squeeze %swap3A_446 : memref<1x128x128xf32, #tpu.memory_space<vmem>> -> memref<128x128xf32, #tpu.memory_space<vmem>>
      %swap3A_448 = arith.index_cast %add3A_425 : i32 to index
      %swap3A_449 = arith.constant 32 : index
      %swap3A_450 = tpu.vector_load %swap3A_447[%swap3A_448, %swap3A_449] {strides = array<i32>} : memref<128x128xf32, #tpu.memory_space<vmem>>, vector<1x16xf32>,
      %swap3A_451 = vector.shape_cast %swap3A_450 : vector<1x16xf32> to vector<16xf32>
      %swap3A_452 = vector.shape_cast %get3A_330 : vector<16xf32> to vector<1x16xf32>
      tpu.vector_store %swap3A_447[%swap3A_448, %swap3A_449], %swap3A_452 {add = true, strides = array<i32>} : memref<128x128xf32, #tpu.memory_space<vmem>>, vector<1x16xf32>,
      %swap3A_453 = arith.constant 0 : i32
      %swap3A_454 = arith.constant 0 : i32
      %swap3A_455 = tpu.memref_slice %arg7[%scan3A_215, %swap3A_453, %swap3A_454] : memref<4x128x128xf32, #tpu.memory_space<vmem>> -> memref<1x128x128xf32, #tpu.memory_space<vmem>>
      %swap3A_456 = tpu.memref_squeeze %swap3A_455 : memref<1x128x128xf32, #tpu.memory_space<vmem>> -> memref<128x128xf32, #tpu.memory_space<vmem>>
      %swap3A_457 = arith.index_cast %add3A_425 : i32 to index
      %swap3A_458 = arith.constant 48 : index
      %swap3A_459 = tpu.vector_load %swap3A_456[%swap3A_457, %swap3A_458] {strides = array<i32>} : memref<128x128xf32, #tpu.memory_space<vmem>>, vector<1x16xf32>,
      %swap3A_460 = vector.shape_cast %swap3A_459 : vector<1x16xf32> to vector<16xf32>
      %swap3A_461 = vector.shape_cast %get3A_334 : vector<16xf32> to vector<1x16xf32>
      tpu.vector_store %swap3A_456[%swap3A_457, %swap3A_458], %swap3A_461 {add = true, strides = array<i32>} : memref<128x128xf32, #tpu.memory_space<vmem>>, vector<1x16xf32>,
      %swap3A_462 = arith.constant 0 : i32
      %swap3A_463 = arith.constant 0 : i32
      %swap3A_464 = tpu.memref_slice %arg7[%scan3A_215, %swap3A_462, %swap3A_463] : memref<4x128x128xf32, #tpu.memory_space<vmem>> -> memref<1x128x128xf32, #tpu.memory_space<vmem>>
      %swap3A_465 = tpu.memref_squeeze %swap3A_464 : memref<1x128x128xf32, #tpu.memory_space<vmem>> -> memref<128x128xf32, #tpu.memory_space<vmem>>
      %swap3A_466 = arith.index_cast %add3A_425 : i32 to index
      %swap3A_467 = arith.constant 64 : index
      %swap3A_468 = tpu.vector_load %swap3A_465[%swap3A_466, %swap3A_467] {strides = array<i32>} : memref<128x128xf32, #tpu.memory_space<vmem>>, vector<1x16xf32>,
      %swap3A_469 = vector.shape_cast %swap3A_468 : vector<1x16xf32> to vector<16xf32>
      %swap3A_470 = vector.shape_cast %get3A_338 : vector<16xf32> to vector<1x16xf32>
      tpu.vector_store %swap3A_465[%swap3A_466, %swap3A_467], %swap3A_470 {add = true, strides = array<i32>} : memref<128x128xf32, #tpu.memory_space<vmem>>, vector<1x16xf32>,
      %swap3A_471 = arith.constant 0 : i32
      %swap3A_472 = arith.constant 0 : i32
      %swap3A_473 = tpu.memref_slice %arg7[%scan3A_215, %swap3A_471, %swap3A_472] : memref<4x128x128xf32, #tpu.memory_space<vmem>> -> memref<1x128x128xf32, #tpu.memory_space<vmem>>
      %swap3A_474 = tpu.memref_squeeze %swap3A_473 : memref<1x128x128xf32, #tpu.memory_space<vmem>> -> memref<128x128xf32, #tpu.memory_space<vmem>>
      %swap3A_475 = arith.index_cast %add3A_425 : i32 to index
      %swap3A_476 = arith.constant 80 : index
      %swap3A_477 = tpu.vector_load %swap3A_474[%swap3A_475, %swap3A_476] {strides = array<i32>} : memref<128x128xf32, #tpu.memory_space<vmem>>, vector<1x16xf32>,
      %swap3A_478 = vector.shape_cast %swap3A_477 : vector<1x16xf32> to vector<16xf32>
      %swap3A_479 = vector.shape_cast %get3A_342 : vector<16xf32> to vector<1x16xf32>
      tpu.vector_store %swap3A_474[%swap3A_475, %swap3A_476], %swap3A_479 {add = true, strides = array<i32>} : memref<128x128xf32, #tpu.memory_space<vmem>>, vector<1x16xf32>,
      %swap3A_480 = arith.constant 0 : i32
      %swap3A_481 = arith.constant 0 : i32
      %swap3A_482 = tpu.memref_slice %arg7[%scan3A_215, %swap3A_480, %swap3A_481] : memref<4x128x128xf32, #tpu.memory_space<vmem>> -> memref<1x128x128xf32, #tpu.memory_space<vmem>>
      %swap3A_483 = tpu.memref_squeeze %swap3A_482 : memref<1x128x128xf32, #tpu.memory_space<vmem>> -> memref<128x128xf32, #tpu.memory_space<vmem>>
      %swap3A_484 = arith.index_cast %add3A_425 : i32 to index
      %swap3A_485 = arith.constant 96 : index
      %swap3A_486 = tpu.vector_load %swap3A_483[%swap3A_484, %swap3A_485] {strides = array<i32>} : memref<128x128xf32, #tpu.memory_space<vmem>>, vector<1x16xf32>,
      %swap3A_487 = vector.shape_cast %swap3A_486 : vector<1x16xf32> to vector<16xf32>
      %swap3A_488 = vector.shape_cast %get3A_346 : vector<16xf32> to vector<1x16xf32>
      tpu.vector_store %swap3A_483[%swap3A_484, %swap3A_485], %swap3A_488 {add = true, strides = array<i32>} : memref<128x128xf32, #tpu.memory_space<vmem>>, vector<1x16xf32>,
      %swap3A_489 = arith.constant 0 : i32
      %swap3A_490 = arith.constant 0 : i32
      %swap3A_491 = tpu.memref_slice %arg7[%scan3A_215, %swap3A_489, %swap3A_490] : memref<4x128x128xf32, #tpu.memory_space<vmem>> -> memref<1x128x128xf32, #tpu.memory_space<vmem>>
      %swap3A_492 = tpu.memref_squeeze %swap3A_491 : memref<1x128x128xf32, #tpu.memory_space<vmem>> -> memref<128x128xf32, #tpu.memory_space<vmem>>
      %swap3A_493 = arith.index_cast %add3A_425 : i32 to index
      %swap3A_494 = arith.constant 112 : index
      %swap3A_495 = tpu.vector_load %swap3A_492[%swap3A_493, %swap3A_494] {strides = array<i32>} : memref<128x128xf32, #tpu.memory_space<vmem>>, vector<1x16xf32>,
      %swap3A_496 = vector.shape_cast %swap3A_495 : vector<1x16xf32> to vector<16xf32>
      %swap3A_497 = vector.shape_cast %get3A_350 : vector<16xf32> to vector<1x16xf32>
      tpu.vector_store %swap3A_492[%swap3A_493, %swap3A_494], %swap3A_497 {add = true, strides = array<i32>} : memref<128x128xf32, #tpu.memory_space<vmem>>, vector<1x16xf32>,
    }
    %scan3A_220 = arith.constant 64 : i32
    %add3A_221 = arith.constant 384 : i32
    %add3A_222 = arith.addi %mul3A_2, %add3A_221 : i32
    %dma_start3A_223 = arith.constant 3 : i32
    %dma_start3A_224 = arith.constant 0 : i32
    %dma_start3A_225 = arith.constant 0 : i32
    %dma_start3A_226 = tpu.memref_slice %arg7[%dma_start3A_223, %dma_start3A_224, %dma_start3A_225] : memref<4x128x128xf32, #tpu.memory_space<vmem>> -> memref<1x128x128xf32, #tpu.memory_space<vmem>>
    %dma_start3A_227 = tpu.memref_squeeze %dma_start3A_226 : memref<1x128x128xf32, #tpu.memory_space<vmem>> -> memref<128x128xf32, #tpu.memory_space<vmem>>
    %dma_start3A_228 = arith.constant 0 : i32
    %dma_start3A_229 = tpu.memref_slice %arg5[%add3A_222, %dma_start3A_228] : memref<262144x128xf32, #tpu.memory_space<hbm>> -> memref<128x128xf32, #tpu.memory_space<hbm>>
    %dma_start3A_230 = arith.constant 0 : i32
    %dma_start3A_231 = tpu.memref_slice %arg5[%add3A_222, %dma_start3A_230] : memref<262144x128xf32, #tpu.memory_space<hbm>> -> memref<128x128xf32, #tpu.memory_space<hbm>>
    %dma_start3A_232 = arith.constant 0 : i32
    %dma_start3A_233 = arith.constant 0 : i32
    %dma_start3A_234 = tpu.memref_slice %arg7[%dma_start3A_223, %dma_start3A_232, %dma_start3A_233] : memref<4x128x128xf32, #tpu.memory_space<vmem>> -> memref<1x128x128xf32, #tpu.memory_space<vmem>>
    %dma_start3A_235 = tpu.memref_squeeze %dma_start3A_234 : memref<1x128x128xf32, #tpu.memory_space<vmem>> -> memref<128x128xf32, #tpu.memory_space<vmem>>
    tpu.enqueue_dma source(%dma_start3A_235 : memref<128x128xf32, #tpu.memory_space<vmem>>) target(%dma_start3A_231 : memref<128x128xf32, #tpu.memory_space<hbm>>) target_semaphore(%arg16 : memref<!tpu.dma_semaphore, #tpu.memory_space<semaphore_mem>>)
    %dma_wait3A_236 = arith.constant 2 : i32
    %dma_wait3A_237 = arith.constant 0 : i32
    %dma_wait3A_238 = arith.constant 0 : i32
    %dma_wait3A_239 = tpu.memref_slice %arg7[%dma_wait3A_236, %dma_wait3A_237, %dma_wait3A_238] : memref<4x128x128xf32, #tpu.memory_space<vmem>> -> memref<1x128x128xf32, #tpu.memory_space<vmem>>
    %dma_wait3A_240 = tpu.memref_squeeze %dma_wait3A_239 : memref<1x128x128xf32, #tpu.memory_space<vmem>> -> memref<128x128xf32, #tpu.memory_space<vmem>>
    %dma_wait3A_241 = arith.constant 0 : i32
    %dma_wait3A_242 = tpu.memref_slice %arg5[%mul3A_2, %dma_wait3A_241] : memref<262144x128xf32, #tpu.memory_space<hbm>> -> memref<128x128xf32, #tpu.memory_space<hbm>>
    %dma_wait3A_243 = arith.constant 0 : i32
    %dma_wait3A_244 = tpu.memref_slice %arg5[%mul3A_2, %dma_wait3A_243] : memref<262144x128xf32, #tpu.memory_space<hbm>> -> memref<128x128xf32, #tpu.memory_space<hbm>>
    %dma_wait3A_245 = arith.constant 0 : i32
    %dma_wait3A_246 = arith.constant 0 : i32
    %dma_wait3A_247 = tpu.memref_slice %arg7[%dma_wait3A_236, %dma_wait3A_245, %dma_wait3A_246] : memref<4x128x128xf32, #tpu.memory_space<vmem>> -> memref<1x128x128xf32, #tpu.memory_space<vmem>>
    %dma_wait3A_248 = tpu.memref_squeeze %dma_wait3A_247 : memref<1x128x128xf32, #tpu.memory_space<vmem>> -> memref<128x128xf32, #tpu.memory_space<vmem>>
    tpu.wait_dma2 semaphore(%arg15 : memref<!tpu.dma_semaphore, #tpu.memory_space<semaphore_mem>>) src(%dma_wait3A_248 : memref<128x128xf32, #tpu.memory_space<vmem>>) dst(%dma_wait3A_244 : memref<128x128xf32, #tpu.memory_space<hbm>>)
    %dma_start3A_249 = arith.constant 6 : i32
    %dma_start3A_250 = arith.constant 2 : i32
    %dma_start3A_251 = arith.constant 0 : i32
    %dma_start3A_252 = arith.constant 0 : i32
    %dma_start3A_253 = tpu.memref_slice %arg7[%dma_start3A_250, %dma_start3A_251, %dma_start3A_252] : memref<4x128x128xf32, #tpu.memory_space<vmem>> -> memref<1x128x128xf32, #tpu.memory_space<vmem>>
    %dma_start3A_254 = tpu.memref_squeeze %dma_start3A_253 : memref<1x128x128xf32, #tpu.memory_space<vmem>> -> memref<128x128xf32, #tpu.memory_space<vmem>>
    %dma_start3A_255 = arith.constant 0 : i32
    %dma_start3A_256 = tpu.memref_slice %arg6[%dma_start3A_249, %dma_start3A_255] : memref<64x128xi32, #tpu.memory_space<vmem>> -> memref<1x128xi32, #tpu.memory_space<vmem>>
    %dma_start3A_257 = tpu.memref_squeeze %dma_start3A_256 : memref<1x128xi32, #tpu.memory_space<vmem>> -> memref<128xi32, #tpu.memory_space<vmem>>
    %dma_start3A_258 = arith.constant 0 : i32
    %dma_start3A_259 = arith.constant 0 : i32
    %dma_start3A_260 = tpu.memref_slice %arg3[%dma_start3A_258, %dma_start3A_259] : memref<100000x128xf32, #tpu.memory_space<hbm>> -> memref<100000x128xf32, #tpu.memory_space<hbm>>
    tpu.enqueue_indirect_dma source(%dma_start3A_260 : memref<100000x128xf32, #tpu.memory_space<hbm>>) target(%dma_start3A_254 : memref<128x128xf32, #tpu.memory_space<vmem>>) offsets(%dma_start3A_257 : memref<128xi32, #tpu.memory_space<vmem>>) semaphore(%arg11 : memref<!tpu.dma_semaphore, #tpu.memory_space<semaphore_mem>>)
    %scan3A_261 = arith.constant 0 : i32
    %scan3A_262 = arith.constant 1 : i32
    %scan3A_263 = arith.constant 15 : i32
    %scan3A_264 = arith.addi %scan3A_262, %scan3A_263 : i32
    %scan3A_265 = arith.constant 1 : i32
    scf.for %scan3A_319 = %scan3A_262 to %scan3A_264 step %scan3A_265  : i32 {
      %mul3A_320 = arith.constant 4 : i32
      %mul3A_321 = arith.muli %scan3A_319, %mul3A_320 : i32
      %add3A_322 = arith.constant 0 : i32
      %add3A_323 = arith.addi %mul3A_321, %add3A_322 : i32
      %dma_wait3A_324 = arith.constant 0 : i32
      %dma_wait3A_325 = arith.constant 0 : i32
      %dma_wait3A_326 = arith.constant 0 : i32
      %dma_wait3A_327 = arith.constant 0 : i32
      %dma_wait3A_328 = tpu.memref_slice %arg7[%dma_wait3A_325, %dma_wait3A_326, %dma_wait3A_327] : memref<4x128x128xf32, #tpu.memory_space<vmem>> -> memref<1x128x128xf32, #tpu.memory_space<vmem>>
      %dma_wait3A_329 = tpu.memref_squeeze %dma_wait3A_328 : memref<1x128x128xf32, #tpu.memory_space<vmem>> -> memref<128x128xf32, #tpu.memory_space<vmem>>
      %dma_wait3A_330 = arith.constant 0 : i32
      %dma_wait3A_331 = tpu.memref_slice %arg6[%dma_wait3A_324, %dma_wait3A_330] : memref<64x128xi32, #tpu.memory_space<vmem>> -> memref<1x128xi32, #tpu.memory_space<vmem>>
      %dma_wait3A_332 = tpu.memref_squeeze %dma_wait3A_331 : memref<1x128xi32, #tpu.memory_space<vmem>> -> memref<128xi32, #tpu.memory_space<vmem>>
      %dma_wait3A_333 = arith.constant 0 : i32
      %dma_wait3A_334 = arith.constant 0 : i32
      %dma_wait3A_335 = tpu.memref_slice %arg3[%dma_wait3A_333, %dma_wait3A_334] : memref<100000x128xf32, #tpu.memory_space<hbm>> -> memref<100000x128xf32, #tpu.memory_space<hbm>>
      tpu.wait_indirect_dma semaphore(%arg9 : memref<!tpu.dma_semaphore, #tpu.memory_space<semaphore_mem>>) src(%dma_wait3A_335 : memref<100000x128xf32, #tpu.memory_space<hbm>>) dst(%dma_wait3A_329 : memref<128x128xf32, #tpu.memory_space<vmem>>)
      %scan3A_336 = arith.constant 0 : i32
      %scan3A_337 = arith.constant 0 : i32
      %scan3A_338 = arith.constant 0 : i32
      %scan3A_339 = arith.constant 64 : i32
      %scan3A_340 = arith.addi %scan3A_338, %scan3A_339 : i32
      %scan3A_341 = arith.constant 1 : i32
      scf.for %scan3A_508 = %scan3A_338 to %scan3A_340 step %scan3A_341  : i32 {
        %get3A = arith.index_cast %scan3A_508 : i32 to index
        %get3A_509 = arith.constant 0 : index
        %get3A_510 = tpu.vector_load %arg8[%get3A, %get3A_509] {strides = array<i32>} : memref<64x128xf32, #tpu.memory_space<vmem>>, vector<1x16xf32>,
        %get3A_511 = vector.shape_cast %get3A_510 : vector<1x16xf32> to vector<16xf32>
        %get3A_512 = arith.index_cast %scan3A_508 : i32 to index
        %get3A_513 = arith.constant 16 : index
        %get3A_514 = tpu.vector_load %arg8[%get3A_512, %get3A_513] {strides = array<i32>} : memref<64x128xf32, #tpu.memory_space<vmem>>, vector<1x16xf32>,
        %get3A_515 = vector.shape_cast %get3A_514 : vector<1x16xf32> to vector<16xf32>
        %get3A_516 = arith.index_cast %scan3A_508 : i32 to index
        %get3A_517 = arith.constant 32 : index
        %get3A_518 = tpu.vector_load %arg8[%get3A_516, %get3A_517] {strides = array<i32>} : memref<64x128xf32, #tpu.memory_space<vmem>>, vector<1x16xf32>,
        %get3A_519 = vector.shape_cast %get3A_518 : vector<1x16xf32> to vector<16xf32>
        %get3A_520 = arith.index_cast %scan3A_508 : i32 to index
        %get3A_521 = arith.constant 48 : index
        %get3A_522 = tpu.vector_load %arg8[%get3A_520, %get3A_521] {strides = array<i32>} : memref<64x128xf32, #tpu.memory_space<vmem>>, vector<1x16xf32>,
        %get3A_523 = vector.shape_cast %get3A_522 : vector<1x16xf32> to vector<16xf32>
        %get3A_524 = arith.index_cast %scan3A_508 : i32 to index
        %get3A_525 = arith.constant 64 : index
        %get3A_526 = tpu.vector_load %arg8[%get3A_524, %get3A_525] {strides = array<i32>} : memref<64x128xf32, #tpu.memory_space<vmem>>, vector<1x16xf32>,
        %get3A_527 = vector.shape_cast %get3A_526 : vector<1x16xf32> to vector<16xf32>
        %get3A_528 = arith.index_cast %scan3A_508 : i32 to index
        %get3A_529 = arith.constant 80 : index
        %get3A_530 = tpu.vector_load %arg8[%get3A_528, %get3A_529] {strides = array<i32>} : memref<64x128xf32, #tpu.memory_space<vmem>>, vector<1x16xf32>,
        %get3A_531 = vector.shape_cast %get3A_530 : vector<1x16xf32> to vector<16xf32>
        %get3A_532 = arith.index_cast %scan3A_508 : i32 to index
        %get3A_533 = arith.constant 96 : index
        %get3A_534 = tpu.vector_load %arg8[%get3A_532, %get3A_533] {strides = array<i32>} : memref<64x128xf32, #tpu.memory_space<vmem>>, vector<1x16xf32>,
        %get3A_535 = vector.shape_cast %get3A_534 : vector<1x16xf32> to vector<16xf32>
        %get3A_536 = arith.index_cast %scan3A_508 : i32 to index
        %get3A_537 = arith.constant 112 : index
        %get3A_538 = tpu.vector_load %arg8[%get3A_536, %get3A_537] {strides = array<i32>} : memref<64x128xf32, #tpu.memory_space<vmem>>, vector<1x16xf32>,
        %get3A_539 = vector.shape_cast %get3A_538 : vector<1x16xf32> to vector<16xf32>
        %add3A_540 = arith.constant 0 : i32
        %add3A_541 = arith.addi %add3A_540, %scan3A_508 : i32
        %swap3A = arith.constant 0 : i32
        %swap3A_542 = arith.constant 0 : i32
        %swap3A_543 = tpu.memref_slice %arg7[%scan3A_337, %swap3A, %swap3A_542] : memref<4x128x128xf32, #tpu.memory_space<vmem>> -> memref<1x128x128xf32, #tpu.memory_space<vmem>>
        %swap3A_544 = tpu.memref_squeeze %swap3A_543 : memref<1x128x128xf32, #tpu.memory_space<vmem>> -> memref<128x128xf32, #tpu.memory_space<vmem>>
        %swap3A_545 = arith.index_cast %add3A_541 : i32 to index
        %swap3A_546 = arith.constant 0 : index
        %swap3A_547 = tpu.vector_load %swap3A_544[%swap3A_545, %swap3A_546] {strides = array<i32>} : memref<128x128xf32, #tpu.memory_space<vmem>>, vector<1x16xf32>,
        %swap3A_548 = vector.shape_cast %swap3A_547 : vector<1x16xf32> to vector<16xf32>
        %swap3A_549 = vector.shape_cast %get3A_511 : vector<16xf32> to vector<1x16xf32>
        tpu.vector_store %swap3A_544[%swap3A_545, %swap3A_546], %swap3A_549 {add = true, strides = array<i32>} : memref<128x128xf32, #tpu.memory_space<vmem>>, vector<1x16xf32>,
        %swap3A_550 = arith.constant 0 : i32
        %swap3A_551 = arith.constant 0 : i32
        %swap3A_552 = tpu.memref_slice %arg7[%scan3A_337, %swap3A_550, %swap3A_551] : memref<4x128x128xf32, #tpu.memory_space<vmem>> -> memref<1x128x128xf32, #tpu.memory_space<vmem>>
        %swap3A_553 = tpu.memref_squeeze %swap3A_552 : memref<1x128x128xf32, #tpu.memory_space<vmem>> -> memref<128x128xf32, #tpu.memory_space<vmem>>
        %swap3A_554 = arith.index_cast %add3A_541 : i32 to index
        %swap3A_555 = arith.constant 16 : index
        %swap3A_556 = tpu.vector_load %swap3A_553[%swap3A_554, %swap3A_555] {strides = array<i32>} : memref<128x128xf32, #tpu.memory_space<vmem>>, vector<1x16xf32>,
        %swap3A_557 = vector.shape_cast %swap3A_556 : vector<1x16xf32> to vector<16xf32>
        %swap3A_558 = vector.shape_cast %get3A_515 : vector<16xf32> to vector<1x16xf32>
        tpu.vector_store %swap3A_553[%swap3A_554, %swap3A_555], %swap3A_558 {add = true, strides = array<i32>} : memref<128x128xf32, #tpu.memory_space<vmem>>, vector<1x16xf32>,
        %swap3A_559 = arith.constant 0 : i32
        %swap3A_560 = arith.constant 0 : i32
        %swap3A_561 = tpu.memref_slice %arg7[%scan3A_337, %swap3A_559, %swap3A_560] : memref<4x128x128xf32, #tpu.memory_space<vmem>> -> memref<1x128x128xf32, #tpu.memory_space<vmem>>
        %swap3A_562 = tpu.memref_squeeze %swap3A_561 : memref<1x128x128xf32, #tpu.memory_space<vmem>> -> memref<128x128xf32, #tpu.memory_space<vmem>>
        %swap3A_563 = arith.index_cast %add3A_541 : i32 to index
        %swap3A_564 = arith.constant 32 : index
        %swap3A_565 = tpu.vector_load %swap3A_562[%swap3A_563, %swap3A_564] {strides = array<i32>} : memref<128x128xf32, #tpu.memory_space<vmem>>, vector<1x16xf32>,
        %swap3A_566 = vector.shape_cast %swap3A_565 : vector<1x16xf32> to vector<16xf32>
        %swap3A_567 = vector.shape_cast %get3A_519 : vector<16xf32> to vector<1x16xf32>
        tpu.vector_store %swap3A_562[%swap3A_563, %swap3A_564], %swap3A_567 {add = true, strides = array<i32>} : memref<128x128xf32, #tpu.memory_space<vmem>>, vector<1x16xf32>,
        %swap3A_568 = arith.constant 0 : i32
        %swap3A_569 = arith.constant 0 : i32
        %swap3A_570 = tpu.memref_slice %arg7[%scan3A_337, %swap3A_568, %swap3A_569] : memref<4x128x128xf32, #tpu.memory_space<vmem>> -> memref<1x128x128xf32, #tpu.memory_space<vmem>>
        %swap3A_571 = tpu.memref_squeeze %swap3A_570 : memref<1x128x128xf32, #tpu.memory_space<vmem>> -> memref<128x128xf32, #tpu.memory_space<vmem>>
        %swap3A_572 = arith.index_cast %add3A_541 : i32 to index
        %swap3A_573 = arith.constant 48 : index
        %swap3A_574 = tpu.vector_load %swap3A_571[%swap3A_572, %swap3A_573] {strides = array<i32>} : memref<128x128xf32, #tpu.memory_space<vmem>>, vector<1x16xf32>,
        %swap3A_575 = vector.shape_cast %swap3A_574 : vector<1x16xf32> to vector<16xf32>
        %swap3A_576 = vector.shape_cast %get3A_523 : vector<16xf32> to vector<1x16xf32>
        tpu.vector_store %swap3A_571[%swap3A_572, %swap3A_573], %swap3A_576 {add = true, strides = array<i32>} : memref<128x128xf32, #tpu.memory_space<vmem>>, vector<1x16xf32>,
        %swap3A_577 = arith.constant 0 : i32
        %swap3A_578 = arith.constant 0 : i32
        %swap3A_579 = tpu.memref_slice %arg7[%scan3A_337, %swap3A_577, %swap3A_578] : memref<4x128x128xf32, #tpu.memory_space<vmem>> -> memref<1x128x128xf32, #tpu.memory_space<vmem>>
        %swap3A_580 = tpu.memref_squeeze %swap3A_579 : memref<1x128x128xf32, #tpu.memory_space<vmem>> -> memref<128x128xf32, #tpu.memory_space<vmem>>
        %swap3A_581 = arith.index_cast %add3A_541 : i32 to index
        %swap3A_582 = arith.constant 64 : index
        %swap3A_583 = tpu.vector_load %swap3A_580[%swap3A_581, %swap3A_582] {strides = array<i32>} : memref<128x128xf32, #tpu.memory_space<vmem>>, vector<1x16xf32>,
        %swap3A_584 = vector.shape_cast %swap3A_583 : vector<1x16xf32> to vector<16xf32>
        %swap3A_585 = vector.shape_cast %get3A_527 : vector<16xf32> to vector<1x16xf32>
        tpu.vector_store %swap3A_580[%swap3A_581, %swap3A_582], %swap3A_585 {add = true, strides = array<i32>} : memref<128x128xf32, #tpu.memory_space<vmem>>, vector<1x16xf32>,
        %swap3A_586 = arith.constant 0 : i32
        %swap3A_587 = arith.constant 0 : i32
        %swap3A_588 = tpu.memref_slice %arg7[%scan3A_337, %swap3A_586, %swap3A_587] : memref<4x128x128xf32, #tpu.memory_space<vmem>> -> memref<1x128x128xf32, #tpu.memory_space<vmem>>
        %swap3A_589 = tpu.memref_squeeze %swap3A_588 : memref<1x128x128xf32, #tpu.memory_space<vmem>> -> memref<128x128xf32, #tpu.memory_space<vmem>>
        %swap3A_590 = arith.index_cast %add3A_541 : i32 to index
        %swap3A_591 = arith.constant 80 : index
        %swap3A_592 = tpu.vector_load %swap3A_589[%swap3A_590, %swap3A_591] {strides = array<i32>} : memref<128x128xf32, #tpu.memory_space<vmem>>, vector<1x16xf32>,
        %swap3A_593 = vector.shape_cast %swap3A_592 : vector<1x16xf32> to vector<16xf32>
        %swap3A_594 = vector.shape_cast %get3A_531 : vector<16xf32> to vector<1x16xf32>
        tpu.vector_store %swap3A_589[%swap3A_590, %swap3A_591], %swap3A_594 {add = true, strides = array<i32>} : memref<128x128xf32, #tpu.memory_space<vmem>>, vector<1x16xf32>,
        %swap3A_595 = arith.constant 0 : i32
        %swap3A_596 = arith.constant 0 : i32
        %swap3A_597 = tpu.memref_slice %arg7[%scan3A_337, %swap3A_595, %swap3A_596] : memref<4x128x128xf32, #tpu.memory_space<vmem>> -> memref<1x128x128xf32, #tpu.memory_space<vmem>>
        %swap3A_598 = tpu.memref_squeeze %swap3A_597 : memref<1x128x128xf32, #tpu.memory_space<vmem>> -> memref<128x128xf32, #tpu.memory_space<vmem>>
        %swap3A_599 = arith.index_cast %add3A_541 : i32 to index
        %swap3A_600 = arith.constant 96 : index
        %swap3A_601 = tpu.vector_load %swap3A_598[%swap3A_599, %swap3A_600] {strides = array<i32>} : memref<128x128xf32, #tpu.memory_space<vmem>>, vector<1x16xf32>,
        %swap3A_602 = vector.shape_cast %swap3A_601 : vector<1x16xf32> to vector<16xf32>
        %swap3A_603 = vector.shape_cast %get3A_535 : vector<16xf32> to vector<1x16xf32>
        tpu.vector_store %swap3A_598[%swap3A_599, %swap3A_600], %swap3A_603 {add = true, strides = array<i32>} : memref<128x128xf32, #tpu.memory_space<vmem>>, vector<1x16xf32>,
        %swap3A_604 = arith.constant 0 : i32
        %swap3A_605 = arith.constant 0 : i32
        %swap3A_606 = tpu.memref_slice %arg7[%scan3A_337, %swap3A_604, %swap3A_605] : memref<4x128x128xf32, #tpu.memory_space<vmem>> -> memref<1x128x128xf32, #tpu.memory_space<vmem>>
        %swap3A_607 = tpu.memref_squeeze %swap3A_606 : memref<1x128x128xf32, #tpu.memory_space<vmem>> -> memref<128x128xf32, #tpu.memory_space<vmem>>
        %swap3A_608 = arith.index_cast %add3A_541 : i32 to index
        %swap3A_609 = arith.constant 112 : index
        %swap3A_610 = tpu.vector_load %swap3A_607[%swap3A_608, %swap3A_609] {strides = array<i32>} : memref<128x128xf32, #tpu.memory_space<vmem>>, vector<1x16xf32>,
        %swap3A_611 = vector.shape_cast %swap3A_610 : vector<1x16xf32> to vector<16xf32>
        %swap3A_612 = vector.shape_cast %get3A_539 : vector<16xf32> to vector<1x16xf32>
        tpu.vector_store %swap3A_607[%swap3A_608, %swap3A_609], %swap3A_612 {add = true, strides = array<i32>} : memref<128x128xf32, #tpu.memory_space<vmem>>, vector<1x16xf32>,
        %add3A_613 = arith.constant 64 : i32
        %add3A_614 = arith.addi %add3A_613, %scan3A_508 : i32
        %swap3A_615 = arith.constant 0 : i32
        %swap3A_616 = arith.constant 0 : i32
        %swap3A_617 = tpu.memref_slice %arg7[%scan3A_337, %swap3A_615, %swap3A_616] : memref<4x128x128xf32, #tpu.memory_space<vmem>> -> memref<1x128x128xf32, #tpu.memory_space<vmem>>
        %swap3A_618 = tpu.memref_squeeze %swap3A_617 : memref<1x128x128xf32, #tpu.memory_space<vmem>> -> memref<128x128xf32, #tpu.memory_space<vmem>>
        %swap3A_619 = arith.index_cast %add3A_614 : i32 to index
        %swap3A_620 = arith.constant 0 : index
        %swap3A_621 = tpu.vector_load %swap3A_618[%swap3A_619, %swap3A_620] {strides = array<i32>} : memref<128x128xf32, #tpu.memory_space<vmem>>, vector<1x16xf32>,
        %swap3A_622 = vector.shape_cast %swap3A_621 : vector<1x16xf32> to vector<16xf32>
        %swap3A_623 = vector.shape_cast %get3A_511 : vector<16xf32> to vector<1x16xf32>
        tpu.vector_store %swap3A_618[%swap3A_619, %swap3A_620], %swap3A_623 {add = true, strides = array<i32>} : memref<128x128xf32, #tpu.memory_space<vmem>>, vector<1x16xf32>,
        %swap3A_624 = arith.constant 0 : i32
        %swap3A_625 = arith.constant 0 : i32
        %swap3A_626 = tpu.memref_slice %arg7[%scan3A_337, %swap3A_624, %swap3A_625] : memref<4x128x128xf32, #tpu.memory_space<vmem>> -> memref<1x128x128xf32, #tpu.memory_space<vmem>>
        %swap3A_627 = tpu.memref_squeeze %swap3A_626 : memref<1x128x128xf32, #tpu.memory_space<vmem>> -> memref<128x128xf32, #tpu.memory_space<vmem>>
        %swap3A_628 = arith.index_cast %add3A_614 : i32 to index
        %swap3A_629 = arith.constant 16 : index
        %swap3A_630 = tpu.vector_load %swap3A_627[%swap3A_628, %swap3A_629] {strides = array<i32>} : memref<128x128xf32, #tpu.memory_space<vmem>>, vector<1x16xf32>,
        %swap3A_631 = vector.shape_cast %swap3A_630 : vector<1x16xf32> to vector<16xf32>
        %swap3A_632 = vector.shape_cast %get3A_515 : vector<16xf32> to vector<1x16xf32>
        tpu.vector_store %swap3A_627[%swap3A_628, %swap3A_629], %swap3A_632 {add = true, strides = array<i32>} : memref<128x128xf32, #tpu.memory_space<vmem>>, vector<1x16xf32>,
        %swap3A_633 = arith.constant 0 : i32
        %swap3A_634 = arith.constant 0 : i32
        %swap3A_635 = tpu.memref_slice %arg7[%scan3A_337, %swap3A_633, %swap3A_634] : memref<4x128x128xf32, #tpu.memory_space<vmem>> -> memref<1x128x128xf32, #tpu.memory_space<vmem>>
        %swap3A_636 = tpu.memref_squeeze %swap3A_635 : memref<1x128x128xf32, #tpu.memory_space<vmem>> -> memref<128x128xf32, #tpu.memory_space<vmem>>
        %swap3A_637 = arith.index_cast %add3A_614 : i32 to index
        %swap3A_638 = arith.constant 32 : index
        %swap3A_639 = tpu.vector_load %swap3A_636[%swap3A_637, %swap3A_638] {strides = array<i32>} : memref<128x128xf32, #tpu.memory_space<vmem>>, vector<1x16xf32>,
        %swap3A_640 = vector.shape_cast %swap3A_639 : vector<1x16xf32> to vector<16xf32>
        %swap3A_641 = vector.shape_cast %get3A_519 : vector<16xf32> to vector<1x16xf32>
        tpu.vector_store %swap3A_636[%swap3A_637, %swap3A_638], %swap3A_641 {add = true, strides = array<i32>} : memref<128x128xf32, #tpu.memory_space<vmem>>, vector<1x16xf32>,
        %swap3A_642 = arith.constant 0 : i32
        %swap3A_643 = arith.constant 0 : i32
        %swap3A_644 = tpu.memref_slice %arg7[%scan3A_337, %swap3A_642, %swap3A_643] : memref<4x128x128xf32, #tpu.memory_space<vmem>> -> memref<1x128x128xf32, #tpu.memory_space<vmem>>
        %swap3A_645 = tpu.memref_squeeze %swap3A_644 : memref<1x128x128xf32, #tpu.memory_space<vmem>> -> memref<128x128xf32, #tpu.memory_space<vmem>>
        %swap3A_646 = arith.index_cast %add3A_614 : i32 to index
        %swap3A_647 = arith.constant 48 : index
        %swap3A_648 = tpu.vector_load %swap3A_645[%swap3A_646, %swap3A_647] {strides = array<i32>} : memref<128x128xf32, #tpu.memory_space<vmem>>, vector<1x16xf32>,
        %swap3A_649 = vector.shape_cast %swap3A_648 : vector<1x16xf32> to vector<16xf32>
        %swap3A_650 = vector.shape_cast %get3A_523 : vector<16xf32> to vector<1x16xf32>
        tpu.vector_store %swap3A_645[%swap3A_646, %swap3A_647], %swap3A_650 {add = true, strides = array<i32>} : memref<128x128xf32, #tpu.memory_space<vmem>>, vector<1x16xf32>,
        %swap3A_651 = arith.constant 0 : i32
        %swap3A_652 = arith.constant 0 : i32
        %swap3A_653 = tpu.memref_slice %arg7[%scan3A_337, %swap3A_651, %swap3A_652] : memref<4x128x128xf32, #tpu.memory_space<vmem>> -> memref<1x128x128xf32, #tpu.memory_space<vmem>>
        %swap3A_654 = tpu.memref_squeeze %swap3A_653 : memref<1x128x128xf32, #tpu.memory_space<vmem>> -> memref<128x128xf32, #tpu.memory_space<vmem>>
        %swap3A_655 = arith.index_cast %add3A_614 : i32 to index
        %swap3A_656 = arith.constant 64 : index
        %swap3A_657 = tpu.vector_load %swap3A_654[%swap3A_655, %swap3A_656] {strides = array<i32>} : memref<128x128xf32, #tpu.memory_space<vmem>>, vector<1x16xf32>,
        %swap3A_658 = vector.shape_cast %swap3A_657 : vector<1x16xf32> to vector<16xf32>
        %swap3A_659 = vector.shape_cast %get3A_527 : vector<16xf32> to vector<1x16xf32>
        tpu.vector_store %swap3A_654[%swap3A_655, %swap3A_656], %swap3A_659 {add = true, strides = array<i32>} : memref<128x128xf32, #tpu.memory_space<vmem>>, vector<1x16xf32>,
        %swap3A_660 = arith.constant 0 : i32
        %swap3A_661 = arith.constant 0 : i32
        %swap3A_662 = tpu.memref_slice %arg7[%scan3A_337, %swap3A_660, %swap3A_661] : memref<4x128x128xf32, #tpu.memory_space<vmem>> -> memref<1x128x128xf32, #tpu.memory_space<vmem>>
        %swap3A_663 = tpu.memref_squeeze %swap3A_662 : memref<1x128x128xf32, #tpu.memory_space<vmem>> -> memref<128x128xf32, #tpu.memory_space<vmem>>
        %swap3A_664 = arith.index_cast %add3A_614 : i32 to index
        %swap3A_665 = arith.constant 80 : index
        %swap3A_666 = tpu.vector_load %swap3A_663[%swap3A_664, %swap3A_665] {strides = array<i32>} : memref<128x128xf32, #tpu.memory_space<vmem>>, vector<1x16xf32>,
        %swap3A_667 = vector.shape_cast %swap3A_666 : vector<1x16xf32> to vector<16xf32>
        %swap3A_668 = vector.shape_cast %get3A_531 : vector<16xf32> to vector<1x16xf32>
        tpu.vector_store %swap3A_663[%swap3A_664, %swap3A_665], %swap3A_668 {add = true, strides = array<i32>} : memref<128x128xf32, #tpu.memory_space<vmem>>, vector<1x16xf32>,
        %swap3A_669 = arith.constant 0 : i32
        %swap3A_670 = arith.constant 0 : i32
        %swap3A_671 = tpu.memref_slice %arg7[%scan3A_337, %swap3A_669, %swap3A_670] : memref<4x128x128xf32, #tpu.memory_space<vmem>> -> memref<1x128x128xf32, #tpu.memory_space<vmem>>
        %swap3A_672 = tpu.memref_squeeze %swap3A_671 : memref<1x128x128xf32, #tpu.memory_space<vmem>> -> memref<128x128xf32, #tpu.memory_space<vmem>>
        %swap3A_673 = arith.index_cast %add3A_614 : i32 to index
        %swap3A_674 = arith.constant 96 : index
        %swap3A_675 = tpu.vector_load %swap3A_672[%swap3A_673, %swap3A_674] {strides = array<i32>} : memref<128x128xf32, #tpu.memory_space<vmem>>, vector<1x16xf32>,
        %swap3A_676 = vector.shape_cast %swap3A_675 : vector<1x16xf32> to vector<16xf32>
        %swap3A_677 = vector.shape_cast %get3A_535 : vector<16xf32> to vector<1x16xf32>
        tpu.vector_store %swap3A_672[%swap3A_673, %swap3A_674], %swap3A_677 {add = true, strides = array<i32>} : memref<128x128xf32, #tpu.memory_space<vmem>>, vector<1x16xf32>,
        %swap3A_678 = arith.constant 0 : i32
        %swap3A_679 = arith.constant 0 : i32
        %swap3A_680 = tpu.memref_slice %arg7[%scan3A_337, %swap3A_678, %swap3A_679] : memref<4x128x128xf32, #tpu.memory_space<vmem>> -> memref<1x128x128xf32, #tpu.memory_space<vmem>>
        %swap3A_681 = tpu.memref_squeeze %swap3A_680 : memref<1x128x128xf32, #tpu.memory_space<vmem>> -> memref<128x128xf32, #tpu.memory_space<vmem>>
        %swap3A_682 = arith.index_cast %add3A_614 : i32 to index
        %swap3A_683 = arith.constant 112 : index
        %swap3A_684 = tpu.vector_load %swap3A_681[%swap3A_682, %swap3A_683] {strides = array<i32>} : memref<128x128xf32, #tpu.memory_space<vmem>>, vector<1x16xf32>,
        %swap3A_685 = vector.shape_cast %swap3A_684 : vector<1x16xf32> to vector<16xf32>
        %swap3A_686 = vector.shape_cast %get3A_539 : vector<16xf32> to vector<1x16xf32>
        tpu.vector_store %swap3A_681[%swap3A_682, %swap3A_683], %swap3A_686 {add = true, strides = array<i32>} : memref<128x128xf32, #tpu.memory_space<vmem>>, vector<1x16xf32>,
      }
      %scan3A_342 = arith.constant 64 : i32
      %mul3A_343 = arith.constant 128 : i32
      %mul3A_344 = arith.muli %add3A_323, %mul3A_343 : i32
      %add3A_345 = arith.addi %mul3A_2, %mul3A_344 : i32
      %dma_start3A_346 = arith.constant 0 : i32
      %dma_start3A_347 = arith.constant 0 : i32
      %dma_start3A_348 = arith.constant 0 : i32
      %dma_start3A_349 = tpu.memref_slice %arg7[%dma_start3A_346, %dma_start3A_347, %dma_start3A_348] : memref<4x128x128xf32, #tpu.memory_space<vmem>> -> memref<1x128x128xf32, #tpu.memory_space<vmem>>
      %dma_start3A_350 = tpu.memref_squeeze %dma_start3A_349 : memref<1x128x128xf32, #tpu.memory_space<vmem>> -> memref<128x128xf32, #tpu.memory_space<vmem>>
      %dma_start3A_351 = arith.constant 0 : i32
      %dma_start3A_352 = tpu.memref_slice %arg5[%add3A_345, %dma_start3A_351] : memref<262144x128xf32, #tpu.memory_space<hbm>> -> memref<128x128xf32, #tpu.memory_space<hbm>>
      %dma_start3A_353 = arith.constant 0 : i32
      %dma_start3A_354 = tpu.memref_slice %arg5[%add3A_345, %dma_start3A_353] : memref<262144x128xf32, #tpu.memory_space<hbm>> -> memref<128x128xf32, #tpu.memory_space<hbm>>
      %dma_start3A_355 = arith.constant 0 : i32
      %dma_start3A_356 = arith.constant 0 : i32
      %dma_start3A_357 = tpu.memref_slice %arg7[%dma_start3A_346, %dma_start3A_355, %dma_start3A_356] : memref<4x128x128xf32, #tpu.memory_space<vmem>> -> memref<1x128x128xf32, #tpu.memory_space<vmem>>
      %dma_start3A_358 = tpu.memref_squeeze %dma_start3A_357 : memref<1x128x128xf32, #tpu.memory_space<vmem>> -> memref<128x128xf32, #tpu.memory_space<vmem>>
      tpu.enqueue_dma source(%dma_start3A_358 : memref<128x128xf32, #tpu.memory_space<vmem>>) target(%dma_start3A_354 : memref<128x128xf32, #tpu.memory_space<hbm>>) target_semaphore(%arg13 : memref<!tpu.dma_semaphore, #tpu.memory_space<semaphore_mem>>)
      %add3A_359 = arith.constant 4 : i32
      %add3A_360 = arith.addi %add3A_323, %add3A_359 : i32
      %sub3A = arith.constant 1 : i32
      %sub3A_361 = arith.subi %add3A_360, %sub3A : i32
      %lt3A = arith.constant 64 : i32
      %lt3A_362 = arith.cmpi slt, %sub3A_361, %lt3A : i32
      %convert_element_type3A = arith.extui %lt3A_362 : i1 to i32
      %cond3A = arith.constant 0 : i32
      %cond3A_363 = arith.cmpi ne, %convert_element_type3A, %cond3A : i32
      scf.if %cond3A_363 {
        %dma_wait3A_508 = arith.constant 3 : i32
        %dma_wait3A_509 = arith.constant 0 : i32
        %dma_wait3A_510 = arith.constant 0 : i32
        %dma_wait3A_511 = tpu.memref_slice %arg7[%dma_wait3A_508, %dma_wait3A_509, %dma_wait3A_510] : memref<4x128x128xf32, #tpu.memory_space<vmem>> -> memref<1x128x128xf32, #tpu.memory_space<vmem>>
        %dma_wait3A_512 = tpu.memref_squeeze %dma_wait3A_511 : memref<1x128x128xf32, #tpu.memory_space<vmem>> -> memref<128x128xf32, #tpu.memory_space<vmem>>
        %dma_wait3A_513 = arith.constant 0 : i32
        %dma_wait3A_514 = tpu.memref_slice %arg5[%mul3A_2, %dma_wait3A_513] : memref<262144x128xf32, #tpu.memory_space<hbm>> -> memref<128x128xf32, #tpu.memory_space<hbm>>
        %dma_wait3A_515 = arith.constant 0 : i32
        %dma_wait3A_516 = tpu.memref_slice %arg5[%mul3A_2, %dma_wait3A_515] : memref<262144x128xf32, #tpu.memory_space<hbm>> -> memref<128x128xf32, #tpu.memory_space<hbm>>
        %dma_wait3A_517 = arith.constant 0 : i32
        %dma_wait3A_518 = arith.constant 0 : i32
        %dma_wait3A_519 = tpu.memref_slice %arg7[%dma_wait3A_508, %dma_wait3A_517, %dma_wait3A_518] : memref<4x128x128xf32, #tpu.memory_space<vmem>> -> memref<1x128x128xf32, #tpu.memory_space<vmem>>
        %dma_wait3A_520 = tpu.memref_squeeze %dma_wait3A_519 : memref<1x128x128xf32, #tpu.memory_space<vmem>> -> memref<128x128xf32, #tpu.memory_space<vmem>>
        tpu.wait_dma2 semaphore(%arg16 : memref<!tpu.dma_semaphore, #tpu.memory_space<semaphore_mem>>) src(%dma_wait3A_520 : memref<128x128xf32, #tpu.memory_space<vmem>>) dst(%dma_wait3A_516 : memref<128x128xf32, #tpu.memory_space<hbm>>)
        %dma_start3A_521 = arith.constant 3 : i32
        %dma_start3A_522 = arith.constant 0 : i32
        %dma_start3A_523 = arith.constant 0 : i32
        %dma_start3A_524 = tpu.memref_slice %arg7[%dma_start3A_521, %dma_start3A_522, %dma_start3A_523] : memref<4x128x128xf32, #tpu.memory_space<vmem>> -> memref<1x128x128xf32, #tpu.memory_space<vmem>>
        %dma_start3A_525 = tpu.memref_squeeze %dma_start3A_524 : memref<1x128x128xf32, #tpu.memory_space<vmem>> -> memref<128x128xf32, #tpu.memory_space<vmem>>
        %dma_start3A_526 = arith.constant 0 : i32
        %dma_start3A_527 = tpu.memref_slice %arg6[%sub3A_361, %dma_start3A_526] : memref<64x128xi32, #tpu.memory_space<vmem>> -> memref<1x128xi32, #tpu.memory_space<vmem>>
        %dma_start3A_528 = tpu.memref_squeeze %dma_start3A_527 : memref<1x128xi32, #tpu.memory_space<vmem>> -> memref<128xi32, #tpu.memory_space<vmem>>
        %dma_start3A_529 = arith.constant 0 : i32
        %dma_start3A_530 = arith.constant 0 : i32
        %dma_start3A_531 = tpu.memref_slice %arg3[%dma_start3A_529, %dma_start3A_530] : memref<100000x128xf32, #tpu.memory_space<hbm>> -> memref<100000x128xf32, #tpu.memory_space<hbm>>
        tpu.enqueue_indirect_dma source(%dma_start3A_531 : memref<100000x128xf32, #tpu.memory_space<hbm>>) target(%dma_start3A_525 : memref<128x128xf32, #tpu.memory_space<vmem>>) offsets(%dma_start3A_528 : memref<128xi32, #tpu.memory_space<vmem>>) semaphore(%arg12 : memref<!tpu.dma_semaphore, #tpu.memory_space<semaphore_mem>>)
      } else {
      }
      %mul3A_364 = arith.constant 4 : i32
      %mul3A_365 = arith.muli %scan3A_319, %mul3A_364 : i32
      %add3A_366 = arith.constant 1 : i32
      %add3A_367 = arith.addi %mul3A_365, %add3A_366 : i32
      %dma_wait3A_368 = arith.constant 0 : i32
      %dma_wait3A_369 = arith.constant 1 : i32
      %dma_wait3A_370 = arith.constant 0 : i32
      %dma_wait3A_371 = arith.constant 0 : i32
      %dma_wait3A_372 = tpu.memref_slice %arg7[%dma_wait3A_369, %dma_wait3A_370, %dma_wait3A_371] : memref<4x128x128xf32, #tpu.memory_space<vmem>> -> memref<1x128x128xf32, #tpu.memory_space<vmem>>
      %dma_wait3A_373 = tpu.memref_squeeze %dma_wait3A_372 : memref<1x128x128xf32, #tpu.memory_space<vmem>> -> memref<128x128xf32, #tpu.memory_space<vmem>>
      %dma_wait3A_374 = arith.constant 0 : i32
      %dma_wait3A_375 = tpu.memref_slice %arg6[%dma_wait3A_368, %dma_wait3A_374] : memref<64x128xi32, #tpu.memory_space<vmem>> -> memref<1x128xi32, #tpu.memory_space<vmem>>
      %dma_wait3A_376 = tpu.memref_squeeze %dma_wait3A_375 : memref<1x128xi32, #tpu.memory_space<vmem>> -> memref<128xi32, #tpu.memory_space<vmem>>
      %dma_wait3A_377 = arith.constant 0 : i32
      %dma_wait3A_378 = arith.constant 0 : i32
      %dma_wait3A_379 = tpu.memref_slice %arg3[%dma_wait3A_377, %dma_wait3A_378] : memref<100000x128xf32, #tpu.memory_space<hbm>> -> memref<100000x128xf32, #tpu.memory_space<hbm>>
      tpu.wait_indirect_dma semaphore(%arg10 : memref<!tpu.dma_semaphore, #tpu.memory_space<semaphore_mem>>) src(%dma_wait3A_379 : memref<100000x128xf32, #tpu.memory_space<hbm>>) dst(%dma_wait3A_373 : memref<128x128xf32, #tpu.memory_space<vmem>>)
      %scan3A_380 = arith.constant 0 : i32
      %scan3A_381 = arith.constant 1 : i32
      %scan3A_382 = arith.constant 0 : i32
      %scan3A_383 = arith.constant 64 : i32
      %scan3A_384 = arith.addi %scan3A_382, %scan3A_383 : i32
      %scan3A_385 = arith.constant 1 : i32
      scf.for %scan3A_508 = %scan3A_382 to %scan3A_384 step %scan3A_385  : i32 {
        %get3A = arith.index_cast %scan3A_508 : i32 to index
        %get3A_509 = arith.constant 0 : index
        %get3A_510 = tpu.vector_load %arg8[%get3A, %get3A_509] {strides = array<i32>} : memref<64x128xf32, #tpu.memory_space<vmem>>, vector<1x16xf32>,
        %get3A_511 = vector.shape_cast %get3A_510 : vector<1x16xf32> to vector<16xf32>
        %get3A_512 = arith.index_cast %scan3A_508 : i32 to index
        %get3A_513 = arith.constant 16 : index
        %get3A_514 = tpu.vector_load %arg8[%get3A_512, %get3A_513] {strides = array<i32>} : memref<64x128xf32, #tpu.memory_space<vmem>>, vector<1x16xf32>,
        %get3A_515 = vector.shape_cast %get3A_514 : vector<1x16xf32> to vector<16xf32>
        %get3A_516 = arith.index_cast %scan3A_508 : i32 to index
        %get3A_517 = arith.constant 32 : index
        %get3A_518 = tpu.vector_load %arg8[%get3A_516, %get3A_517] {strides = array<i32>} : memref<64x128xf32, #tpu.memory_space<vmem>>, vector<1x16xf32>,
        %get3A_519 = vector.shape_cast %get3A_518 : vector<1x16xf32> to vector<16xf32>
        %get3A_520 = arith.index_cast %scan3A_508 : i32 to index
        %get3A_521 = arith.constant 48 : index
        %get3A_522 = tpu.vector_load %arg8[%get3A_520, %get3A_521] {strides = array<i32>} : memref<64x128xf32, #tpu.memory_space<vmem>>, vector<1x16xf32>,
        %get3A_523 = vector.shape_cast %get3A_522 : vector<1x16xf32> to vector<16xf32>
        %get3A_524 = arith.index_cast %scan3A_508 : i32 to index
        %get3A_525 = arith.constant 64 : index
        %get3A_526 = tpu.vector_load %arg8[%get3A_524, %get3A_525] {strides = array<i32>} : memref<64x128xf32, #tpu.memory_space<vmem>>, vector<1x16xf32>,
        %get3A_527 = vector.shape_cast %get3A_526 : vector<1x16xf32> to vector<16xf32>
        %get3A_528 = arith.index_cast %scan3A_508 : i32 to index
        %get3A_529 = arith.constant 80 : index
        %get3A_530 = tpu.vector_load %arg8[%get3A_528, %get3A_529] {strides = array<i32>} : memref<64x128xf32, #tpu.memory_space<vmem>>, vector<1x16xf32>,
        %get3A_531 = vector.shape_cast %get3A_530 : vector<1x16xf32> to vector<16xf32>
        %get3A_532 = arith.index_cast %scan3A_508 : i32 to index
        %get3A_533 = arith.constant 96 : index
        %get3A_534 = tpu.vector_load %arg8[%get3A_532, %get3A_533] {strides = array<i32>} : memref<64x128xf32, #tpu.memory_space<vmem>>, vector<1x16xf32>,
        %get3A_535 = vector.shape_cast %get3A_534 : vector<1x16xf32> to vector<16xf32>
        %get3A_536 = arith.index_cast %scan3A_508 : i32 to index
        %get3A_537 = arith.constant 112 : index
        %get3A_538 = tpu.vector_load %arg8[%get3A_536, %get3A_537] {strides = array<i32>} : memref<64x128xf32, #tpu.memory_space<vmem>>, vector<1x16xf32>,
        %get3A_539 = vector.shape_cast %get3A_538 : vector<1x16xf32> to vector<16xf32>
        %add3A_540 = arith.constant 0 : i32
        %add3A_541 = arith.addi %add3A_540, %scan3A_508 : i32
        %swap3A = arith.constant 0 : i32
        %swap3A_542 = arith.constant 0 : i32
        %swap3A_543 = tpu.memref_slice %arg7[%scan3A_381, %swap3A, %swap3A_542] : memref<4x128x128xf32, #tpu.memory_space<vmem>> -> memref<1x128x128xf32, #tpu.memory_space<vmem>>
        %swap3A_544 = tpu.memref_squeeze %swap3A_543 : memref<1x128x128xf32, #tpu.memory_space<vmem>> -> memref<128x128xf32, #tpu.memory_space<vmem>>
        %swap3A_545 = arith.index_cast %add3A_541 : i32 to index
        %swap3A_546 = arith.constant 0 : index
        %swap3A_547 = tpu.vector_load %swap3A_544[%swap3A_545, %swap3A_546] {strides = array<i32>} : memref<128x128xf32, #tpu.memory_space<vmem>>, vector<1x16xf32>,
        %swap3A_548 = vector.shape_cast %swap3A_547 : vector<1x16xf32> to vector<16xf32>
        %swap3A_549 = vector.shape_cast %get3A_511 : vector<16xf32> to vector<1x16xf32>
        tpu.vector_store %swap3A_544[%swap3A_545, %swap3A_546], %swap3A_549 {add = true, strides = array<i32>} : memref<128x128xf32, #tpu.memory_space<vmem>>, vector<1x16xf32>,
        %swap3A_550 = arith.constant 0 : i32
        %swap3A_551 = arith.constant 0 : i32
        %swap3A_552 = tpu.memref_slice %arg7[%scan3A_381, %swap3A_550, %swap3A_551] : memref<4x128x128xf32, #tpu.memory_space<vmem>> -> memref<1x128x128xf32, #tpu.memory_space<vmem>>
        %swap3A_553 = tpu.memref_squeeze %swap3A_552 : memref<1x128x128xf32, #tpu.memory_space<vmem>> -> memref<128x128xf32, #tpu.memory_space<vmem>>
        %swap3A_554 = arith.index_cast %add3A_541 : i32 to index
        %swap3A_555 = arith.constant 16 : index
        %swap3A_556 = tpu.vector_load %swap3A_553[%swap3A_554, %swap3A_555] {strides = array<i32>} : memref<128x128xf32, #tpu.memory_space<vmem>>, vector<1x16xf32>,
        %swap3A_557 = vector.shape_cast %swap3A_556 : vector<1x16xf32> to vector<16xf32>
        %swap3A_558 = vector.shape_cast %get3A_515 : vector<16xf32> to vector<1x16xf32>
        tpu.vector_store %swap3A_553[%swap3A_554, %swap3A_555], %swap3A_558 {add = true, strides = array<i32>} : memref<128x128xf32, #tpu.memory_space<vmem>>, vector<1x16xf32>,
        %swap3A_559 = arith.constant 0 : i32
        %swap3A_560 = arith.constant 0 : i32
        %swap3A_561 = tpu.memref_slice %arg7[%scan3A_381, %swap3A_559, %swap3A_560] : memref<4x128x128xf32, #tpu.memory_space<vmem>> -> memref<1x128x128xf32, #tpu.memory_space<vmem>>
        %swap3A_562 = tpu.memref_squeeze %swap3A_561 : memref<1x128x128xf32, #tpu.memory_space<vmem>> -> memref<128x128xf32, #tpu.memory_space<vmem>>
        %swap3A_563 = arith.index_cast %add3A_541 : i32 to index
        %swap3A_564 = arith.constant 32 : index
        %swap3A_565 = tpu.vector_load %swap3A_562[%swap3A_563, %swap3A_564] {strides = array<i32>} : memref<128x128xf32, #tpu.memory_space<vmem>>, vector<1x16xf32>,
        %swap3A_566 = vector.shape_cast %swap3A_565 : vector<1x16xf32> to vector<16xf32>
        %swap3A_567 = vector.shape_cast %get3A_519 : vector<16xf32> to vector<1x16xf32>
        tpu.vector_store %swap3A_562[%swap3A_563, %swap3A_564], %swap3A_567 {add = true, strides = array<i32>} : memref<128x128xf32, #tpu.memory_space<vmem>>, vector<1x16xf32>,
        %swap3A_568 = arith.constant 0 : i32
        %swap3A_569 = arith.constant 0 : i32
        %swap3A_570 = tpu.memref_slice %arg7[%scan3A_381, %swap3A_568, %swap3A_569] : memref<4x128x128xf32, #tpu.memory_space<vmem>> -> memref<1x128x128xf32, #tpu.memory_space<vmem>>
        %swap3A_571 = tpu.memref_squeeze %swap3A_570 : memref<1x128x128xf32, #tpu.memory_space<vmem>> -> memref<128x128xf32, #tpu.memory_space<vmem>>
        %swap3A_572 = arith.index_cast %add3A_541 : i32 to index
        %swap3A_573 = arith.constant 48 : index
        %swap3A_574 = tpu.vector_load %swap3A_571[%swap3A_572, %swap3A_573] {strides = array<i32>} : memref<128x128xf32, #tpu.memory_space<vmem>>, vector<1x16xf32>,
        %swap3A_575 = vector.shape_cast %swap3A_574 : vector<1x16xf32> to vector<16xf32>
        %swap3A_576 = vector.shape_cast %get3A_523 : vector<16xf32> to vector<1x16xf32>
        tpu.vector_store %swap3A_571[%swap3A_572, %swap3A_573], %swap3A_576 {add = true, strides = array<i32>} : memref<128x128xf32, #tpu.memory_space<vmem>>, vector<1x16xf32>,
        %swap3A_577 = arith.constant 0 : i32
        %swap3A_578 = arith.constant 0 : i32
        %swap3A_579 = tpu.memref_slice %arg7[%scan3A_381, %swap3A_577, %swap3A_578] : memref<4x128x128xf32, #tpu.memory_space<vmem>> -> memref<1x128x128xf32, #tpu.memory_space<vmem>>
        %swap3A_580 = tpu.memref_squeeze %swap3A_579 : memref<1x128x128xf32, #tpu.memory_space<vmem>> -> memref<128x128xf32, #tpu.memory_space<vmem>>
        %swap3A_581 = arith.index_cast %add3A_541 : i32 to index
        %swap3A_582 = arith.constant 64 : index
        %swap3A_583 = tpu.vector_load %swap3A_580[%swap3A_581, %swap3A_582] {strides = array<i32>} : memref<128x128xf32, #tpu.memory_space<vmem>>, vector<1x16xf32>,
        %swap3A_584 = vector.shape_cast %swap3A_583 : vector<1x16xf32> to vector<16xf32>
        %swap3A_585 = vector.shape_cast %get3A_527 : vector<16xf32> to vector<1x16xf32>
        tpu.vector_store %swap3A_580[%swap3A_581, %swap3A_582], %swap3A_585 {add = true, strides = array<i32>} : memref<128x128xf32, #tpu.memory_space<vmem>>, vector<1x16xf32>,
        %swap3A_586 = arith.constant 0 : i32
        %swap3A_587 = arith.constant 0 : i32
        %swap3A_588 = tpu.memref_slice %arg7[%scan3A_381, %swap3A_586, %swap3A_587] : memref<4x128x128xf32, #tpu.memory_space<vmem>> -> memref<1x128x128xf32, #tpu.memory_space<vmem>>
        %swap3A_589 = tpu.memref_squeeze %swap3A_588 : memref<1x128x128xf32, #tpu.memory_space<vmem>> -> memref<128x128xf32, #tpu.memory_space<vmem>>
        %swap3A_590 = arith.index_cast %add3A_541 : i32 to index
        %swap3A_591 = arith.constant 80 : index
        %swap3A_592 = tpu.vector_load %swap3A_589[%swap3A_590, %swap3A_591] {strides = array<i32>} : memref<128x128xf32, #tpu.memory_space<vmem>>, vector<1x16xf32>,
        %swap3A_593 = vector.shape_cast %swap3A_592 : vector<1x16xf32> to vector<16xf32>
        %swap3A_594 = vector.shape_cast %get3A_531 : vector<16xf32> to vector<1x16xf32>
        tpu.vector_store %swap3A_589[%swap3A_590, %swap3A_591], %swap3A_594 {add = true, strides = array<i32>} : memref<128x128xf32, #tpu.memory_space<vmem>>, vector<1x16xf32>,
        %swap3A_595 = arith.constant 0 : i32
        %swap3A_596 = arith.constant 0 : i32
        %swap3A_597 = tpu.memref_slice %arg7[%scan3A_381, %swap3A_595, %swap3A_596] : memref<4x128x128xf32, #tpu.memory_space<vmem>> -> memref<1x128x128xf32, #tpu.memory_space<vmem>>
        %swap3A_598 = tpu.memref_squeeze %swap3A_597 : memref<1x128x128xf32, #tpu.memory_space<vmem>> -> memref<128x128xf32, #tpu.memory_space<vmem>>
        %swap3A_599 = arith.index_cast %add3A_541 : i32 to index
        %swap3A_600 = arith.constant 96 : index
        %swap3A_601 = tpu.vector_load %swap3A_598[%swap3A_599, %swap3A_600] {strides = array<i32>} : memref<128x128xf32, #tpu.memory_space<vmem>>, vector<1x16xf32>,
        %swap3A_602 = vector.shape_cast %swap3A_601 : vector<1x16xf32> to vector<16xf32>
        %swap3A_603 = vector.shape_cast %get3A_535 : vector<16xf32> to vector<1x16xf32>
        tpu.vector_store %swap3A_598[%swap3A_599, %swap3A_600], %swap3A_603 {add = true, strides = array<i32>} : memref<128x128xf32, #tpu.memory_space<vmem>>, vector<1x16xf32>,
        %swap3A_604 = arith.constant 0 : i32
        %swap3A_605 = arith.constant 0 : i32
        %swap3A_606 = tpu.memref_slice %arg7[%scan3A_381, %swap3A_604, %swap3A_605] : memref<4x128x128xf32, #tpu.memory_space<vmem>> -> memref<1x128x128xf32, #tpu.memory_space<vmem>>
        %swap3A_607 = tpu.memref_squeeze %swap3A_606 : memref<1x128x128xf32, #tpu.memory_space<vmem>> -> memref<128x128xf32, #tpu.memory_space<vmem>>
        %swap3A_608 = arith.index_cast %add3A_541 : i32 to index
        %swap3A_609 = arith.constant 112 : index
        %swap3A_610 = tpu.vector_load %swap3A_607[%swap3A_608, %swap3A_609] {strides = array<i32>} : memref<128x128xf32, #tpu.memory_space<vmem>>, vector<1x16xf32>,
        %swap3A_611 = vector.shape_cast %swap3A_610 : vector<1x16xf32> to vector<16xf32>
        %swap3A_612 = vector.shape_cast %get3A_539 : vector<16xf32> to vector<1x16xf32>
        tpu.vector_store %swap3A_607[%swap3A_608, %swap3A_609], %swap3A_612 {add = true, strides = array<i32>} : memref<128x128xf32, #tpu.memory_space<vmem>>, vector<1x16xf32>,
        %add3A_613 = arith.constant 64 : i32
        %add3A_614 = arith.addi %add3A_613, %scan3A_508 : i32
        %swap3A_615 = arith.constant 0 : i32
        %swap3A_616 = arith.constant 0 : i32
        %swap3A_617 = tpu.memref_slice %arg7[%scan3A_381, %swap3A_615, %swap3A_616] : memref<4x128x128xf32, #tpu.memory_space<vmem>> -> memref<1x128x128xf32, #tpu.memory_space<vmem>>
        %swap3A_618 = tpu.memref_squeeze %swap3A_617 : memref<1x128x128xf32, #tpu.memory_space<vmem>> -> memref<128x128xf32, #tpu.memory_space<vmem>>
        %swap3A_619 = arith.index_cast %add3A_614 : i32 to index
        %swap3A_620 = arith.constant 0 : index
        %swap3A_621 = tpu.vector_load %swap3A_618[%swap3A_619, %swap3A_620] {strides = array<i32>} : memref<128x128xf32, #tpu.memory_space<vmem>>, vector<1x16xf32>,
        %swap3A_622 = vector.shape_cast %swap3A_621 : vector<1x16xf32> to vector<16xf32>
        %swap3A_623 = vector.shape_cast %get3A_511 : vector<16xf32> to vector<1x16xf32>
        tpu.vector_store %swap3A_618[%swap3A_619, %swap3A_620], %swap3A_623 {add = true, strides = array<i32>} : memref<128x128xf32, #tpu.memory_space<vmem>>, vector<1x16xf32>,
        %swap3A_624 = arith.constant 0 : i32
        %swap3A_625 = arith.constant 0 : i32
        %swap3A_626 = tpu.memref_slice %arg7[%scan3A_381, %swap3A_624, %swap3A_625] : memref<4x128x128xf32, #tpu.memory_space<vmem>> -> memref<1x128x128xf32, #tpu.memory_space<vmem>>
        %swap3A_627 = tpu.memref_squeeze %swap3A_626 : memref<1x128x128xf32, #tpu.memory_space<vmem>> -> memref<128x128xf32, #tpu.memory_space<vmem>>
        %swap3A_628 = arith.index_cast %add3A_614 : i32 to index
        %swap3A_629 = arith.constant 16 : index
        %swap3A_630 = tpu.vector_load %swap3A_627[%swap3A_628, %swap3A_629] {strides = array<i32>} : memref<128x128xf32, #tpu.memory_space<vmem>>, vector<1x16xf32>,
        %swap3A_631 = vector.shape_cast %swap3A_630 : vector<1x16xf32> to vector<16xf32>
        %swap3A_632 = vector.shape_cast %get3A_515 : vector<16xf32> to vector<1x16xf32>
        tpu.vector_store %swap3A_627[%swap3A_628, %swap3A_629], %swap3A_632 {add = true, strides = array<i32>} : memref<128x128xf32, #tpu.memory_space<vmem>>, vector<1x16xf32>,
        %swap3A_633 = arith.constant 0 : i32
        %swap3A_634 = arith.constant 0 : i32
        %swap3A_635 = tpu.memref_slice %arg7[%scan3A_381, %swap3A_633, %swap3A_634] : memref<4x128x128xf32, #tpu.memory_space<vmem>> -> memref<1x128x128xf32, #tpu.memory_space<vmem>>
        %swap3A_636 = tpu.memref_squeeze %swap3A_635 : memref<1x128x128xf32, #tpu.memory_space<vmem>> -> memref<128x128xf32, #tpu.memory_space<vmem>>
        %swap3A_637 = arith.index_cast %add3A_614 : i32 to index
        %swap3A_638 = arith.constant 32 : index
        %swap3A_639 = tpu.vector_load %swap3A_636[%swap3A_637, %swap3A_638] {strides = array<i32>} : memref<128x128xf32, #tpu.memory_space<vmem>>, vector<1x16xf32>,
        %swap3A_640 = vector.shape_cast %swap3A_639 : vector<1x16xf32> to vector<16xf32>
        %swap3A_641 = vector.shape_cast %get3A_519 : vector<16xf32> to vector<1x16xf32>
        tpu.vector_store %swap3A_636[%swap3A_637, %swap3A_638], %swap3A_641 {add = true, strides = array<i32>} : memref<128x128xf32, #tpu.memory_space<vmem>>, vector<1x16xf32>,
        %swap3A_642 = arith.constant 0 : i32
        %swap3A_643 = arith.constant 0 : i32
        %swap3A_644 = tpu.memref_slice %arg7[%scan3A_381, %swap3A_642, %swap3A_643] : memref<4x128x128xf32, #tpu.memory_space<vmem>> -> memref<1x128x128xf32, #tpu.memory_space<vmem>>
        %swap3A_645 = tpu.memref_squeeze %swap3A_644 : memref<1x128x128xf32, #tpu.memory_space<vmem>> -> memref<128x128xf32, #tpu.memory_space<vmem>>
        %swap3A_646 = arith.index_cast %add3A_614 : i32 to index
        %swap3A_647 = arith.constant 48 : index
        %swap3A_648 = tpu.vector_load %swap3A_645[%swap3A_646, %swap3A_647] {strides = array<i32>} : memref<128x128xf32, #tpu.memory_space<vmem>>, vector<1x16xf32>,
        %swap3A_649 = vector.shape_cast %swap3A_648 : vector<1x16xf32> to vector<16xf32>
        %swap3A_650 = vector.shape_cast %get3A_523 : vector<16xf32> to vector<1x16xf32>
        tpu.vector_store %swap3A_645[%swap3A_646, %swap3A_647], %swap3A_650 {add = true, strides = array<i32>} : memref<128x128xf32, #tpu.memory_space<vmem>>, vector<1x16xf32>,
        %swap3A_651 = arith.constant 0 : i32
        %swap3A_652 = arith.constant 0 : i32
        %swap3A_653 = tpu.memref_slice %arg7[%scan3A_381, %swap3A_651, %swap3A_652] : memref<4x128x128xf32, #tpu.memory_space<vmem>> -> memref<1x128x128xf32, #tpu.memory_space<vmem>>
        %swap3A_654 = tpu.memref_squeeze %swap3A_653 : memref<1x128x128xf32, #tpu.memory_space<vmem>> -> memref<128x128xf32, #tpu.memory_space<vmem>>
        %swap3A_655 = arith.index_cast %add3A_614 : i32 to index
        %swap3A_656 = arith.constant 64 : index
        %swap3A_657 = tpu.vector_load %swap3A_654[%swap3A_655, %swap3A_656] {strides = array<i32>} : memref<128x128xf32, #tpu.memory_space<vmem>>, vector<1x16xf32>,
        %swap3A_658 = vector.shape_cast %swap3A_657 : vector<1x16xf32> to vector<16xf32>
        %swap3A_659 = vector.shape_cast %get3A_527 : vector<16xf32> to vector<1x16xf32>
        tpu.vector_store %swap3A_654[%swap3A_655, %swap3A_656], %swap3A_659 {add = true, strides = array<i32>} : memref<128x128xf32, #tpu.memory_space<vmem>>, vector<1x16xf32>,
        %swap3A_660 = arith.constant 0 : i32
        %swap3A_661 = arith.constant 0 : i32
        %swap3A_662 = tpu.memref_slice %arg7[%scan3A_381, %swap3A_660, %swap3A_661] : memref<4x128x128xf32, #tpu.memory_space<vmem>> -> memref<1x128x128xf32, #tpu.memory_space<vmem>>
        %swap3A_663 = tpu.memref_squeeze %swap3A_662 : memref<1x128x128xf32, #tpu.memory_space<vmem>> -> memref<128x128xf32, #tpu.memory_space<vmem>>
        %swap3A_664 = arith.index_cast %add3A_614 : i32 to index
        %swap3A_665 = arith.constant 80 : index
        %swap3A_666 = tpu.vector_load %swap3A_663[%swap3A_664, %swap3A_665] {strides = array<i32>} : memref<128x128xf32, #tpu.memory_space<vmem>>, vector<1x16xf32>,
        %swap3A_667 = vector.shape_cast %swap3A_666 : vector<1x16xf32> to vector<16xf32>
        %swap3A_668 = vector.shape_cast %get3A_531 : vector<16xf32> to vector<1x16xf32>
        tpu.vector_store %swap3A_663[%swap3A_664, %swap3A_665], %swap3A_668 {add = true, strides = array<i32>} : memref<128x128xf32, #tpu.memory_space<vmem>>, vector<1x16xf32>,
        %swap3A_669 = arith.constant 0 : i32
        %swap3A_670 = arith.constant 0 : i32
        %swap3A_671 = tpu.memref_slice %arg7[%scan3A_381, %swap3A_669, %swap3A_670] : memref<4x128x128xf32, #tpu.memory_space<vmem>> -> memref<1x128x128xf32, #tpu.memory_space<vmem>>
        %swap3A_672 = tpu.memref_squeeze %swap3A_671 : memref<1x128x128xf32, #tpu.memory_space<vmem>> -> memref<128x128xf32, #tpu.memory_space<vmem>>
        %swap3A_673 = arith.index_cast %add3A_614 : i32 to index
        %swap3A_674 = arith.constant 96 : index
        %swap3A_675 = tpu.vector_load %swap3A_672[%swap3A_673, %swap3A_674] {strides = array<i32>} : memref<128x128xf32, #tpu.memory_space<vmem>>, vector<1x16xf32>,
        %swap3A_676 = vector.shape_cast %swap3A_675 : vector<1x16xf32> to vector<16xf32>
        %swap3A_677 = vector.shape_cast %get3A_535 : vector<16xf32> to vector<1x16xf32>
        tpu.vector_store %swap3A_672[%swap3A_673, %swap3A_674], %swap3A_677 {add = true, strides = array<i32>} : memref<128x128xf32, #tpu.memory_space<vmem>>, vector<1x16xf32>,
        %swap3A_678 = arith.constant 0 : i32
        %swap3A_679 = arith.constant 0 : i32
        %swap3A_680 = tpu.memref_slice %arg7[%scan3A_381, %swap3A_678, %swap3A_679] : memref<4x128x128xf32, #tpu.memory_space<vmem>> -> memref<1x128x128xf32, #tpu.memory_space<vmem>>
        %swap3A_681 = tpu.memref_squeeze %swap3A_680 : memref<1x128x128xf32, #tpu.memory_space<vmem>> -> memref<128x128xf32, #tpu.memory_space<vmem>>
        %swap3A_682 = arith.index_cast %add3A_614 : i32 to index
        %swap3A_683 = arith.constant 112 : index
        %swap3A_684 = tpu.vector_load %swap3A_681[%swap3A_682, %swap3A_683] {strides = array<i32>} : memref<128x128xf32, #tpu.memory_space<vmem>>, vector<1x16xf32>,
        %swap3A_685 = vector.shape_cast %swap3A_684 : vector<1x16xf32> to vector<16xf32>
        %swap3A_686 = vector.shape_cast %get3A_539 : vector<16xf32> to vector<1x16xf32>
        tpu.vector_store %swap3A_681[%swap3A_682, %swap3A_683], %swap3A_686 {add = true, strides = array<i32>} : memref<128x128xf32, #tpu.memory_space<vmem>>, vector<1x16xf32>,
      }
      %scan3A_386 = arith.constant 64 : i32
      %mul3A_387 = arith.constant 128 : i32
      %mul3A_388 = arith.muli %add3A_367, %mul3A_387 : i32
      %add3A_389 = arith.addi %mul3A_2, %mul3A_388 : i32
      %dma_start3A_390 = arith.constant 1 : i32
      %dma_start3A_391 = arith.constant 0 : i32
      %dma_start3A_392 = arith.constant 0 : i32
      %dma_start3A_393 = tpu.memref_slice %arg7[%dma_start3A_390, %dma_start3A_391, %dma_start3A_392] : memref<4x128x128xf32, #tpu.memory_space<vmem>> -> memref<1x128x128xf32, #tpu.memory_space<vmem>>
      %dma_start3A_394 = tpu.memref_squeeze %dma_start3A_393 : memref<1x128x128xf32, #tpu.memory_space<vmem>> -> memref<128x128xf32, #tpu.memory_space<vmem>>
      %dma_start3A_395 = arith.constant 0 : i32
      %dma_start3A_396 = tpu.memref_slice %arg5[%add3A_389, %dma_start3A_395] : memref<262144x128xf32, #tpu.memory_space<hbm>> -> memref<128x128xf32, #tpu.memory_space<hbm>>
      %dma_start3A_397 = arith.constant 0 : i32
      %dma_start3A_398 = tpu.memref_slice %arg5[%add3A_389, %dma_start3A_397] : memref<262144x128xf32, #tpu.memory_space<hbm>> -> memref<128x128xf32, #tpu.memory_space<hbm>>
      %dma_start3A_399 = arith.constant 0 : i32
      %dma_start3A_400 = arith.constant 0 : i32
      %dma_start3A_401 = tpu.memref_slice %arg7[%dma_start3A_390, %dma_start3A_399, %dma_start3A_400] : memref<4x128x128xf32, #tpu.memory_space<vmem>> -> memref<1x128x128xf32, #tpu.memory_space<vmem>>
      %dma_start3A_402 = tpu.memref_squeeze %dma_start3A_401 : memref<1x128x128xf32, #tpu.memory_space<vmem>> -> memref<128x128xf32, #tpu.memory_space<vmem>>
      tpu.enqueue_dma source(%dma_start3A_402 : memref<128x128xf32, #tpu.memory_space<vmem>>) target(%dma_start3A_398 : memref<128x128xf32, #tpu.memory_space<hbm>>) target_semaphore(%arg14 : memref<!tpu.dma_semaphore, #tpu.memory_space<semaphore_mem>>)
      %add3A_403 = arith.constant 4 : i32
      %add3A_404 = arith.addi %add3A_367, %add3A_403 : i32
      %sub3A_405 = arith.constant 1 : i32
      %sub3A_406 = arith.subi %add3A_404, %sub3A_405 : i32
      %lt3A_407 = arith.constant 64 : i32
      %lt3A_408 = arith.cmpi slt, %sub3A_406, %lt3A_407 : i32
      %convert_element_type3A_409 = arith.extui %lt3A_408 : i1 to i32
      %cond3A_410 = arith.constant 0 : i32
      %cond3A_411 = arith.cmpi ne, %convert_element_type3A_409, %cond3A_410 : i32
      scf.if %cond3A_411 {
        %dma_wait3A_508 = arith.constant 0 : i32
        %dma_wait3A_509 = arith.constant 0 : i32
        %dma_wait3A_510 = arith.constant 0 : i32
        %dma_wait3A_511 = tpu.memref_slice %arg7[%dma_wait3A_508, %dma_wait3A_509, %dma_wait3A_510] : memref<4x128x128xf32, #tpu.memory_space<vmem>> -> memref<1x128x128xf32, #tpu.memory_space<vmem>>
        %dma_wait3A_512 = tpu.memref_squeeze %dma_wait3A_511 : memref<1x128x128xf32, #tpu.memory_space<vmem>> -> memref<128x128xf32, #tpu.memory_space<vmem>>
        %dma_wait3A_513 = arith.constant 0 : i32
        %dma_wait3A_514 = tpu.memref_slice %arg5[%mul3A_2, %dma_wait3A_513] : memref<262144x128xf32, #tpu.memory_space<hbm>> -> memref<128x128xf32, #tpu.memory_space<hbm>>
        %dma_wait3A_515 = arith.constant 0 : i32
        %dma_wait3A_516 = tpu.memref_slice %arg5[%mul3A_2, %dma_wait3A_515] : memref<262144x128xf32, #tpu.memory_space<hbm>> -> memref<128x128xf32, #tpu.memory_space<hbm>>
        %dma_wait3A_517 = arith.constant 0 : i32
        %dma_wait3A_518 = arith.constant 0 : i32
        %dma_wait3A_519 = tpu.memref_slice %arg7[%dma_wait3A_508, %dma_wait3A_517, %dma_wait3A_518] : memref<4x128x128xf32, #tpu.memory_space<vmem>> -> memref<1x128x128xf32, #tpu.memory_space<vmem>>
        %dma_wait3A_520 = tpu.memref_squeeze %dma_wait3A_519 : memref<1x128x128xf32, #tpu.memory_space<vmem>> -> memref<128x128xf32, #tpu.memory_space<vmem>>
        tpu.wait_dma2 semaphore(%arg13 : memref<!tpu.dma_semaphore, #tpu.memory_space<semaphore_mem>>) src(%dma_wait3A_520 : memref<128x128xf32, #tpu.memory_space<vmem>>) dst(%dma_wait3A_516 : memref<128x128xf32, #tpu.memory_space<hbm>>)
        %dma_start3A_521 = arith.constant 0 : i32
        %dma_start3A_522 = arith.constant 0 : i32
        %dma_start3A_523 = arith.constant 0 : i32
        %dma_start3A_524 = tpu.memref_slice %arg7[%dma_start3A_521, %dma_start3A_522, %dma_start3A_523] : memref<4x128x128xf32, #tpu.memory_space<vmem>> -> memref<1x128x128xf32, #tpu.memory_space<vmem>>
        %dma_start3A_525 = tpu.memref_squeeze %dma_start3A_524 : memref<1x128x128xf32, #tpu.memory_space<vmem>> -> memref<128x128xf32, #tpu.memory_space<vmem>>
        %dma_start3A_526 = arith.constant 0 : i32
        %dma_start3A_527 = tpu.memref_slice %arg6[%sub3A_406, %dma_start3A_526] : memref<64x128xi32, #tpu.memory_space<vmem>> -> memref<1x128xi32, #tpu.memory_space<vmem>>
        %dma_start3A_528 = tpu.memref_squeeze %dma_start3A_527 : memref<1x128xi32, #tpu.memory_space<vmem>> -> memref<128xi32, #tpu.memory_space<vmem>>
        %dma_start3A_529 = arith.constant 0 : i32
        %dma_start3A_530 = arith.constant 0 : i32
        %dma_start3A_531 = tpu.memref_slice %arg3[%dma_start3A_529, %dma_start3A_530] : memref<100000x128xf32, #tpu.memory_space<hbm>> -> memref<100000x128xf32, #tpu.memory_space<hbm>>
        tpu.enqueue_indirect_dma source(%dma_start3A_531 : memref<100000x128xf32, #tpu.memory_space<hbm>>) target(%dma_start3A_525 : memref<128x128xf32, #tpu.memory_space<vmem>>) offsets(%dma_start3A_528 : memref<128xi32, #tpu.memory_space<vmem>>) semaphore(%arg9 : memref<!tpu.dma_semaphore, #tpu.memory_space<semaphore_mem>>)
      } else {
      }
      %mul3A_412 = arith.constant 4 : i32
      %mul3A_413 = arith.muli %scan3A_319, %mul3A_412 : i32
      %add3A_414 = arith.constant 2 : i32
      %add3A_415 = arith.addi %mul3A_413, %add3A_414 : i32
      %dma_wait3A_416 = arith.constant 0 : i32
      %dma_wait3A_417 = arith.constant 2 : i32
      %dma_wait3A_418 = arith.constant 0 : i32
      %dma_wait3A_419 = arith.constant 0 : i32
      %dma_wait3A_420 = tpu.memref_slice %arg7[%dma_wait3A_417, %dma_wait3A_418, %dma_wait3A_419] : memref<4x128x128xf32, #tpu.memory_space<vmem>> -> memref<1x128x128xf32, #tpu.memory_space<vmem>>
      %dma_wait3A_421 = tpu.memref_squeeze %dma_wait3A_420 : memref<1x128x128xf32, #tpu.memory_space<vmem>> -> memref<128x128xf32, #tpu.memory_space<vmem>>
      %dma_wait3A_422 = arith.constant 0 : i32
      %dma_wait3A_423 = tpu.memref_slice %arg6[%dma_wait3A_416, %dma_wait3A_422] : memref<64x128xi32, #tpu.memory_space<vmem>> -> memref<1x128xi32, #tpu.memory_space<vmem>>
      %dma_wait3A_424 = tpu.memref_squeeze %dma_wait3A_423 : memref<1x128xi32, #tpu.memory_space<vmem>> -> memref<128xi32, #tpu.memory_space<vmem>>
      %dma_wait3A_425 = arith.constant 0 : i32
      %dma_wait3A_426 = arith.constant 0 : i32
      %dma_wait3A_427 = tpu.memref_slice %arg3[%dma_wait3A_425, %dma_wait3A_426] : memref<100000x128xf32, #tpu.memory_space<hbm>> -> memref<100000x128xf32, #tpu.memory_space<hbm>>
      tpu.wait_indirect_dma semaphore(%arg11 : memref<!tpu.dma_semaphore, #tpu.memory_space<semaphore_mem>>) src(%dma_wait3A_427 : memref<100000x128xf32, #tpu.memory_space<hbm>>) dst(%dma_wait3A_421 : memref<128x128xf32, #tpu.memory_space<vmem>>)
      %scan3A_428 = arith.constant 0 : i32
      %scan3A_429 = arith.constant 2 : i32
      %scan3A_430 = arith.constant 0 : i32
      %scan3A_431 = arith.constant 64 : i32
      %scan3A_432 = arith.addi %scan3A_430, %scan3A_431 : i32
      %scan3A_433 = arith.constant 1 : i32
      scf.for %scan3A_508 = %scan3A_430 to %scan3A_432 step %scan3A_433  : i32 {
        %get3A = arith.index_cast %scan3A_508 : i32 to index
        %get3A_509 = arith.constant 0 : index
        %get3A_510 = tpu.vector_load %arg8[%get3A, %get3A_509] {strides = array<i32>} : memref<64x128xf32, #tpu.memory_space<vmem>>, vector<1x16xf32>,
        %get3A_511 = vector.shape_cast %get3A_510 : vector<1x16xf32> to vector<16xf32>
        %get3A_512 = arith.index_cast %scan3A_508 : i32 to index
        %get3A_513 = arith.constant 16 : index
        %get3A_514 = tpu.vector_load %arg8[%get3A_512, %get3A_513] {strides = array<i32>} : memref<64x128xf32, #tpu.memory_space<vmem>>, vector<1x16xf32>,
        %get3A_515 = vector.shape_cast %get3A_514 : vector<1x16xf32> to vector<16xf32>
        %get3A_516 = arith.index_cast %scan3A_508 : i32 to index
        %get3A_517 = arith.constant 32 : index
        %get3A_518 = tpu.vector_load %arg8[%get3A_516, %get3A_517] {strides = array<i32>} : memref<64x128xf32, #tpu.memory_space<vmem>>, vector<1x16xf32>,
        %get3A_519 = vector.shape_cast %get3A_518 : vector<1x16xf32> to vector<16xf32>
        %get3A_520 = arith.index_cast %scan3A_508 : i32 to index
        %get3A_521 = arith.constant 48 : index
        %get3A_522 = tpu.vector_load %arg8[%get3A_520, %get3A_521] {strides = array<i32>} : memref<64x128xf32, #tpu.memory_space<vmem>>, vector<1x16xf32>,
        %get3A_523 = vector.shape_cast %get3A_522 : vector<1x16xf32> to vector<16xf32>
        %get3A_524 = arith.index_cast %scan3A_508 : i32 to index
        %get3A_525 = arith.constant 64 : index
        %get3A_526 = tpu.vector_load %arg8[%get3A_524, %get3A_525] {strides = array<i32>} : memref<64x128xf32, #tpu.memory_space<vmem>>, vector<1x16xf32>,
        %get3A_527 = vector.shape_cast %get3A_526 : vector<1x16xf32> to vector<16xf32>
        %get3A_528 = arith.index_cast %scan3A_508 : i32 to index
        %get3A_529 = arith.constant 80 : index
        %get3A_530 = tpu.vector_load %arg8[%get3A_528, %get3A_529] {strides = array<i32>} : memref<64x128xf32, #tpu.memory_space<vmem>>, vector<1x16xf32>,
        %get3A_531 = vector.shape_cast %get3A_530 : vector<1x16xf32> to vector<16xf32>
        %get3A_532 = arith.index_cast %scan3A_508 : i32 to index
        %get3A_533 = arith.constant 96 : index
        %get3A_534 = tpu.vector_load %arg8[%get3A_532, %get3A_533] {strides = array<i32>} : memref<64x128xf32, #tpu.memory_space<vmem>>, vector<1x16xf32>,
        %get3A_535 = vector.shape_cast %get3A_534 : vector<1x16xf32> to vector<16xf32>
        %get3A_536 = arith.index_cast %scan3A_508 : i32 to index
        %get3A_537 = arith.constant 112 : index
        %get3A_538 = tpu.vector_load %arg8[%get3A_536, %get3A_537] {strides = array<i32>} : memref<64x128xf32, #tpu.memory_space<vmem>>, vector<1x16xf32>,
        %get3A_539 = vector.shape_cast %get3A_538 : vector<1x16xf32> to vector<16xf32>
        %add3A_540 = arith.constant 0 : i32
        %add3A_541 = arith.addi %add3A_540, %scan3A_508 : i32
        %swap3A = arith.constant 0 : i32
        %swap3A_542 = arith.constant 0 : i32
        %swap3A_543 = tpu.memref_slice %arg7[%scan3A_429, %swap3A, %swap3A_542] : memref<4x128x128xf32, #tpu.memory_space<vmem>> -> memref<1x128x128xf32, #tpu.memory_space<vmem>>
        %swap3A_544 = tpu.memref_squeeze %swap3A_543 : memref<1x128x128xf32, #tpu.memory_space<vmem>> -> memref<128x128xf32, #tpu.memory_space<vmem>>
        %swap3A_545 = arith.index_cast %add3A_541 : i32 to index
        %swap3A_546 = arith.constant 0 : index
        %swap3A_547 = tpu.vector_load %swap3A_544[%swap3A_545, %swap3A_546] {strides = array<i32>} : memref<128x128xf32, #tpu.memory_space<vmem>>, vector<1x16xf32>,
        %swap3A_548 = vector.shape_cast %swap3A_547 : vector<1x16xf32> to vector<16xf32>
        %swap3A_549 = vector.shape_cast %get3A_511 : vector<16xf32> to vector<1x16xf32>
        tpu.vector_store %swap3A_544[%swap3A_545, %swap3A_546], %swap3A_549 {add = true, strides = array<i32>} : memref<128x128xf32, #tpu.memory_space<vmem>>, vector<1x16xf32>,
        %swap3A_550 = arith.constant 0 : i32
        %swap3A_551 = arith.constant 0 : i32
        %swap3A_552 = tpu.memref_slice %arg7[%scan3A_429, %swap3A_550, %swap3A_551] : memref<4x128x128xf32, #tpu.memory_space<vmem>> -> memref<1x128x128xf32, #tpu.memory_space<vmem>>
        %swap3A_553 = tpu.memref_squeeze %swap3A_552 : memref<1x128x128xf32, #tpu.memory_space<vmem>> -> memref<128x128xf32, #tpu.memory_space<vmem>>
        %swap3A_554 = arith.index_cast %add3A_541 : i32 to index
        %swap3A_555 = arith.constant 16 : index
        %swap3A_556 = tpu.vector_load %swap3A_553[%swap3A_554, %swap3A_555] {strides = array<i32>} : memref<128x128xf32, #tpu.memory_space<vmem>>, vector<1x16xf32>,
        %swap3A_557 = vector.shape_cast %swap3A_556 : vector<1x16xf32> to vector<16xf32>
        %swap3A_558 = vector.shape_cast %get3A_515 : vector<16xf32> to vector<1x16xf32>
        tpu.vector_store %swap3A_553[%swap3A_554, %swap3A_555], %swap3A_558 {add = true, strides = array<i32>} : memref<128x128xf32, #tpu.memory_space<vmem>>, vector<1x16xf32>,
        %swap3A_559 = arith.constant 0 : i32
        %swap3A_560 = arith.constant 0 : i32
        %swap3A_561 = tpu.memref_slice %arg7[%scan3A_429, %swap3A_559, %swap3A_560] : memref<4x128x128xf32, #tpu.memory_space<vmem>> -> memref<1x128x128xf32, #tpu.memory_space<vmem>>
        %swap3A_562 = tpu.memref_squeeze %swap3A_561 : memref<1x128x128xf32, #tpu.memory_space<vmem>> -> memref<128x128xf32, #tpu.memory_space<vmem>>
        %swap3A_563 = arith.index_cast %add3A_541 : i32 to index
        %swap3A_564 = arith.constant 32 : index
        %swap3A_565 = tpu.vector_load %swap3A_562[%swap3A_563, %swap3A_564] {strides = array<i32>} : memref<128x128xf32, #tpu.memory_space<vmem>>, vector<1x16xf32>,
        %swap3A_566 = vector.shape_cast %swap3A_565 : vector<1x16xf32> to vector<16xf32>
        %swap3A_567 = vector.shape_cast %get3A_519 : vector<16xf32> to vector<1x16xf32>
        tpu.vector_store %swap3A_562[%swap3A_563, %swap3A_564], %swap3A_567 {add = true, strides = array<i32>} : memref<128x128xf32, #tpu.memory_space<vmem>>, vector<1x16xf32>,
        %swap3A_568 = arith.constant 0 : i32
        %swap3A_569 = arith.constant 0 : i32
        %swap3A_570 = tpu.memref_slice %arg7[%scan3A_429, %swap3A_568, %swap3A_569] : memref<4x128x128xf32, #tpu.memory_space<vmem>> -> memref<1x128x128xf32, #tpu.memory_space<vmem>>
        %swap3A_571 = tpu.memref_squeeze %swap3A_570 : memref<1x128x128xf32, #tpu.memory_space<vmem>> -> memref<128x128xf32, #tpu.memory_space<vmem>>
        %swap3A_572 = arith.index_cast %add3A_541 : i32 to index
        %swap3A_573 = arith.constant 48 : index
        %swap3A_574 = tpu.vector_load %swap3A_571[%swap3A_572, %swap3A_573] {strides = array<i32>} : memref<128x128xf32, #tpu.memory_space<vmem>>, vector<1x16xf32>,
        %swap3A_575 = vector.shape_cast %swap3A_574 : vector<1x16xf32> to vector<16xf32>
        %swap3A_576 = vector.shape_cast %get3A_523 : vector<16xf32> to vector<1x16xf32>
        tpu.vector_store %swap3A_571[%swap3A_572, %swap3A_573], %swap3A_576 {add = true, strides = array<i32>} : memref<128x128xf32, #tpu.memory_space<vmem>>, vector<1x16xf32>,
        %swap3A_577 = arith.constant 0 : i32
        %swap3A_578 = arith.constant 0 : i32
        %swap3A_579 = tpu.memref_slice %arg7[%scan3A_429, %swap3A_577, %swap3A_578] : memref<4x128x128xf32, #tpu.memory_space<vmem>> -> memref<1x128x128xf32, #tpu.memory_space<vmem>>
        %swap3A_580 = tpu.memref_squeeze %swap3A_579 : memref<1x128x128xf32, #tpu.memory_space<vmem>> -> memref<128x128xf32, #tpu.memory_space<vmem>>
        %swap3A_581 = arith.index_cast %add3A_541 : i32 to index
        %swap3A_582 = arith.constant 64 : index
        %swap3A_583 = tpu.vector_load %swap3A_580[%swap3A_581, %swap3A_582] {strides = array<i32>} : memref<128x128xf32, #tpu.memory_space<vmem>>, vector<1x16xf32>,
        %swap3A_584 = vector.shape_cast %swap3A_583 : vector<1x16xf32> to vector<16xf32>
        %swap3A_585 = vector.shape_cast %get3A_527 : vector<16xf32> to vector<1x16xf32>
        tpu.vector_store %swap3A_580[%swap3A_581, %swap3A_582], %swap3A_585 {add = true, strides = array<i32>} : memref<128x128xf32, #tpu.memory_space<vmem>>, vector<1x16xf32>,
        %swap3A_586 = arith.constant 0 : i32
        %swap3A_587 = arith.constant 0 : i32
        %swap3A_588 = tpu.memref_slice %arg7[%scan3A_429, %swap3A_586, %swap3A_587] : memref<4x128x128xf32, #tpu.memory_space<vmem>> -> memref<1x128x128xf32, #tpu.memory_space<vmem>>
        %swap3A_589 = tpu.memref_squeeze %swap3A_588 : memref<1x128x128xf32, #tpu.memory_space<vmem>> -> memref<128x128xf32, #tpu.memory_space<vmem>>
        %swap3A_590 = arith.index_cast %add3A_541 : i32 to index
        %swap3A_591 = arith.constant 80 : index
        %swap3A_592 = tpu.vector_load %swap3A_589[%swap3A_590, %swap3A_591] {strides = array<i32>} : memref<128x128xf32, #tpu.memory_space<vmem>>, vector<1x16xf32>,
        %swap3A_593 = vector.shape_cast %swap3A_592 : vector<1x16xf32> to vector<16xf32>
        %swap3A_594 = vector.shape_cast %get3A_531 : vector<16xf32> to vector<1x16xf32>
        tpu.vector_store %swap3A_589[%swap3A_590, %swap3A_591], %swap3A_594 {add = true, strides = array<i32>} : memref<128x128xf32, #tpu.memory_space<vmem>>, vector<1x16xf32>,
        %swap3A_595 = arith.constant 0 : i32
        %swap3A_596 = arith.constant 0 : i32
        %swap3A_597 = tpu.memref_slice %arg7[%scan3A_429, %swap3A_595, %swap3A_596] : memref<4x128x128xf32, #tpu.memory_space<vmem>> -> memref<1x128x128xf32, #tpu.memory_space<vmem>>
        %swap3A_598 = tpu.memref_squeeze %swap3A_597 : memref<1x128x128xf32, #tpu.memory_space<vmem>> -> memref<128x128xf32, #tpu.memory_space<vmem>>
        %swap3A_599 = arith.index_cast %add3A_541 : i32 to index
        %swap3A_600 = arith.constant 96 : index
        %swap3A_601 = tpu.vector_load %swap3A_598[%swap3A_599, %swap3A_600] {strides = array<i32>} : memref<128x128xf32, #tpu.memory_space<vmem>>, vector<1x16xf32>,
        %swap3A_602 = vector.shape_cast %swap3A_601 : vector<1x16xf32> to vector<16xf32>
        %swap3A_603 = vector.shape_cast %get3A_535 : vector<16xf32> to vector<1x16xf32>
        tpu.vector_store %swap3A_598[%swap3A_599, %swap3A_600], %swap3A_603 {add = true, strides = array<i32>} : memref<128x128xf32, #tpu.memory_space<vmem>>, vector<1x16xf32>,
        %swap3A_604 = arith.constant 0 : i32
        %swap3A_605 = arith.constant 0 : i32
        %swap3A_606 = tpu.memref_slice %arg7[%scan3A_429, %swap3A_604, %swap3A_605] : memref<4x128x128xf32, #tpu.memory_space<vmem>> -> memref<1x128x128xf32, #tpu.memory_space<vmem>>
        %swap3A_607 = tpu.memref_squeeze %swap3A_606 : memref<1x128x128xf32, #tpu.memory_space<vmem>> -> memref<128x128xf32, #tpu.memory_space<vmem>>
        %swap3A_608 = arith.index_cast %add3A_541 : i32 to index
        %swap3A_609 = arith.constant 112 : index
        %swap3A_610 = tpu.vector_load %swap3A_607[%swap3A_608, %swap3A_609] {strides = array<i32>} : memref<128x128xf32, #tpu.memory_space<vmem>>, vector<1x16xf32>,
        %swap3A_611 = vector.shape_cast %swap3A_610 : vector<1x16xf32> to vector<16xf32>
        %swap3A_612 = vector.shape_cast %get3A_539 : vector<16xf32> to vector<1x16xf32>
        tpu.vector_store %swap3A_607[%swap3A_608, %swap3A_609], %swap3A_612 {add = true, strides = array<i32>} : memref<128x128xf32, #tpu.memory_space<vmem>>, vector<1x16xf32>,
        %add3A_613 = arith.constant 64 : i32
        %add3A_614 = arith.addi %add3A_613, %scan3A_508 : i32
        %swap3A_615 = arith.constant 0 : i32
        %swap3A_616 = arith.constant 0 : i32
        %swap3A_617 = tpu.memref_slice %arg7[%scan3A_429, %swap3A_615, %swap3A_616] : memref<4x128x128xf32, #tpu.memory_space<vmem>> -> memref<1x128x128xf32, #tpu.memory_space<vmem>>
        %swap3A_618 = tpu.memref_squeeze %swap3A_617 : memref<1x128x128xf32, #tpu.memory_space<vmem>> -> memref<128x128xf32, #tpu.memory_space<vmem>>
        %swap3A_619 = arith.index_cast %add3A_614 : i32 to index
        %swap3A_620 = arith.constant 0 : index
        %swap3A_621 = tpu.vector_load %swap3A_618[%swap3A_619, %swap3A_620] {strides = array<i32>} : memref<128x128xf32, #tpu.memory_space<vmem>>, vector<1x16xf32>,
        %swap3A_622 = vector.shape_cast %swap3A_621 : vector<1x16xf32> to vector<16xf32>
        %swap3A_623 = vector.shape_cast %get3A_511 : vector<16xf32> to vector<1x16xf32>
        tpu.vector_store %swap3A_618[%swap3A_619, %swap3A_620], %swap3A_623 {add = true, strides = array<i32>} : memref<128x128xf32, #tpu.memory_space<vmem>>, vector<1x16xf32>,
        %swap3A_624 = arith.constant 0 : i32
        %swap3A_625 = arith.constant 0 : i32
        %swap3A_626 = tpu.memref_slice %arg7[%scan3A_429, %swap3A_624, %swap3A_625] : memref<4x128x128xf32, #tpu.memory_space<vmem>> -> memref<1x128x128xf32, #tpu.memory_space<vmem>>
        %swap3A_627 = tpu.memref_squeeze %swap3A_626 : memref<1x128x128xf32, #tpu.memory_space<vmem>> -> memref<128x128xf32, #tpu.memory_space<vmem>>
        %swap3A_628 = arith.index_cast %add3A_614 : i32 to index
        %swap3A_629 = arith.constant 16 : index
        %swap3A_630 = tpu.vector_load %swap3A_627[%swap3A_628, %swap3A_629] {strides = array<i32>} : memref<128x128xf32, #tpu.memory_space<vmem>>, vector<1x16xf32>,
        %swap3A_631 = vector.shape_cast %swap3A_630 : vector<1x16xf32> to vector<16xf32>
        %swap3A_632 = vector.shape_cast %get3A_515 : vector<16xf32> to vector<1x16xf32>
        tpu.vector_store %swap3A_627[%swap3A_628, %swap3A_629], %swap3A_632 {add = true, strides = array<i32>} : memref<128x128xf32, #tpu.memory_space<vmem>>, vector<1x16xf32>,
        %swap3A_633 = arith.constant 0 : i32
        %swap3A_634 = arith.constant 0 : i32
        %swap3A_635 = tpu.memref_slice %arg7[%scan3A_429, %swap3A_633, %swap3A_634] : memref<4x128x128xf32, #tpu.memory_space<vmem>> -> memref<1x128x128xf32, #tpu.memory_space<vmem>>
        %swap3A_636 = tpu.memref_squeeze %swap3A_635 : memref<1x128x128xf32, #tpu.memory_space<vmem>> -> memref<128x128xf32, #tpu.memory_space<vmem>>
        %swap3A_637 = arith.index_cast %add3A_614 : i32 to index
        %swap3A_638 = arith.constant 32 : index
        %swap3A_639 = tpu.vector_load %swap3A_636[%swap3A_637, %swap3A_638] {strides = array<i32>} : memref<128x128xf32, #tpu.memory_space<vmem>>, vector<1x16xf32>,
        %swap3A_640 = vector.shape_cast %swap3A_639 : vector<1x16xf32> to vector<16xf32>
        %swap3A_641 = vector.shape_cast %get3A_519 : vector<16xf32> to vector<1x16xf32>
        tpu.vector_store %swap3A_636[%swap3A_637, %swap3A_638], %swap3A_641 {add = true, strides = array<i32>} : memref<128x128xf32, #tpu.memory_space<vmem>>, vector<1x16xf32>,
        %swap3A_642 = arith.constant 0 : i32
        %swap3A_643 = arith.constant 0 : i32
        %swap3A_644 = tpu.memref_slice %arg7[%scan3A_429, %swap3A_642, %swap3A_643] : memref<4x128x128xf32, #tpu.memory_space<vmem>> -> memref<1x128x128xf32, #tpu.memory_space<vmem>>
        %swap3A_645 = tpu.memref_squeeze %swap3A_644 : memref<1x128x128xf32, #tpu.memory_space<vmem>> -> memref<128x128xf32, #tpu.memory_space<vmem>>
        %swap3A_646 = arith.index_cast %add3A_614 : i32 to index
        %swap3A_647 = arith.constant 48 : index
        %swap3A_648 = tpu.vector_load %swap3A_645[%swap3A_646, %swap3A_647] {strides = array<i32>} : memref<128x128xf32, #tpu.memory_space<vmem>>, vector<1x16xf32>,
        %swap3A_649 = vector.shape_cast %swap3A_648 : vector<1x16xf32> to vector<16xf32>
        %swap3A_650 = vector.shape_cast %get3A_523 : vector<16xf32> to vector<1x16xf32>
        tpu.vector_store %swap3A_645[%swap3A_646, %swap3A_647], %swap3A_650 {add = true, strides = array<i32>} : memref<128x128xf32, #tpu.memory_space<vmem>>, vector<1x16xf32>,
        %swap3A_651 = arith.constant 0 : i32
        %swap3A_652 = arith.constant 0 : i32
        %swap3A_653 = tpu.memref_slice %arg7[%scan3A_429, %swap3A_651, %swap3A_652] : memref<4x128x128xf32, #tpu.memory_space<vmem>> -> memref<1x128x128xf32, #tpu.memory_space<vmem>>
        %swap3A_654 = tpu.memref_squeeze %swap3A_653 : memref<1x128x128xf32, #tpu.memory_space<vmem>> -> memref<128x128xf32, #tpu.memory_space<vmem>>
        %swap3A_655 = arith.index_cast %add3A_614 : i32 to index
        %swap3A_656 = arith.constant 64 : index
        %swap3A_657 = tpu.vector_load %swap3A_654[%swap3A_655, %swap3A_656] {strides = array<i32>} : memref<128x128xf32, #tpu.memory_space<vmem>>, vector<1x16xf32>,
        %swap3A_658 = vector.shape_cast %swap3A_657 : vector<1x16xf32> to vector<16xf32>
        %swap3A_659 = vector.shape_cast %get3A_527 : vector<16xf32> to vector<1x16xf32>
        tpu.vector_store %swap3A_654[%swap3A_655, %swap3A_656], %swap3A_659 {add = true, strides = array<i32>} : memref<128x128xf32, #tpu.memory_space<vmem>>, vector<1x16xf32>,
        %swap3A_660 = arith.constant 0 : i32
        %swap3A_661 = arith.constant 0 : i32
        %swap3A_662 = tpu.memref_slice %arg7[%scan3A_429, %swap3A_660, %swap3A_661] : memref<4x128x128xf32, #tpu.memory_space<vmem>> -> memref<1x128x128xf32, #tpu.memory_space<vmem>>
        %swap3A_663 = tpu.memref_squeeze %swap3A_662 : memref<1x128x128xf32, #tpu.memory_space<vmem>> -> memref<128x128xf32, #tpu.memory_space<vmem>>
        %swap3A_664 = arith.index_cast %add3A_614 : i32 to index
        %swap3A_665 = arith.constant 80 : index
        %swap3A_666 = tpu.vector_load %swap3A_663[%swap3A_664, %swap3A_665] {strides = array<i32>} : memref<128x128xf32, #tpu.memory_space<vmem>>, vector<1x16xf32>,
        %swap3A_667 = vector.shape_cast %swap3A_666 : vector<1x16xf32> to vector<16xf32>
        %swap3A_668 = vector.shape_cast %get3A_531 : vector<16xf32> to vector<1x16xf32>
        tpu.vector_store %swap3A_663[%swap3A_664, %swap3A_665], %swap3A_668 {add = true, strides = array<i32>} : memref<128x128xf32, #tpu.memory_space<vmem>>, vector<1x16xf32>,
        %swap3A_669 = arith.constant 0 : i32
        %swap3A_670 = arith.constant 0 : i32
        %swap3A_671 = tpu.memref_slice %arg7[%scan3A_429, %swap3A_669, %swap3A_670] : memref<4x128x128xf32, #tpu.memory_space<vmem>> -> memref<1x128x128xf32, #tpu.memory_space<vmem>>
        %swap3A_672 = tpu.memref_squeeze %swap3A_671 : memref<1x128x128xf32, #tpu.memory_space<vmem>> -> memref<128x128xf32, #tpu.memory_space<vmem>>
        %swap3A_673 = arith.index_cast %add3A_614 : i32 to index
        %swap3A_674 = arith.constant 96 : index
        %swap3A_675 = tpu.vector_load %swap3A_672[%swap3A_673, %swap3A_674] {strides = array<i32>} : memref<128x128xf32, #tpu.memory_space<vmem>>, vector<1x16xf32>,
        %swap3A_676 = vector.shape_cast %swap3A_675 : vector<1x16xf32> to vector<16xf32>
        %swap3A_677 = vector.shape_cast %get3A_535 : vector<16xf32> to vector<1x16xf32>
        tpu.vector_store %swap3A_672[%swap3A_673, %swap3A_674], %swap3A_677 {add = true, strides = array<i32>} : memref<128x128xf32, #tpu.memory_space<vmem>>, vector<1x16xf32>,
        %swap3A_678 = arith.constant 0 : i32
        %swap3A_679 = arith.constant 0 : i32
        %swap3A_680 = tpu.memref_slice %arg7[%scan3A_429, %swap3A_678, %swap3A_679] : memref<4x128x128xf32, #tpu.memory_space<vmem>> -> memref<1x128x128xf32, #tpu.memory_space<vmem>>
        %swap3A_681 = tpu.memref_squeeze %swap3A_680 : memref<1x128x128xf32, #tpu.memory_space<vmem>> -> memref<128x128xf32, #tpu.memory_space<vmem>>
        %swap3A_682 = arith.index_cast %add3A_614 : i32 to index
        %swap3A_683 = arith.constant 112 : index
        %swap3A_684 = tpu.vector_load %swap3A_681[%swap3A_682, %swap3A_683] {strides = array<i32>} : memref<128x128xf32, #tpu.memory_space<vmem>>, vector<1x16xf32>,
        %swap3A_685 = vector.shape_cast %swap3A_684 : vector<1x16xf32> to vector<16xf32>
        %swap3A_686 = vector.shape_cast %get3A_539 : vector<16xf32> to vector<1x16xf32>
        tpu.vector_store %swap3A_681[%swap3A_682, %swap3A_683], %swap3A_686 {add = true, strides = array<i32>} : memref<128x128xf32, #tpu.memory_space<vmem>>, vector<1x16xf32>,
      }
      %scan3A_434 = arith.constant 64 : i32
      %mul3A_435 = arith.constant 128 : i32
      %mul3A_436 = arith.muli %add3A_415, %mul3A_435 : i32
      %add3A_437 = arith.addi %mul3A_2, %mul3A_436 : i32
      %dma_start3A_438 = arith.constant 2 : i32
      %dma_start3A_439 = arith.constant 0 : i32
      %dma_start3A_440 = arith.constant 0 : i32
      %dma_start3A_441 = tpu.memref_slice %arg7[%dma_start3A_438, %dma_start3A_439, %dma_start3A_440] : memref<4x128x128xf32, #tpu.memory_space<vmem>> -> memref<1x128x128xf32, #tpu.memory_space<vmem>>
      %dma_start3A_442 = tpu.memref_squeeze %dma_start3A_441 : memref<1x128x128xf32, #tpu.memory_space<vmem>> -> memref<128x128xf32, #tpu.memory_space<vmem>>
      %dma_start3A_443 = arith.constant 0 : i32
      %dma_start3A_444 = tpu.memref_slice %arg5[%add3A_437, %dma_start3A_443] : memref<262144x128xf32, #tpu.memory_space<hbm>> -> memref<128x128xf32, #tpu.memory_space<hbm>>
      %dma_start3A_445 = arith.constant 0 : i32
      %dma_start3A_446 = tpu.memref_slice %arg5[%add3A_437, %dma_start3A_445] : memref<262144x128xf32, #tpu.memory_space<hbm>> -> memref<128x128xf32, #tpu.memory_space<hbm>>
      %dma_start3A_447 = arith.constant 0 : i32
      %dma_start3A_448 = arith.constant 0 : i32
      %dma_start3A_449 = tpu.memref_slice %arg7[%dma_start3A_438, %dma_start3A_447, %dma_start3A_448] : memref<4x128x128xf32, #tpu.memory_space<vmem>> -> memref<1x128x128xf32, #tpu.memory_space<vmem>>
      %dma_start3A_450 = tpu.memref_squeeze %dma_start3A_449 : memref<1x128x128xf32, #tpu.memory_space<vmem>> -> memref<128x128xf32, #tpu.memory_space<vmem>>
      tpu.enqueue_dma source(%dma_start3A_450 : memref<128x128xf32, #tpu.memory_space<vmem>>) target(%dma_start3A_446 : memref<128x128xf32, #tpu.memory_space<hbm>>) target_semaphore(%arg15 : memref<!tpu.dma_semaphore, #tpu.memory_space<semaphore_mem>>)
      %add3A_451 = arith.constant 4 : i32
      %add3A_452 = arith.addi %add3A_415, %add3A_451 : i32
      %sub3A_453 = arith.constant 1 : i32
      %sub3A_454 = arith.subi %add3A_452, %sub3A_453 : i32
      %lt3A_455 = arith.constant 64 : i32
      %lt3A_456 = arith.cmpi slt, %sub3A_454, %lt3A_455 : i32
      %convert_element_type3A_457 = arith.extui %lt3A_456 : i1 to i32
      %cond3A_458 = arith.constant 0 : i32
      %cond3A_459 = arith.cmpi ne, %convert_element_type3A_457, %cond3A_458 : i32
      scf.if %cond3A_459 {
        %dma_wait3A_508 = arith.constant 1 : i32
        %dma_wait3A_509 = arith.constant 0 : i32
        %dma_wait3A_510 = arith.constant 0 : i32
        %dma_wait3A_511 = tpu.memref_slice %arg7[%dma_wait3A_508, %dma_wait3A_509, %dma_wait3A_510] : memref<4x128x128xf32, #tpu.memory_space<vmem>> -> memref<1x128x128xf32, #tpu.memory_space<vmem>>
        %dma_wait3A_512 = tpu.memref_squeeze %dma_wait3A_511 : memref<1x128x128xf32, #tpu.memory_space<vmem>> -> memref<128x128xf32, #tpu.memory_space<vmem>>
        %dma_wait3A_513 = arith.constant 0 : i32
        %dma_wait3A_514 = tpu.memref_slice %arg5[%mul3A_2, %dma_wait3A_513] : memref<262144x128xf32, #tpu.memory_space<hbm>> -> memref<128x128xf32, #tpu.memory_space<hbm>>
        %dma_wait3A_515 = arith.constant 0 : i32
        %dma_wait3A_516 = tpu.memref_slice %arg5[%mul3A_2, %dma_wait3A_515] : memref<262144x128xf32, #tpu.memory_space<hbm>> -> memref<128x128xf32, #tpu.memory_space<hbm>>
        %dma_wait3A_517 = arith.constant 0 : i32
        %dma_wait3A_518 = arith.constant 0 : i32
        %dma_wait3A_519 = tpu.memref_slice %arg7[%dma_wait3A_508, %dma_wait3A_517, %dma_wait3A_518] : memref<4x128x128xf32, #tpu.memory_space<vmem>> -> memref<1x128x128xf32, #tpu.memory_space<vmem>>
        %dma_wait3A_520 = tpu.memref_squeeze %dma_wait3A_519 : memref<1x128x128xf32, #tpu.memory_space<vmem>> -> memref<128x128xf32, #tpu.memory_space<vmem>>
        tpu.wait_dma2 semaphore(%arg14 : memref<!tpu.dma_semaphore, #tpu.memory_space<semaphore_mem>>) src(%dma_wait3A_520 : memref<128x128xf32, #tpu.memory_space<vmem>>) dst(%dma_wait3A_516 : memref<128x128xf32, #tpu.memory_space<hbm>>)
        %dma_start3A_521 = arith.constant 1 : i32
        %dma_start3A_522 = arith.constant 0 : i32
        %dma_start3A_523 = arith.constant 0 : i32
        %dma_start3A_524 = tpu.memref_slice %arg7[%dma_start3A_521, %dma_start3A_522, %dma_start3A_523] : memref<4x128x128xf32, #tpu.memory_space<vmem>> -> memref<1x128x128xf32, #tpu.memory_space<vmem>>
        %dma_start3A_525 = tpu.memref_squeeze %dma_start3A_524 : memref<1x128x128xf32, #tpu.memory_space<vmem>> -> memref<128x128xf32, #tpu.memory_space<vmem>>
        %dma_start3A_526 = arith.constant 0 : i32
        %dma_start3A_527 = tpu.memref_slice %arg6[%sub3A_454, %dma_start3A_526] : memref<64x128xi32, #tpu.memory_space<vmem>> -> memref<1x128xi32, #tpu.memory_space<vmem>>
        %dma_start3A_528 = tpu.memref_squeeze %dma_start3A_527 : memref<1x128xi32, #tpu.memory_space<vmem>> -> memref<128xi32, #tpu.memory_space<vmem>>
        %dma_start3A_529 = arith.constant 0 : i32
        %dma_start3A_530 = arith.constant 0 : i32
        %dma_start3A_531 = tpu.memref_slice %arg3[%dma_start3A_529, %dma_start3A_530] : memref<100000x128xf32, #tpu.memory_space<hbm>> -> memref<100000x128xf32, #tpu.memory_space<hbm>>
        tpu.enqueue_indirect_dma source(%dma_start3A_531 : memref<100000x128xf32, #tpu.memory_space<hbm>>) target(%dma_start3A_525 : memref<128x128xf32, #tpu.memory_space<vmem>>) offsets(%dma_start3A_528 : memref<128xi32, #tpu.memory_space<vmem>>) semaphore(%arg10 : memref<!tpu.dma_semaphore, #tpu.memory_space<semaphore_mem>>)
      } else {
      }
      %mul3A_460 = arith.constant 4 : i32
      %mul3A_461 = arith.muli %scan3A_319, %mul3A_460 : i32
      %add3A_462 = arith.constant 3 : i32
      %add3A_463 = arith.addi %mul3A_461, %add3A_462 : i32
      %dma_wait3A_464 = arith.constant 0 : i32
      %dma_wait3A_465 = arith.constant 3 : i32
      %dma_wait3A_466 = arith.constant 0 : i32
      %dma_wait3A_467 = arith.constant 0 : i32
      %dma_wait3A_468 = tpu.memref_slice %arg7[%dma_wait3A_465, %dma_wait3A_466, %dma_wait3A_467] : memref<4x128x128xf32, #tpu.memory_space<vmem>> -> memref<1x128x128xf32, #tpu.memory_space<vmem>>
      %dma_wait3A_469 = tpu.memref_squeeze %dma_wait3A_468 : memref<1x128x128xf32, #tpu.memory_space<vmem>> -> memref<128x128xf32, #tpu.memory_space<vmem>>
      %dma_wait3A_470 = arith.constant 0 : i32
      %dma_wait3A_471 = tpu.memref_slice %arg6[%dma_wait3A_464, %dma_wait3A_470] : memref<64x128xi32, #tpu.memory_space<vmem>> -> memref<1x128xi32, #tpu.memory_space<vmem>>
      %dma_wait3A_472 = tpu.memref_squeeze %dma_wait3A_471 : memref<1x128xi32, #tpu.memory_space<vmem>> -> memref<128xi32, #tpu.memory_space<vmem>>
      %dma_wait3A_473 = arith.constant 0 : i32
      %dma_wait3A_474 = arith.constant 0 : i32
      %dma_wait3A_475 = tpu.memref_slice %arg3[%dma_wait3A_473, %dma_wait3A_474] : memref<100000x128xf32, #tpu.memory_space<hbm>> -> memref<100000x128xf32, #tpu.memory_space<hbm>>
      tpu.wait_indirect_dma semaphore(%arg12 : memref<!tpu.dma_semaphore, #tpu.memory_space<semaphore_mem>>) src(%dma_wait3A_475 : memref<100000x128xf32, #tpu.memory_space<hbm>>) dst(%dma_wait3A_469 : memref<128x128xf32, #tpu.memory_space<vmem>>)
      %scan3A_476 = arith.constant 0 : i32
      %scan3A_477 = arith.constant 3 : i32
      %scan3A_478 = arith.constant 0 : i32
      %scan3A_479 = arith.constant 64 : i32
      %scan3A_480 = arith.addi %scan3A_478, %scan3A_479 : i32
      %scan3A_481 = arith.constant 1 : i32
      scf.for %scan3A_508 = %scan3A_478 to %scan3A_480 step %scan3A_481  : i32 {
        %get3A = arith.index_cast %scan3A_508 : i32 to index
        %get3A_509 = arith.constant 0 : index
        %get3A_510 = tpu.vector_load %arg8[%get3A, %get3A_509] {strides = array<i32>} : memref<64x128xf32, #tpu.memory_space<vmem>>, vector<1x16xf32>,
        %get3A_511 = vector.shape_cast %get3A_510 : vector<1x16xf32> to vector<16xf32>
        %get3A_512 = arith.index_cast %scan3A_508 : i32 to index
        %get3A_513 = arith.constant 16 : index
        %get3A_514 = tpu.vector_load %arg8[%get3A_512, %get3A_513] {strides = array<i32>} : memref<64x128xf32, #tpu.memory_space<vmem>>, vector<1x16xf32>,
        %get3A_515 = vector.shape_cast %get3A_514 : vector<1x16xf32> to vector<16xf32>
        %get3A_516 = arith.index_cast %scan3A_508 : i32 to index
        %get3A_517 = arith.constant 32 : index
        %get3A_518 = tpu.vector_load %arg8[%get3A_516, %get3A_517] {strides = array<i32>} : memref<64x128xf32, #tpu.memory_space<vmem>>, vector<1x16xf32>,
        %get3A_519 = vector.shape_cast %get3A_518 : vector<1x16xf32> to vector<16xf32>
        %get3A_520 = arith.index_cast %scan3A_508 : i32 to index
        %get3A_521 = arith.constant 48 : index
        %get3A_522 = tpu.vector_load %arg8[%get3A_520, %get3A_521] {strides = array<i32>} : memref<64x128xf32, #tpu.memory_space<vmem>>, vector<1x16xf32>,
        %get3A_523 = vector.shape_cast %get3A_522 : vector<1x16xf32> to vector<16xf32>
        %get3A_524 = arith.index_cast %scan3A_508 : i32 to index
        %get3A_525 = arith.constant 64 : index
        %get3A_526 = tpu.vector_load %arg8[%get3A_524, %get3A_525] {strides = array<i32>} : memref<64x128xf32, #tpu.memory_space<vmem>>, vector<1x16xf32>,
        %get3A_527 = vector.shape_cast %get3A_526 : vector<1x16xf32> to vector<16xf32>
        %get3A_528 = arith.index_cast %scan3A_508 : i32 to index
        %get3A_529 = arith.constant 80 : index
        %get3A_530 = tpu.vector_load %arg8[%get3A_528, %get3A_529] {strides = array<i32>} : memref<64x128xf32, #tpu.memory_space<vmem>>, vector<1x16xf32>,
        %get3A_531 = vector.shape_cast %get3A_530 : vector<1x16xf32> to vector<16xf32>
        %get3A_532 = arith.index_cast %scan3A_508 : i32 to index
        %get3A_533 = arith.constant 96 : index
        %get3A_534 = tpu.vector_load %arg8[%get3A_532, %get3A_533] {strides = array<i32>} : memref<64x128xf32, #tpu.memory_space<vmem>>, vector<1x16xf32>,
        %get3A_535 = vector.shape_cast %get3A_534 : vector<1x16xf32> to vector<16xf32>
        %get3A_536 = arith.index_cast %scan3A_508 : i32 to index
        %get3A_537 = arith.constant 112 : index
        %get3A_538 = tpu.vector_load %arg8[%get3A_536, %get3A_537] {strides = array<i32>} : memref<64x128xf32, #tpu.memory_space<vmem>>, vector<1x16xf32>,
        %get3A_539 = vector.shape_cast %get3A_538 : vector<1x16xf32> to vector<16xf32>
        %add3A_540 = arith.constant 0 : i32
        %add3A_541 = arith.addi %add3A_540, %scan3A_508 : i32
        %swap3A = arith.constant 0 : i32
        %swap3A_542 = arith.constant 0 : i32
        %swap3A_543 = tpu.memref_slice %arg7[%scan3A_477, %swap3A, %swap3A_542] : memref<4x128x128xf32, #tpu.memory_space<vmem>> -> memref<1x128x128xf32, #tpu.memory_space<vmem>>
        %swap3A_544 = tpu.memref_squeeze %swap3A_543 : memref<1x128x128xf32, #tpu.memory_space<vmem>> -> memref<128x128xf32, #tpu.memory_space<vmem>>
        %swap3A_545 = arith.index_cast %add3A_541 : i32 to index
        %swap3A_546 = arith.constant 0 : index
        %swap3A_547 = tpu.vector_load %swap3A_544[%swap3A_545, %swap3A_546] {strides = array<i32>} : memref<128x128xf32, #tpu.memory_space<vmem>>, vector<1x16xf32>,
        %swap3A_548 = vector.shape_cast %swap3A_547 : vector<1x16xf32> to vector<16xf32>
        %swap3A_549 = vector.shape_cast %get3A_511 : vector<16xf32> to vector<1x16xf32>
        tpu.vector_store %swap3A_544[%swap3A_545, %swap3A_546], %swap3A_549 {add = true, strides = array<i32>} : memref<128x128xf32, #tpu.memory_space<vmem>>, vector<1x16xf32>,
        %swap3A_550 = arith.constant 0 : i32
        %swap3A_551 = arith.constant 0 : i32
        %swap3A_552 = tpu.memref_slice %arg7[%scan3A_477, %swap3A_550, %swap3A_551] : memref<4x128x128xf32, #tpu.memory_space<vmem>> -> memref<1x128x128xf32, #tpu.memory_space<vmem>>
        %swap3A_553 = tpu.memref_squeeze %swap3A_552 : memref<1x128x128xf32, #tpu.memory_space<vmem>> -> memref<128x128xf32, #tpu.memory_space<vmem>>
        %swap3A_554 = arith.index_cast %add3A_541 : i32 to index
        %swap3A_555 = arith.constant 16 : index
        %swap3A_556 = tpu.vector_load %swap3A_553[%swap3A_554, %swap3A_555] {strides = array<i32>} : memref<128x128xf32, #tpu.memory_space<vmem>>, vector<1x16xf32>,
        %swap3A_557 = vector.shape_cast %swap3A_556 : vector<1x16xf32> to vector<16xf32>
        %swap3A_558 = vector.shape_cast %get3A_515 : vector<16xf32> to vector<1x16xf32>
        tpu.vector_store %swap3A_553[%swap3A_554, %swap3A_555], %swap3A_558 {add = true, strides = array<i32>} : memref<128x128xf32, #tpu.memory_space<vmem>>, vector<1x16xf32>,
        %swap3A_559 = arith.constant 0 : i32
        %swap3A_560 = arith.constant 0 : i32
        %swap3A_561 = tpu.memref_slice %arg7[%scan3A_477, %swap3A_559, %swap3A_560] : memref<4x128x128xf32, #tpu.memory_space<vmem>> -> memref<1x128x128xf32, #tpu.memory_space<vmem>>
        %swap3A_562 = tpu.memref_squeeze %swap3A_561 : memref<1x128x128xf32, #tpu.memory_space<vmem>> -> memref<128x128xf32, #tpu.memory_space<vmem>>
        %swap3A_563 = arith.index_cast %add3A_541 : i32 to index
        %swap3A_564 = arith.constant 32 : index
        %swap3A_565 = tpu.vector_load %swap3A_562[%swap3A_563, %swap3A_564] {strides = array<i32>} : memref<128x128xf32, #tpu.memory_space<vmem>>, vector<1x16xf32>,
        %swap3A_566 = vector.shape_cast %swap3A_565 : vector<1x16xf32> to vector<16xf32>
        %swap3A_567 = vector.shape_cast %get3A_519 : vector<16xf32> to vector<1x16xf32>
        tpu.vector_store %swap3A_562[%swap3A_563, %swap3A_564], %swap3A_567 {add = true, strides = array<i32>} : memref<128x128xf32, #tpu.memory_space<vmem>>, vector<1x16xf32>,
        %swap3A_568 = arith.constant 0 : i32
        %swap3A_569 = arith.constant 0 : i32
        %swap3A_570 = tpu.memref_slice %arg7[%scan3A_477, %swap3A_568, %swap3A_569] : memref<4x128x128xf32, #tpu.memory_space<vmem>> -> memref<1x128x128xf32, #tpu.memory_space<vmem>>
        %swap3A_571 = tpu.memref_squeeze %swap3A_570 : memref<1x128x128xf32, #tpu.memory_space<vmem>> -> memref<128x128xf32, #tpu.memory_space<vmem>>
        %swap3A_572 = arith.index_cast %add3A_541 : i32 to index
        %swap3A_573 = arith.constant 48 : index
        %swap3A_574 = tpu.vector_load %swap3A_571[%swap3A_572, %swap3A_573] {strides = array<i32>} : memref<128x128xf32, #tpu.memory_space<vmem>>, vector<1x16xf32>,
        %swap3A_575 = vector.shape_cast %swap3A_574 : vector<1x16xf32> to vector<16xf32>
        %swap3A_576 = vector.shape_cast %get3A_523 : vector<16xf32> to vector<1x16xf32>
        tpu.vector_store %swap3A_571[%swap3A_572, %swap3A_573], %swap3A_576 {add = true, strides = array<i32>} : memref<128x128xf32, #tpu.memory_space<vmem>>, vector<1x16xf32>,
        %swap3A_577 = arith.constant 0 : i32
        %swap3A_578 = arith.constant 0 : i32
        %swap3A_579 = tpu.memref_slice %arg7[%scan3A_477, %swap3A_577, %swap3A_578] : memref<4x128x128xf32, #tpu.memory_space<vmem>> -> memref<1x128x128xf32, #tpu.memory_space<vmem>>
        %swap3A_580 = tpu.memref_squeeze %swap3A_579 : memref<1x128x128xf32, #tpu.memory_space<vmem>> -> memref<128x128xf32, #tpu.memory_space<vmem>>
        %swap3A_581 = arith.index_cast %add3A_541 : i32 to index
        %swap3A_582 = arith.constant 64 : index
        %swap3A_583 = tpu.vector_load %swap3A_580[%swap3A_581, %swap3A_582] {strides = array<i32>} : memref<128x128xf32, #tpu.memory_space<vmem>>, vector<1x16xf32>,
        %swap3A_584 = vector.shape_cast %swap3A_583 : vector<1x16xf32> to vector<16xf32>
        %swap3A_585 = vector.shape_cast %get3A_527 : vector<16xf32> to vector<1x16xf32>
        tpu.vector_store %swap3A_580[%swap3A_581, %swap3A_582], %swap3A_585 {add = true, strides = array<i32>} : memref<128x128xf32, #tpu.memory_space<vmem>>, vector<1x16xf32>,
        %swap3A_586 = arith.constant 0 : i32
        %swap3A_587 = arith.constant 0 : i32
        %swap3A_588 = tpu.memref_slice %arg7[%scan3A_477, %swap3A_586, %swap3A_587] : memref<4x128x128xf32, #tpu.memory_space<vmem>> -> memref<1x128x128xf32, #tpu.memory_space<vmem>>
        %swap3A_589 = tpu.memref_squeeze %swap3A_588 : memref<1x128x128xf32, #tpu.memory_space<vmem>> -> memref<128x128xf32, #tpu.memory_space<vmem>>
        %swap3A_590 = arith.index_cast %add3A_541 : i32 to index
        %swap3A_591 = arith.constant 80 : index
        %swap3A_592 = tpu.vector_load %swap3A_589[%swap3A_590, %swap3A_591] {strides = array<i32>} : memref<128x128xf32, #tpu.memory_space<vmem>>, vector<1x16xf32>,
        %swap3A_593 = vector.shape_cast %swap3A_592 : vector<1x16xf32> to vector<16xf32>
        %swap3A_594 = vector.shape_cast %get3A_531 : vector<16xf32> to vector<1x16xf32>
        tpu.vector_store %swap3A_589[%swap3A_590, %swap3A_591], %swap3A_594 {add = true, strides = array<i32>} : memref<128x128xf32, #tpu.memory_space<vmem>>, vector<1x16xf32>,
        %swap3A_595 = arith.constant 0 : i32
        %swap3A_596 = arith.constant 0 : i32
        %swap3A_597 = tpu.memref_slice %arg7[%scan3A_477, %swap3A_595, %swap3A_596] : memref<4x128x128xf32, #tpu.memory_space<vmem>> -> memref<1x128x128xf32, #tpu.memory_space<vmem>>
        %swap3A_598 = tpu.memref_squeeze %swap3A_597 : memref<1x128x128xf32, #tpu.memory_space<vmem>> -> memref<128x128xf32, #tpu.memory_space<vmem>>
        %swap3A_599 = arith.index_cast %add3A_541 : i32 to index
        %swap3A_600 = arith.constant 96 : index
        %swap3A_601 = tpu.vector_load %swap3A_598[%swap3A_599, %swap3A_600] {strides = array<i32>} : memref<128x128xf32, #tpu.memory_space<vmem>>, vector<1x16xf32>,
        %swap3A_602 = vector.shape_cast %swap3A_601 : vector<1x16xf32> to vector<16xf32>
        %swap3A_603 = vector.shape_cast %get3A_535 : vector<16xf32> to vector<1x16xf32>
        tpu.vector_store %swap3A_598[%swap3A_599, %swap3A_600], %swap3A_603 {add = true, strides = array<i32>} : memref<128x128xf32, #tpu.memory_space<vmem>>, vector<1x16xf32>,
        %swap3A_604 = arith.constant 0 : i32
        %swap3A_605 = arith.constant 0 : i32
        %swap3A_606 = tpu.memref_slice %arg7[%scan3A_477, %swap3A_604, %swap3A_605] : memref<4x128x128xf32, #tpu.memory_space<vmem>> -> memref<1x128x128xf32, #tpu.memory_space<vmem>>
        %swap3A_607 = tpu.memref_squeeze %swap3A_606 : memref<1x128x128xf32, #tpu.memory_space<vmem>> -> memref<128x128xf32, #tpu.memory_space<vmem>>
        %swap3A_608 = arith.index_cast %add3A_541 : i32 to index
        %swap3A_609 = arith.constant 112 : index
        %swap3A_610 = tpu.vector_load %swap3A_607[%swap3A_608, %swap3A_609] {strides = array<i32>} : memref<128x128xf32, #tpu.memory_space<vmem>>, vector<1x16xf32>,
        %swap3A_611 = vector.shape_cast %swap3A_610 : vector<1x16xf32> to vector<16xf32>
        %swap3A_612 = vector.shape_cast %get3A_539 : vector<16xf32> to vector<1x16xf32>
        tpu.vector_store %swap3A_607[%swap3A_608, %swap3A_609], %swap3A_612 {add = true, strides = array<i32>} : memref<128x128xf32, #tpu.memory_space<vmem>>, vector<1x16xf32>,
        %add3A_613 = arith.constant 64 : i32
        %add3A_614 = arith.addi %add3A_613, %scan3A_508 : i32
        %swap3A_615 = arith.constant 0 : i32
        %swap3A_616 = arith.constant 0 : i32
        %swap3A_617 = tpu.memref_slice %arg7[%scan3A_477, %swap3A_615, %swap3A_616] : memref<4x128x128xf32, #tpu.memory_space<vmem>> -> memref<1x128x128xf32, #tpu.memory_space<vmem>>
        %swap3A_618 = tpu.memref_squeeze %swap3A_617 : memref<1x128x128xf32, #tpu.memory_space<vmem>> -> memref<128x128xf32, #tpu.memory_space<vmem>>
        %swap3A_619 = arith.index_cast %add3A_614 : i32 to index
        %swap3A_620 = arith.constant 0 : index
        %swap3A_621 = tpu.vector_load %swap3A_618[%swap3A_619, %swap3A_620] {strides = array<i32>} : memref<128x128xf32, #tpu.memory_space<vmem>>, vector<1x16xf32>,
        %swap3A_622 = vector.shape_cast %swap3A_621 : vector<1x16xf32> to vector<16xf32>
        %swap3A_623 = vector.shape_cast %get3A_511 : vector<16xf32> to vector<1x16xf32>
        tpu.vector_store %swap3A_618[%swap3A_619, %swap3A_620], %swap3A_623 {add = true, strides = array<i32>} : memref<128x128xf32, #tpu.memory_space<vmem>>, vector<1x16xf32>,
        %swap3A_624 = arith.constant 0 : i32
        %swap3A_625 = arith.constant 0 : i32
        %swap3A_626 = tpu.memref_slice %arg7[%scan3A_477, %swap3A_624, %swap3A_625] : memref<4x128x128xf32, #tpu.memory_space<vmem>> -> memref<1x128x128xf32, #tpu.memory_space<vmem>>
        %swap3A_627 = tpu.memref_squeeze %swap3A_626 : memref<1x128x128xf32, #tpu.memory_space<vmem>> -> memref<128x128xf32, #tpu.memory_space<vmem>>
        %swap3A_628 = arith.index_cast %add3A_614 : i32 to index
        %swap3A_629 = arith.constant 16 : index
        %swap3A_630 = tpu.vector_load %swap3A_627[%swap3A_628, %swap3A_629] {strides = array<i32>} : memref<128x128xf32, #tpu.memory_space<vmem>>, vector<1x16xf32>,
        %swap3A_631 = vector.shape_cast %swap3A_630 : vector<1x16xf32> to vector<16xf32>
        %swap3A_632 = vector.shape_cast %get3A_515 : vector<16xf32> to vector<1x16xf32>
        tpu.vector_store %swap3A_627[%swap3A_628, %swap3A_629], %swap3A_632 {add = true, strides = array<i32>} : memref<128x128xf32, #tpu.memory_space<vmem>>, vector<1x16xf32>,
        %swap3A_633 = arith.constant 0 : i32
        %swap3A_634 = arith.constant 0 : i32
        %swap3A_635 = tpu.memref_slice %arg7[%scan3A_477, %swap3A_633, %swap3A_634] : memref<4x128x128xf32, #tpu.memory_space<vmem>> -> memref<1x128x128xf32, #tpu.memory_space<vmem>>
        %swap3A_636 = tpu.memref_squeeze %swap3A_635 : memref<1x128x128xf32, #tpu.memory_space<vmem>> -> memref<128x128xf32, #tpu.memory_space<vmem>>
        %swap3A_637 = arith.index_cast %add3A_614 : i32 to index
        %swap3A_638 = arith.constant 32 : index
        %swap3A_639 = tpu.vector_load %swap3A_636[%swap3A_637, %swap3A_638] {strides = array<i32>} : memref<128x128xf32, #tpu.memory_space<vmem>>, vector<1x16xf32>,
        %swap3A_640 = vector.shape_cast %swap3A_639 : vector<1x16xf32> to vector<16xf32>
        %swap3A_641 = vector.shape_cast %get3A_519 : vector<16xf32> to vector<1x16xf32>
        tpu.vector_store %swap3A_636[%swap3A_637, %swap3A_638], %swap3A_641 {add = true, strides = array<i32>} : memref<128x128xf32, #tpu.memory_space<vmem>>, vector<1x16xf32>,
        %swap3A_642 = arith.constant 0 : i32
        %swap3A_643 = arith.constant 0 : i32
        %swap3A_644 = tpu.memref_slice %arg7[%scan3A_477, %swap3A_642, %swap3A_643] : memref<4x128x128xf32, #tpu.memory_space<vmem>> -> memref<1x128x128xf32, #tpu.memory_space<vmem>>
        %swap3A_645 = tpu.memref_squeeze %swap3A_644 : memref<1x128x128xf32, #tpu.memory_space<vmem>> -> memref<128x128xf32, #tpu.memory_space<vmem>>
        %swap3A_646 = arith.index_cast %add3A_614 : i32 to index
        %swap3A_647 = arith.constant 48 : index
        %swap3A_648 = tpu.vector_load %swap3A_645[%swap3A_646, %swap3A_647] {strides = array<i32>} : memref<128x128xf32, #tpu.memory_space<vmem>>, vector<1x16xf32>,
        %swap3A_649 = vector.shape_cast %swap3A_648 : vector<1x16xf32> to vector<16xf32>
        %swap3A_650 = vector.shape_cast %get3A_523 : vector<16xf32> to vector<1x16xf32>
        tpu.vector_store %swap3A_645[%swap3A_646, %swap3A_647], %swap3A_650 {add = true, strides = array<i32>} : memref<128x128xf32, #tpu.memory_space<vmem>>, vector<1x16xf32>,
        %swap3A_651 = arith.constant 0 : i32
        %swap3A_652 = arith.constant 0 : i32
        %swap3A_653 = tpu.memref_slice %arg7[%scan3A_477, %swap3A_651, %swap3A_652] : memref<4x128x128xf32, #tpu.memory_space<vmem>> -> memref<1x128x128xf32, #tpu.memory_space<vmem>>
        %swap3A_654 = tpu.memref_squeeze %swap3A_653 : memref<1x128x128xf32, #tpu.memory_space<vmem>> -> memref<128x128xf32, #tpu.memory_space<vmem>>
        %swap3A_655 = arith.index_cast %add3A_614 : i32 to index
        %swap3A_656 = arith.constant 64 : index
        %swap3A_657 = tpu.vector_load %swap3A_654[%swap3A_655, %swap3A_656] {strides = array<i32>} : memref<128x128xf32, #tpu.memory_space<vmem>>, vector<1x16xf32>,
        %swap3A_658 = vector.shape_cast %swap3A_657 : vector<1x16xf32> to vector<16xf32>
        %swap3A_659 = vector.shape_cast %get3A_527 : vector<16xf32> to vector<1x16xf32>
        tpu.vector_store %swap3A_654[%swap3A_655, %swap3A_656], %swap3A_659 {add = true, strides = array<i32>} : memref<128x128xf32, #tpu.memory_space<vmem>>, vector<1x16xf32>,
        %swap3A_660 = arith.constant 0 : i32
        %swap3A_661 = arith.constant 0 : i32
        %swap3A_662 = tpu.memref_slice %arg7[%scan3A_477, %swap3A_660, %swap3A_661] : memref<4x128x128xf32, #tpu.memory_space<vmem>> -> memref<1x128x128xf32, #tpu.memory_space<vmem>>
        %swap3A_663 = tpu.memref_squeeze %swap3A_662 : memref<1x128x128xf32, #tpu.memory_space<vmem>> -> memref<128x128xf32, #tpu.memory_space<vmem>>
        %swap3A_664 = arith.index_cast %add3A_614 : i32 to index
        %swap3A_665 = arith.constant 80 : index
        %swap3A_666 = tpu.vector_load %swap3A_663[%swap3A_664, %swap3A_665] {strides = array<i32>} : memref<128x128xf32, #tpu.memory_space<vmem>>, vector<1x16xf32>,
        %swap3A_667 = vector.shape_cast %swap3A_666 : vector<1x16xf32> to vector<16xf32>
        %swap3A_668 = vector.shape_cast %get3A_531 : vector<16xf32> to vector<1x16xf32>
        tpu.vector_store %swap3A_663[%swap3A_664, %swap3A_665], %swap3A_668 {add = true, strides = array<i32>} : memref<128x128xf32, #tpu.memory_space<vmem>>, vector<1x16xf32>,
        %swap3A_669 = arith.constant 0 : i32
        %swap3A_670 = arith.constant 0 : i32
        %swap3A_671 = tpu.memref_slice %arg7[%scan3A_477, %swap3A_669, %swap3A_670] : memref<4x128x128xf32, #tpu.memory_space<vmem>> -> memref<1x128x128xf32, #tpu.memory_space<vmem>>
        %swap3A_672 = tpu.memref_squeeze %swap3A_671 : memref<1x128x128xf32, #tpu.memory_space<vmem>> -> memref<128x128xf32, #tpu.memory_space<vmem>>
        %swap3A_673 = arith.index_cast %add3A_614 : i32 to index
        %swap3A_674 = arith.constant 96 : index
        %swap3A_675 = tpu.vector_load %swap3A_672[%swap3A_673, %swap3A_674] {strides = array<i32>} : memref<128x128xf32, #tpu.memory_space<vmem>>, vector<1x16xf32>,
        %swap3A_676 = vector.shape_cast %swap3A_675 : vector<1x16xf32> to vector<16xf32>
        %swap3A_677 = vector.shape_cast %get3A_535 : vector<16xf32> to vector<1x16xf32>
        tpu.vector_store %swap3A_672[%swap3A_673, %swap3A_674], %swap3A_677 {add = true, strides = array<i32>} : memref<128x128xf32, #tpu.memory_space<vmem>>, vector<1x16xf32>,
        %swap3A_678 = arith.constant 0 : i32
        %swap3A_679 = arith.constant 0 : i32
        %swap3A_680 = tpu.memref_slice %arg7[%scan3A_477, %swap3A_678, %swap3A_679] : memref<4x128x128xf32, #tpu.memory_space<vmem>> -> memref<1x128x128xf32, #tpu.memory_space<vmem>>
        %swap3A_681 = tpu.memref_squeeze %swap3A_680 : memref<1x128x128xf32, #tpu.memory_space<vmem>> -> memref<128x128xf32, #tpu.memory_space<vmem>>
        %swap3A_682 = arith.index_cast %add3A_614 : i32 to index
        %swap3A_683 = arith.constant 112 : index
        %swap3A_684 = tpu.vector_load %swap3A_681[%swap3A_682, %swap3A_683] {strides = array<i32>} : memref<128x128xf32, #tpu.memory_space<vmem>>, vector<1x16xf32>,
        %swap3A_685 = vector.shape_cast %swap3A_684 : vector<1x16xf32> to vector<16xf32>
        %swap3A_686 = vector.shape_cast %get3A_539 : vector<16xf32> to vector<1x16xf32>
        tpu.vector_store %swap3A_681[%swap3A_682, %swap3A_683], %swap3A_686 {add = true, strides = array<i32>} : memref<128x128xf32, #tpu.memory_space<vmem>>, vector<1x16xf32>,
      }
      %scan3A_482 = arith.constant 64 : i32
      %mul3A_483 = arith.constant 128 : i32
      %mul3A_484 = arith.muli %add3A_463, %mul3A_483 : i32
      %add3A_485 = arith.addi %mul3A_2, %mul3A_484 : i32
      %dma_start3A_486 = arith.constant 3 : i32
      %dma_start3A_487 = arith.constant 0 : i32
      %dma_start3A_488 = arith.constant 0 : i32
      %dma_start3A_489 = tpu.memref_slice %arg7[%dma_start3A_486, %dma_start3A_487, %dma_start3A_488] : memref<4x128x128xf32, #tpu.memory_space<vmem>> -> memref<1x128x128xf32, #tpu.memory_space<vmem>>
      %dma_start3A_490 = tpu.memref_squeeze %dma_start3A_489 : memref<1x128x128xf32, #tpu.memory_space<vmem>> -> memref<128x128xf32, #tpu.memory_space<vmem>>
      %dma_start3A_491 = arith.constant 0 : i32
      %dma_start3A_492 = tpu.memref_slice %arg5[%add3A_485, %dma_start3A_491] : memref<262144x128xf32, #tpu.memory_space<hbm>> -> memref<128x128xf32, #tpu.memory_space<hbm>>
      %dma_start3A_493 = arith.constant 0 : i32
      %dma_start3A_494 = tpu.memref_slice %arg5[%add3A_485, %dma_start3A_493] : memref<262144x128xf32, #tpu.memory_space<hbm>> -> memref<128x128xf32, #tpu.memory_space<hbm>>
      %dma_start3A_495 = arith.constant 0 : i32
      %dma_start3A_496 = arith.constant 0 : i32
      %dma_start3A_497 = tpu.memref_slice %arg7[%dma_start3A_486, %dma_start3A_495, %dma_start3A_496] : memref<4x128x128xf32, #tpu.memory_space<vmem>> -> memref<1x128x128xf32, #tpu.memory_space<vmem>>
      %dma_start3A_498 = tpu.memref_squeeze %dma_start3A_497 : memref<1x128x128xf32, #tpu.memory_space<vmem>> -> memref<128x128xf32, #tpu.memory_space<vmem>>
      tpu.enqueue_dma source(%dma_start3A_498 : memref<128x128xf32, #tpu.memory_space<vmem>>) target(%dma_start3A_494 : memref<128x128xf32, #tpu.memory_space<hbm>>) target_semaphore(%arg16 : memref<!tpu.dma_semaphore, #tpu.memory_space<semaphore_mem>>)
      %add3A_499 = arith.constant 4 : i32
      %add3A_500 = arith.addi %add3A_463, %add3A_499 : i32
      %sub3A_501 = arith.constant 1 : i32
      %sub3A_502 = arith.subi %add3A_500, %sub3A_501 : i32
      %lt3A_503 = arith.constant 64 : i32
      %lt3A_504 = arith.cmpi slt, %sub3A_502, %lt3A_503 : i32
      %convert_element_type3A_505 = arith.extui %lt3A_504 : i1 to i32
      %cond3A_506 = arith.constant 0 : i32
      %cond3A_507 = arith.cmpi ne, %convert_element_type3A_505, %cond3A_506 : i32
      scf.if %cond3A_507 {
        %dma_wait3A_508 = arith.constant 2 : i32
        %dma_wait3A_509 = arith.constant 0 : i32
        %dma_wait3A_510 = arith.constant 0 : i32
        %dma_wait3A_511 = tpu.memref_slice %arg7[%dma_wait3A_508, %dma_wait3A_509, %dma_wait3A_510] : memref<4x128x128xf32, #tpu.memory_space<vmem>> -> memref<1x128x128xf32, #tpu.memory_space<vmem>>
        %dma_wait3A_512 = tpu.memref_squeeze %dma_wait3A_511 : memref<1x128x128xf32, #tpu.memory_space<vmem>> -> memref<128x128xf32, #tpu.memory_space<vmem>>
        %dma_wait3A_513 = arith.constant 0 : i32
        %dma_wait3A_514 = tpu.memref_slice %arg5[%mul3A_2, %dma_wait3A_513] : memref<262144x128xf32, #tpu.memory_space<hbm>> -> memref<128x128xf32, #tpu.memory_space<hbm>>
        %dma_wait3A_515 = arith.constant 0 : i32
        %dma_wait3A_516 = tpu.memref_slice %arg5[%mul3A_2, %dma_wait3A_515] : memref<262144x128xf32, #tpu.memory_space<hbm>> -> memref<128x128xf32, #tpu.memory_space<hbm>>
        %dma_wait3A_517 = arith.constant 0 : i32
        %dma_wait3A_518 = arith.constant 0 : i32
        %dma_wait3A_519 = tpu.memref_slice %arg7[%dma_wait3A_508, %dma_wait3A_517, %dma_wait3A_518] : memref<4x128x128xf32, #tpu.memory_space<vmem>> -> memref<1x128x128xf32, #tpu.memory_space<vmem>>
        %dma_wait3A_520 = tpu.memref_squeeze %dma_wait3A_519 : memref<1x128x128xf32, #tpu.memory_space<vmem>> -> memref<128x128xf32, #tpu.memory_space<vmem>>
        tpu.wait_dma2 semaphore(%arg15 : memref<!tpu.dma_semaphore, #tpu.memory_space<semaphore_mem>>) src(%dma_wait3A_520 : memref<128x128xf32, #tpu.memory_space<vmem>>) dst(%dma_wait3A_516 : memref<128x128xf32, #tpu.memory_space<hbm>>)
        %dma_start3A_521 = arith.constant 2 : i32
        %dma_start3A_522 = arith.constant 0 : i32
        %dma_start3A_523 = arith.constant 0 : i32
        %dma_start3A_524 = tpu.memref_slice %arg7[%dma_start3A_521, %dma_start3A_522, %dma_start3A_523] : memref<4x128x128xf32, #tpu.memory_space<vmem>> -> memref<1x128x128xf32, #tpu.memory_space<vmem>>
        %dma_start3A_525 = tpu.memref_squeeze %dma_start3A_524 : memref<1x128x128xf32, #tpu.memory_space<vmem>> -> memref<128x128xf32, #tpu.memory_space<vmem>>
        %dma_start3A_526 = arith.constant 0 : i32
        %dma_start3A_527 = tpu.memref_slice %arg6[%sub3A_502, %dma_start3A_526] : memref<64x128xi32, #tpu.memory_space<vmem>> -> memref<1x128xi32, #tpu.memory_space<vmem>>
        %dma_start3A_528 = tpu.memref_squeeze %dma_start3A_527 : memref<1x128xi32, #tpu.memory_space<vmem>> -> memref<128xi32, #tpu.memory_space<vmem>>
        %dma_start3A_529 = arith.constant 0 : i32
        %dma_start3A_530 = arith.constant 0 : i32
        %dma_start3A_531 = tpu.memref_slice %arg3[%dma_start3A_529, %dma_start3A_530] : memref<100000x128xf32, #tpu.memory_space<hbm>> -> memref<100000x128xf32, #tpu.memory_space<hbm>>
        tpu.enqueue_indirect_dma source(%dma_start3A_531 : memref<100000x128xf32, #tpu.memory_space<hbm>>) target(%dma_start3A_525 : memref<128x128xf32, #tpu.memory_space<vmem>>) offsets(%dma_start3A_528 : memref<128xi32, #tpu.memory_space<vmem>>) semaphore(%arg11 : memref<!tpu.dma_semaphore, #tpu.memory_space<semaphore_mem>>)
      } else {
      }
    }
    %scan3A_266 = arith.constant 15 : i32
    %dma_wait3A_267 = arith.constant 0 : i32
    %dma_wait3A_268 = arith.constant 0 : i32
    %dma_wait3A_269 = arith.constant 0 : i32
    %dma_wait3A_270 = tpu.memref_slice %arg7[%dma_wait3A_267, %dma_wait3A_268, %dma_wait3A_269] : memref<4x128x128xf32, #tpu.memory_space<vmem>> -> memref<1x128x128xf32, #tpu.memory_space<vmem>>
    %dma_wait3A_271 = tpu.memref_squeeze %dma_wait3A_270 : memref<1x128x128xf32, #tpu.memory_space<vmem>> -> memref<128x128xf32, #tpu.memory_space<vmem>>
    %dma_wait3A_272 = arith.constant 0 : i32
    %dma_wait3A_273 = tpu.memref_slice %arg5[%mul3A_2, %dma_wait3A_272] : memref<262144x128xf32, #tpu.memory_space<hbm>> -> memref<128x128xf32, #tpu.memory_space<hbm>>
    %dma_wait3A_274 = arith.constant 0 : i32
    %dma_wait3A_275 = tpu.memref_slice %arg5[%mul3A_2, %dma_wait3A_274] : memref<262144x128xf32, #tpu.memory_space<hbm>> -> memref<128x128xf32, #tpu.memory_space<hbm>>
    %dma_wait3A_276 = arith.constant 0 : i32
    %dma_wait3A_277 = arith.constant 0 : i32
    %dma_wait3A_278 = tpu.memref_slice %arg7[%dma_wait3A_267, %dma_wait3A_276, %dma_wait3A_277] : memref<4x128x128xf32, #tpu.memory_space<vmem>> -> memref<1x128x128xf32, #tpu.memory_space<vmem>>
    %dma_wait3A_279 = tpu.memref_squeeze %dma_wait3A_278 : memref<1x128x128xf32, #tpu.memory_space<vmem>> -> memref<128x128xf32, #tpu.memory_space<vmem>>
    tpu.wait_dma2 semaphore(%arg13 : memref<!tpu.dma_semaphore, #tpu.memory_space<semaphore_mem>>) src(%dma_wait3A_279 : memref<128x128xf32, #tpu.memory_space<vmem>>) dst(%dma_wait3A_275 : memref<128x128xf32, #tpu.memory_space<hbm>>)
    %dma_wait3A_280 = arith.constant 1 : i32
    %dma_wait3A_281 = arith.constant 0 : i32
    %dma_wait3A_282 = arith.constant 0 : i32
    %dma_wait3A_283 = tpu.memref_slice %arg7[%dma_wait3A_280, %dma_wait3A_281, %dma_wait3A_282] : memref<4x128x128xf32, #tpu.memory_space<vmem>> -> memref<1x128x128xf32, #tpu.memory_space<vmem>>
    %dma_wait3A_284 = tpu.memref_squeeze %dma_wait3A_283 : memref<1x128x128xf32, #tpu.memory_space<vmem>> -> memref<128x128xf32, #tpu.memory_space<vmem>>
    %dma_wait3A_285 = arith.constant 0 : i32
    %dma_wait3A_286 = tpu.memref_slice %arg5[%mul3A_2, %dma_wait3A_285] : memref<262144x128xf32, #tpu.memory_space<hbm>> -> memref<128x128xf32, #tpu.memory_space<hbm>>
    %dma_wait3A_287 = arith.constant 0 : i32
    %dma_wait3A_288 = tpu.memref_slice %arg5[%mul3A_2, %dma_wait3A_287] : memref<262144x128xf32, #tpu.memory_space<hbm>> -> memref<128x128xf32, #tpu.memory_space<hbm>>
    %dma_wait3A_289 = arith.constant 0 : i32
    %dma_wait3A_290 = arith.constant 0 : i32
    %dma_wait3A_291 = tpu.memref_slice %arg7[%dma_wait3A_280, %dma_wait3A_289, %dma_wait3A_290] : memref<4x128x128xf32, #tpu.memory_space<vmem>> -> memref<1x128x128xf32, #tpu.memory_space<vmem>>
    %dma_wait3A_292 = tpu.memref_squeeze %dma_wait3A_291 : memref<1x128x128xf32, #tpu.memory_space<vmem>> -> memref<128x128xf32, #tpu.memory_space<vmem>>
    tpu.wait_dma2 semaphore(%arg14 : memref<!tpu.dma_semaphore, #tpu.memory_space<semaphore_mem>>) src(%dma_wait3A_292 : memref<128x128xf32, #tpu.memory_space<vmem>>) dst(%dma_wait3A_288 : memref<128x128xf32, #tpu.memory_space<hbm>>)
    %dma_wait3A_293 = arith.constant 2 : i32
    %dma_wait3A_294 = arith.constant 0 : i32
    %dma_wait3A_295 = arith.constant 0 : i32
    %dma_wait3A_296 = tpu.memref_slice %arg7[%dma_wait3A_293, %dma_wait3A_294, %dma_wait3A_295] : memref<4x128x128xf32, #tpu.memory_space<vmem>> -> memref<1x128x128xf32, #tpu.memory_space<vmem>>
    %dma_wait3A_297 = tpu.memref_squeeze %dma_wait3A_296 : memref<1x128x128xf32, #tpu.memory_space<vmem>> -> memref<128x128xf32, #tpu.memory_space<vmem>>
    %dma_wait3A_298 = arith.constant 0 : i32
    %dma_wait3A_299 = tpu.memref_slice %arg5[%mul3A_2, %dma_wait3A_298] : memref<262144x128xf32, #tpu.memory_space<hbm>> -> memref<128x128xf32, #tpu.memory_space<hbm>>
    %dma_wait3A_300 = arith.constant 0 : i32
    %dma_wait3A_301 = tpu.memref_slice %arg5[%mul3A_2, %dma_wait3A_300] : memref<262144x128xf32, #tpu.memory_space<hbm>> -> memref<128x128xf32, #tpu.memory_space<hbm>>
    %dma_wait3A_302 = arith.constant 0 : i32
    %dma_wait3A_303 = arith.constant 0 : i32
    %dma_wait3A_304 = tpu.memref_slice %arg7[%dma_wait3A_293, %dma_wait3A_302, %dma_wait3A_303] : memref<4x128x128xf32, #tpu.memory_space<vmem>> -> memref<1x128x128xf32, #tpu.memory_space<vmem>>
    %dma_wait3A_305 = tpu.memref_squeeze %dma_wait3A_304 : memref<1x128x128xf32, #tpu.memory_space<vmem>> -> memref<128x128xf32, #tpu.memory_space<vmem>>
    tpu.wait_dma2 semaphore(%arg15 : memref<!tpu.dma_semaphore, #tpu.memory_space<semaphore_mem>>) src(%dma_wait3A_305 : memref<128x128xf32, #tpu.memory_space<vmem>>) dst(%dma_wait3A_301 : memref<128x128xf32, #tpu.memory_space<hbm>>)
    %dma_wait3A_306 = arith.constant 3 : i32
    %dma_wait3A_307 = arith.constant 0 : i32
    %dma_wait3A_308 = arith.constant 0 : i32
    %dma_wait3A_309 = tpu.memref_slice %arg7[%dma_wait3A_306, %dma_wait3A_307, %dma_wait3A_308] : memref<4x128x128xf32, #tpu.memory_space<vmem>> -> memref<1x128x128xf32, #tpu.memory_space<vmem>>
    %dma_wait3A_310 = tpu.memref_squeeze %dma_wait3A_309 : memref<1x128x128xf32, #tpu.memory_space<vmem>> -> memref<128x128xf32, #tpu.memory_space<vmem>>
    %dma_wait3A_311 = arith.constant 0 : i32
    %dma_wait3A_312 = tpu.memref_slice %arg5[%mul3A_2, %dma_wait3A_311] : memref<262144x128xf32, #tpu.memory_space<hbm>> -> memref<128x128xf32, #tpu.memory_space<hbm>>
    %dma_wait3A_313 = arith.constant 0 : i32
    %dma_wait3A_314 = tpu.memref_slice %arg5[%mul3A_2, %dma_wait3A_313] : memref<262144x128xf32, #tpu.memory_space<hbm>> -> memref<128x128xf32, #tpu.memory_space<hbm>>
    %dma_wait3A_315 = arith.constant 0 : i32
    %dma_wait3A_316 = arith.constant 0 : i32
    %dma_wait3A_317 = tpu.memref_slice %arg7[%dma_wait3A_306, %dma_wait3A_315, %dma_wait3A_316] : memref<4x128x128xf32, #tpu.memory_space<vmem>> -> memref<1x128x128xf32, #tpu.memory_space<vmem>>
    %dma_wait3A_318 = tpu.memref_squeeze %dma_wait3A_317 : memref<1x128x128xf32, #tpu.memory_space<vmem>> -> memref<128x128xf32, #tpu.memory_space<vmem>>
    tpu.wait_dma2 semaphore(%arg16 : memref<!tpu.dma_semaphore, #tpu.memory_space<semaphore_mem>>) src(%dma_wait3A_318 : memref<128x128xf32, #tpu.memory_space<vmem>>) dst(%dma_wait3A_314 : memref<128x128xf32, #tpu.memory_space<hbm>>)
    return
  }
}

</mosaic_0001>

<sc_bundles>
// kernel: kernel.3.cloned.1.call-start
scs
__scs_entry_jumppad:
0x0: {  	(pc) =	sbr.rel $0x88, $3  }
0x1: {  	(tag) =	ssettag $0x0;
	lr =	simm.s32 $0x1  }
0x2: {  	[smem:$0x3F9E] =	sst lr;
	_ =	strace $0xD0000000  }
0x3: {  	_ = 	snop  }
0x4: {  	_ = 	snop  }
0x5: {  	_ = 	snop  }
0x6: {  	_ = 	snop  }
0x7: {  	_ = 	snop  }
__scs_overlays_trampoline_lowered:
0x8: {  	[smem:$0x3FAD] =	sst s0  }
0x9: {  	[smem:$0x3FAE] =	sst s1  }
0xa: {  	[smem:$0x3FAF] =	sst s2  }
0xb: {  	[smem:$0x3FB0] =	sst s3  }
0xc: {  	[smem:$0x3FB1] =	sst s4  }
0xd: {  	[smem:$0x3FB2] =	sst s5  }
0xe: {  	[smem:$0x3FB3] =	sst s6  }
0xf: {  	[smem:$0x3FB4] =	sst s7  }
0x10: {  	[smem:$0x3FB5] =	sst s8  }
0x11: {  	[smem:$0x3FB6] =	sst s9;
	s0 =	simm.s32 @!p0 $0x0  }
0x12: {  	s1 =	sld [smem:$0x3F9C];
	s0 =	simm.s32 @p0 $0x1  }
0x13: {  	[smem:$0x3FB7] =	sst s0;
	s0 =	simm.s32 @!p1 $0x0  }
0x14: {  	s2 =	sld [smem:$0x3F9B];
	s0 =	simm.s32 @p1 $0x1  }
0x15: {  	[smem:$0x3FB8] =	sst s0;
	s0 =	simm.s32 @!p2 $0x0  }
0x16: {  	s3 =	sld [smem:$0x3FDB];
	s0 =	simm.s32 @p2 $0x1  }
0x17: {  	s4 =	simm.s32 $0x1BF5;
	[smem:$0x3FBA] =	sst s0  }
0x18: {  	s0 =	sld [smem:$0x3F9D];
	_ =	swait.ge [sflag:s4], $0x0  }
0x19: {  	s7 =	sld [smem:$0x3F9E]  }
0x1a: {  	s8 =	sadd.s32 $0xFFFFE003, lr  }
0x1b: {  	s9 =	sadd.s32 $0xFFFFFEF7, lr;
	s5 =	simm.s32 $0xFFFFFFFF;
	p2 =	slt.u32 s8, $0xFFFFF086  }
0x1c: {  	p1 =	slt.u32 s9, $0xF7A;
	s5 =	simm.s32 @!p2 $0x0  }
0x1d: {  	s5 =	simm.s32 @p1 $0x1;
	p0 =	seq.s32 s7, s2  }
0x1e: {  	s7 =	smul.u32 @!p0 $0xF7A, s2;
	p2 =	seq.s32 @!p0 s5, $0x0  }
0x1f: {  	s9 =	smul.u32 $0xF7A, s1;
	s8 =	simm.s32 @!p0 $0x1BF5;
	p2 =	por !p2, p0  }
0x20: {  	[sflag:s8] =	ssyncset.s32 @!p0 $0xFFFFF086;
	s6 =	sadd.s32 @!p0 s3, s7;
	s7 =	simm.s32 @!p0 $0x108  }
0x21: {  	s3 =	sadd.s32 s3, s9;
	s6 =	sadd.s32 @!p0 $0x88, s6;
	s7 =	simm.s32 @p2 $0x1082  }
0x22: {  	[simem:s7], [sflag:s8] =	dma.local @!p0 [hbm:s6], $0xF7A  }
0x23: {  	s9 =	sor.u32 $0xD0000000, s2;
	s6 =	simm.s32 $0x108;
	_ =	swait.ge @!p0 [sflag:s8], $0x0  }
0x24: {  	s3 =	sadd.s32 $0x88, s3;
	s6 =	simm.s32 @!p1 $0x1082;
	[sflag:s4] =	ssyncset.s32 $0xFFFFF086  }
0x25: {  	[simem:s6], [sflag:s4] =	dma.local [hbm:s3], $0xF7A  }
0x26: {  	[smem:$0x3F9E] =	sst s1;
	(tag) =	ssettag s2;
	_ =	strace s9  }
0x27: {  	s1 =	sld [smem:$0x3FAE]  }
0x28: {  	s2 =	sld [smem:$0x3FAF]  }
0x29: {  	s4 =	sld [smem:$0x3FB1]  }
0x2a: {  	p0 =	seq.s32 s5, $0x0;
	s5 =	sld [smem:$0x3FB2]  }
0x2b: {  	s6 =	sld [smem:$0x3FB3]  }
0x2c: {  	s7 =	sld [smem:$0x3FB4]  }
0x2d: {  	s3 =	simm.s32 $0x108;
	s8 =	sld [smem:$0x3FB5]  }
0x2e: {  	s3 =	simm.s32 @!p0 $0x1082;
	s9 =	sld [smem:$0x3FB6]  }
0x2f: {  	lr =	sadd.s32 s0, s3;
	s0 =	sld [smem:$0x3FAD]  }
0x30: {  	s3 =	sld [smem:$0x3FB0]  }
0x31: {  	[smem:$0x3FB9] =	sst s10  }
0x32: {  	s10 =	sld [smem:$0x3FB7];
	_ =	sdelay $0x3  }
0x33: {  	p0 =	seq.s32 s10, $0x1;
	s10 =	sld [smem:$0x3FB9];
	_ =	sdelay $0x3  }
0x34: {  	[smem:$0x3FB9] =	sst s10  }
0x35: {  	s10 =	sld [smem:$0x3FB8];
	_ =	sdelay $0x3  }
0x36: {  	p1 =	seq.s32 s10, $0x1;
	s10 =	sld [smem:$0x3FB9];
	_ =	sdelay $0x3  }
0x37: {  	[smem:$0x3FB9] =	sst s10  }
0x38: {  	s10 =	sld [smem:$0x3FBA]  }
0x39: {  	_ = 	snop;
	(pc) =	sbr.ind lr, $3  }
0x3a: {  	_ = 	snop  }
0x3b: {  	_ = 	snop  }
0x3c: {  	p2 =	seq.s32 s10, $0x1;
	s10 =	sld [smem:$0x3FB9]  }
0x3d: {  	_ =	shalt  }
0x3e: {  	_ =	shalt  }
0x3f: {  	_ =	shalt  }
0x40: {  	_ =	shalt  }
0x41: {  	_ =	shalt  }
0x42: {  	_ =	shalt  }
0x43: {  	_ =	shalt  }
0x44: {  	_ =	shalt  }
0x45: {  	_ =	shalt  }
0x46: {  	_ =	shalt  }
0x47: {  	_ =	shalt  }
0x48: {  	_ =	shalt  }
0x49: {  	_ =	shalt  }
0x4a: {  	_ =	shalt  }
0x4b: {  	_ =	shalt  }
0x4c: {  	_ =	shalt  }
0x4d: {  	_ =	shalt  }
0x4e: {  	_ =	shalt  }
0x4f: {  	_ =	shalt  }
0x50: {  	_ =	shalt  }
0x51: {  	_ =	shalt  }
0x52: {  	_ =	shalt  }
0x53: {  	_ =	shalt  }
0x54: {  	_ =	shalt  }
0x55: {  	_ =	shalt  }
0x56: {  	_ =	shalt  }
0x57: {  	_ =	shalt  }
0x58: {  	_ =	shalt  }
0x59: {  	_ =	shalt  }
0x5a: {  	_ =	shalt  }
0x5b: {  	_ =	shalt  }
0x5c: {  	_ =	shalt  }
0x5d: {  	_ =	shalt  }
0x5e: {  	_ =	shalt  }
0x5f: {  	_ =	shalt  }
0x60: {  	_ =	shalt  }
0x61: {  	_ =	shalt  }
0x62: {  	_ =	shalt  }
0x63: {  	_ =	shalt  }
0x64: {  	_ =	shalt  }
0x65: {  	_ =	shalt  }
0x66: {  	_ =	shalt  }
0x67: {  	_ =	shalt  }
0x68: {  	_ =	shalt  }
0x69: {  	_ =	shalt  }
0x6a: {  	_ =	shalt  }
0x6b: {  	_ =	shalt  }
0x6c: {  	_ =	shalt  }
0x6d: {  	_ =	shalt  }
0x6e: {  	_ =	shalt  }
0x6f: {  	_ =	shalt  }
0x70: {  	_ =	shalt  }
0x71: {  	_ =	shalt  }
0x72: {  	_ =	shalt  }
0x73: {  	_ =	shalt  }
0x74: {  	_ =	shalt  }
0x75: {  	_ =	shalt  }
0x76: {  	_ =	shalt  }
0x77: {  	_ =	shalt  }
0x78: {  	_ =	shalt  }
0x79: {  	_ =	shalt  }
0x7a: {  	_ =	shalt  }
0x7b: {  	_ =	shalt  }
0x7c: {  	_ =	shalt  }
0x7d: {  	_ =	shalt  }
0x7e: {  	_ =	shalt  }
0x7f: {  	_ =	shalt  }
0x80: {  	_ =	shalt  }
0x81: {  	_ =	shalt  }
0x82: {  	_ =	shalt  }
0x83: {  	_ =	shalt  }
0x84: {  	_ =	shalt  }
0x85: {  	_ =	shalt  }
0x86: {  	_ =	shalt  }
0x87: {  	_ =	shalt  }
.Lfunc_end0:
.L_simem_size_0:
called_computation_lowered:
.L_overlay_start_0:
0x88: {  	s2 =	sld [smem:$0x3FD9]  }
0x89: {  	s3 =	sld [smem:$0x3FFE];
	_ =	sdelay $0x1  }
0x8a: {  	s1 =	srdreg.scid  }
0x8b: {  	s0 =	sand.u32 $0x1, s1  }
0x8c: {  	s17 =	sshll.u32 s0, $0xA;
	s2 =	sadd.s32 s3, s2  }
0x8d: {  	s2 =	sadd.s32 s2, s17  }
0x8e: {  	[smem:$0x3FC5] =	sst s2  }
0x8f: {  	_ = 	snop  }
0x90: {  	s2 =	sld [smem:$0x3FC8]  }
0x91: {  	s18 =	sld [smem:$0x3FC7]  }
0x92: {  	s4 =	sld [smem:$0x3FD0];
	(tm) =	ssettm $0x1  }
0x93: {  	s5 =	sld [smem:$0x3FFB];
	_ =	sdelay $0x3  }
0x94: {  	_ =	strace s5  }
0x95: {  	s5 =	sld [smem:$0x3FFC];
	_ =	sdelay $0x3  }
0x96: {  	_ =	strace s5  }
0x97: {  	s5 =	sld [smem:$0x3FFD];
	_ =	sdelay $0x3  }
0x98: {  	_ =	strace s5  }
0x99: {  	_ =	strace $0x8FFFFFFF  }
0x9a: {  	s19 =	sld [smem:$0x3FDB];
	_ =	sdelay $0x1  }
0x9b: {  	s6 =	simm.s32 $_scs_section_size  }
0x9c: {  	s7 =	simm.s32 $_size__tile_overlayer_lowered;
	s8 =	simm.s32 $_tile_overlayer_lowered  }
0x9d: {  	s22 =	simm.s32 $0x1BFF;
	s21 =	sshll.u32 s8, $0x1;
	s5 =	sadd.s32 s6, s19  }
0x9e: {  	s9 =	simm.s32 $0x0;
	s20 =	sshll.u32 s7, $0x1;
	s7 =	sadd.s32 s21, s5  }
0x9f: {  	[timem:s9], [sflag:s22] =	dma.local [hbm:s7], s20  }
0xa0: {  	_ =	swait.ge [sflag:s22], s20  }
0xa1: {  	s6 =	ssub.s32 $0x0, s20;
	[sflag:s22] =	ssyncset.done $0x0  }
0xa2: {  	[sflag:s22] =	ssyncadd.s32 s6;
	_ =	sdelay $0x1  }
0xa3: {  	s23 =	simm.s32 $0x1B8B  }
0xa4: {  	_ =	swait.ge [sflag:s23], $0x1  }
0xa5: {  	[sflag:s23] =	ssyncset.done $0x0  }
0xa6: {  	s25 =	simm.s32 $0x1B8E;
	s24 =	sld [smem:$0x3FFE];
	[sflag:s23] =	ssyncadd.s32 $0xFFFFFFFF  }
0xa7: {  	s26 =	simm.s32 $execute0_lowered;
	[smem:$0x3FD2] =	sst s25  }
0xa8: {  	s7 =	sshll.u32 s26, $0x1;
	_ =	strace $0x80000046;
	[dreg:$0x1] =	wrdreg $0xFFFFFFFF  }
0xa9: {  	s28 =	simm.s32 $_size_execute0_lowered;
	s5 =	sadd.s32 s5, s7;
	[dreg:$0x0] =	wrdreg $0x0  }
0xaa: {  	s7 =	sshll.u32 s28, $0x1;
	[dreg:$0x2] =	wrdreg s5  }
0xab: {  	[dreg:$0x3] =	wrdreg s7  }
0xac: {  	[dreg:$0x4] =	wrdreg $0xC0  }
0xad: {  	_ =	task [dreg:s9], $0x5FFFF  }
0xae: {  	[dreg:$0x1] =	wrdreg $0xFFFFFFFF  }
0xaf: {  	[dreg:$0x0] =	wrdreg $0x60  }
0xb0: {  	[dreg:$0x2] =	wrdreg s24  }
0xb1: {  	[dreg:$0x3] =	wrdreg s2  }
0xb2: {  	[dreg:$0x4] =	wrdreg s18  }
0xb3: {  	[dreg:$0x5] =	wrdreg s4  }
0xb4: {  	[dreg:$0x6] =	wrdreg $0x9  }
0xb5: {  	_ =	task.clear_ibuf [dreg:s9], $0x7FFFF;
	_ =	strace $0x90000046  }
0xb6: {  	s29 =	simm.s32 $0x9;
	_ =	strace $0x80000048  }
0xb7: {  	_ =	swait.ge [sflag:s29], $0x1  }
0xb8: {  	[sflag:s29] =	ssyncadd.s32 $0xFFFFFFFF  }
0xb9: {  	_ =	strace $0x90000048  }
0xba: {  	_ =	sfence  }
0xbb: {  	s30 =	sld [smem:$0x0];
	_ =	sdelay $0x2  }
0xbc: {  	s31 =	sshll.u32 s1, $0xD;
	s1 =	sshrl.u32 s1, $0x2  }
0xbd: {  	s3 =	sand.u32 $0x4000, s31;
	s1 =	sadd.s32 s1, s30  }
0xbe: {  	s0 =	sor.u32 s3, s0;
	s1 =	sshll.u32 s1, $0x11  }
0xbf: {  	s0 =	sor.u32 s1, s0  }
0xc0: {  	s0 =	sadd.s32 $0x8F2B, s0  }
0xc1: {  	[sflag:s0] =	ssyncadd.remote.s32 $0x1  }
0xc2: {  	_ =	sfence.sel $0xFFFF  }
0xc3: {  	[dreg:$0x0] =	wrdreg $0xFFFFFFFF;
	(pc) =	sbr.abs _section_cstart, $3  }
0xc4: {  	[dreg:$0x1] =	wrdreg $0xFFFFFFFF  }
0xc5: {  	_ =	task.clear_ibuf [dreg:s9], $0x2FFFF;
	_ =	strace $0x9FFFFFFF  }
0xc6: {  	(tm) =	ssettm $0x7FFFFFFF  }
0xc7: {  	_ =	shalt  }
tec
execute0_lowered:
.L_overlay_start_1:
0x0: {  	(tag) =	ssettag $0x1  }
0x1: {  	s0 =	rddreg [dreg:$0x0]  }
0x2: {  	s1 =	rddreg [dreg:$0x1]  }
0x3: {  	s4 =	rddreg [dreg:$0x3]  }
0x4: {  	s5 =	simm.s32 $0x0;
	s2 =	srdreg.scid;
	s3 =	stileid.u32  }
0x5: {  	s13 =	simm.s32 $0x9;
	s15 =	simm.s32 $0x80;
	s16 =	simm.s32 $0x2000  }
0x6: {  	s17 =	simm.s32 $0x6000;
	s19 =	simm.s32 $0xA000;
	s20 =	simm.s32 $0x1  }
0x7: {  	s22 =	simm.s32 $0xE000;
	s23 =	simm.s32 $0x2;
	s24 =	simm.s32 $0x5  }
0x8: {  	s26 =	simm.s32 $0x3;
	s28 =	simm.s32 $0x6;
	s30 =	simm.s32 $0x4  }
0x9: {  	s31 =	simm.s32 $0x7;
	s2 =	sand.u32 $0x1, s2;
	s3 =	sshll.u32 s3, $0x1  }
0xa: {  	[smem:$0x7FF] =	sst s5;
	s3 =	sor.u32 s2, s3;
	s2 =	ssub.s32 $0x2, s2  }
0xb: {  	_ =	strace $0x80000047;
	s6 =	sshll.u32 s3, $0xA;
	s7 =	sshrl.u32 s2, $0x1  }
.Ltmp0:
0xc: {  	s8 =	sshll.u32 s3, $0x11;
	s0 =	sadd.s32 s6, s0;
	(pc) =	sbr.rel .LBB2_1-.Ltmp0, $4  }
0xd: {  	s2 =	ssub.s32 s2, s7;
	s6 =	sadd.s32 s4, s8;
	s7 =	sshll.u32 s3, $0xD  }
0xe: {  	s3 =	simm.s32 $0x8;
	s0 =	sadd.s32 $0x400, s0;
	s29 =	sadd.s32 $0x800, s6  }
0xf: {  	s10 =	sadd.s32 $0x1000, s6;
	s11 =	sadd.s32 $0x1800, s6;
	[dreg:$0x5] =	wrdreg s0  }
0x10: {  	s12 =	smax.u32 s2, $0x1;
	s2 =	simm.s32 $0x0;
	[dreg:$0x6] =	wrdreg s29  }
.LBB2_20:
0x11: {  	_ =	swait.ge [sflag:s24], $0x4000  }
0x12: {  	[sflag:s24] =	ssyncset.done $0x0  }
0x13: {  	[sflag:s24] =	ssyncadd.s32 $0xFFFFC000  }
0x14: {  	_ =	swait.ge [sflag:s28], $0x4000  }
0x15: {  	[sflag:s28] =	ssyncset.done $0x0  }
0x16: {  	s2 =	sadd.s32 $0x1, s2;
	[sflag:s28] =	ssyncadd.s32 $0xFFFFC000  }
0x17: {  	p0 =	sne.s32 s2, s12;
	_ =	swait.ge [sflag:s31], $0x4000  }
.Ltmp1:
0x18: {  	[sflag:s31] =	ssyncset.done $0x0;
	(pc) =	sbr.rel @!p0 .LBB2_21-.Ltmp1, $4  }
0x19: {  	[sflag:s31] =	ssyncadd.s32 $0xFFFFC000  }
0x1a: {  	_ =	swait.ge [sflag:s3], $0x4000  }
0x1b: {  	[sflag:s3] =	ssyncset.done $0x0  }
0x1c: {  	[sflag:s3] =	ssyncadd.s32 $0xFFFFC000  }
.LBB2_1:
0x1d: {  	s0 =	rddreg [dreg:$0x5]  }
0x1e: {  	[tilespmem:s5], [sflag:$0x9] =	stream.linear.gather [hbm4b:s0+s5], $0x2000, $0x38;
	[tilespmem:$0x14000] =	vst v63  }
0x1f: {  	_ =	swait.ge [sflag:s13], $0x2000  }
0x20: {  	[sflag:s13] =	ssyncset.done $0x0  }
0x21: {  	[sflag:s13] =	ssyncadd.s32 $0xFFFFE000  }
0x22: {  	s8 =	simm.s32 $0x12000;
	s25 =	rddreg [dreg:$0x2]  }
0x23: {  	[tilespmem:s8], [sflag:$0x9] =	stream.linear.gather [hbm4b:s25+s5], $0x2000, $0x38;
	[tilespmem:$0x14000] =	vst v63  }
0x24: {  	_ =	swait.ge [sflag:s13], $0x2000  }
0x25: {  	[sflag:s13] =	ssyncset.done $0x0  }
0x26: {  	[sflag:s13] =	ssyncadd.s32 $0xFFFFE000  }
0x27: {  	[tilespmem:s16], [sflag:$0x1] =	stream.indirect.gather [hbm4b:s1+s15], $0x80, s5, s15, $0xb8;
	[tilespmem:$0x14000] =	vst v63  }
0x28: {  	_ = 	snop  }
0x29: {  	[tilespmem:s17], [sflag:$0x2] =	stream.indirect.gather [hbm4b:s1+s15], $0x80, s15, s15, $0xb8;
	[tilespmem:$0x14000] =	vst v63  }
0x2a: {  	s29 =	simm.s32 $0x100  }
0x2b: {  	[tilespmem:s19], [sflag:$0x3] =	stream.indirect.gather [hbm4b:s1+s15], $0x80, s29, s15, $0xb8;
	[tilespmem:$0x14000] =	vst v63  }
0x2c: {  	_ =	swait.ge [sflag:s20], $0x4000  }
0x2d: {  	[sflag:s20] =	ssyncset.done $0x0  }
0x2e: {  	s14 =	simm.s32 $0x0;
	s0 =	simm.s32 $0x200;
	[sflag:s20] =	ssyncadd.s32 $0xFFFFC000  }
.LBB2_2:
0x2f: {  	p0 =	sne.s32 s0, $0x7E00;
	v0 =	vld [tilespmem:s14+$0x12070]  }
0x30: {  	v1 =	vld [tilespmem:s14+$0x12000]  }
0x31: {  	v2 =	vld [tilespmem:s14+$0x12010]  }
0x32: {  	v3 =	vld [tilespmem:s14+$0x12020]  }
0x33: {  	v4 =	vld [tilespmem:s14+$0x12030]  }
0x34: {  	[tilespmem:s14+$0x4070] =	vst.add.f32.msk $0xffff, v0  }
0x35: {  	v5 =	vld [tilespmem:s14+$0x12040]  }
0x36: {  	v6 =	vld [tilespmem:s14+$0x12050]  }
0x37: {  	v7 =	vld [tilespmem:s14+$0x12060]  }
0x38: {  	[tilespmem:s14+$0x2000] =	vst.add.f32.msk $0xffff, v1  }
0x39: {  	[tilespmem:s14+$0x2010] =	vst.add.f32.msk $0xffff, v2  }
0x3a: {  	[tilespmem:s14+$0x2020] =	vst.add.f32.msk $0xffff, v3  }
0x3b: {  	[tilespmem:s14+$0x2030] =	vst.add.f32.msk $0xffff, v4  }
0x3c: {  	[tilespmem:s14+$0x2040] =	vst.add.f32.msk $0xffff, v5  }
0x3d: {  	[tilespmem:s14+$0x2050] =	vst.add.f32.msk $0xffff, v6  }
0x3e: {  	[tilespmem:s14+$0x2060] =	vst.add.f32.msk $0xffff, v7  }
0x3f: {  	[tilespmem:s14+$0x2070] =	vst.add.f32.msk $0xffff, v0  }
0x40: {  	[tilespmem:s14+$0x4000] =	vst.add.f32.msk $0xffff, v1  }
0x41: {  	[tilespmem:s14+$0x4010] =	vst.add.f32.msk $0xffff, v2  }
.Ltmp2:
0x42: {  	[tilespmem:s14+$0x4020] =	vst.add.f32.msk $0xffff, v3;
	(pc) =	sbr.rel @p0 .LBB2_2-.Ltmp2, $4  }
0x43: {  	[tilespmem:s14+$0x4030] =	vst.add.f32.msk $0xffff, v4  }
0x44: {  	[tilespmem:s14+$0x4040] =	vst.add.f32.msk $0xffff, v5  }
0x45: {  	[tilespmem:s14+$0x4050] =	vst.add.f32.msk $0xffff, v6  }
0x46: {  	[tilespmem:s14+$0x4060] =	vst.add.f32.msk $0xffff, v7;
	s14 =	sshra.s32 s0, $0x2;
	s0 =	sadd.s32 $0x200, s0  }
0x47: {  	v0 =	vld [tilespmem:s14+$0x12070]  }
0x48: {  	v1 =	vld [tilespmem:s14+$0x12000]  }
0x49: {  	v2 =	vld [tilespmem:s14+$0x12010]  }
0x4a: {  	v3 =	vld [tilespmem:s14+$0x12020]  }
0x4b: {  	v4 =	vld [tilespmem:s14+$0x12030]  }
0x4c: {  	v5 =	vld [tilespmem:s14+$0x12040]  }
0x4d: {  	v6 =	vld [tilespmem:s14+$0x12050]  }
0x4e: {  	v7 =	vld [tilespmem:s14+$0x12060]  }
0x4f: {  	[tilespmem:s14+$0x4070] =	vst.add.f32.msk $0xffff, v0  }
0x50: {  	[tilespmem:s14+$0x2000] =	vst.add.f32.msk $0xffff, v1  }
0x51: {  	[tilespmem:s14+$0x2010] =	vst.add.f32.msk $0xffff, v2  }
0x52: {  	[tilespmem:s14+$0x2020] =	vst.add.f32.msk $0xffff, v3  }
0x53: {  	[tilespmem:s14+$0x2030] =	vst.add.f32.msk $0xffff, v4  }
0x54: {  	[tilespmem:s14+$0x2040] =	vst.add.f32.msk $0xffff, v5  }
0x55: {  	[tilespmem:s14+$0x2050] =	vst.add.f32.msk $0xffff, v6  }
0x56: {  	[tilespmem:s14+$0x2060] =	vst.add.f32.msk $0xffff, v7  }
0x57: {  	[tilespmem:s14+$0x2070] =	vst.add.f32.msk $0xffff, v0  }
0x58: {  	[tilespmem:s14+$0x4000] =	vst.add.f32.msk $0xffff, v1  }
0x59: {  	[tilespmem:s14+$0x4010] =	vst.add.f32.msk $0xffff, v2  }
0x5a: {  	[tilespmem:s14+$0x4020] =	vst.add.f32.msk $0xffff, v3  }
0x5b: {  	[tilespmem:s14+$0x4030] =	vst.add.f32.msk $0xffff, v4  }
0x5c: {  	[tilespmem:s14+$0x4040] =	vst.add.f32.msk $0xffff, v5  }
0x5d: {  	[tilespmem:s14+$0x4050] =	vst.add.f32.msk $0xffff, v6  }
0x5e: {  	s0 =	simm.s32 $0x0;
	[tilespmem:s14+$0x4060] =	vst.add.f32.msk $0xffff, v7  }
0x5f: {  	[hbm4b:s6+s0] =	stream.linear.scatter [tilespmem:s16], [sflag:$0x5], $0x4000, $0x38;
	[tilespmem:$0x14000] =	vst v63  }
0x60: {  	s29 =	simm.s32 $0x180  }
0x61: {  	[tilespmem:s22], [sflag:$0x4] =	stream.indirect.gather [hbm4b:s1+s15], $0x80, s29, s15, $0xb8;
	[tilespmem:$0x14000] =	vst v63  }
0x62: {  	_ =	swait.ge [sflag:s23], $0x4000  }
0x63: {  	[sflag:s23] =	ssyncset.done $0x0  }
0x64: {  	s14 =	simm.s32 $0x0;
	s0 =	simm.s32 $0x200;
	[sflag:s23] =	ssyncadd.s32 $0xFFFFC000  }
.LBB2_4:
0x65: {  	p0 =	sne.s32 s0, $0x7E00;
	v0 =	vld [tilespmem:s14+$0x12070]  }
0x66: {  	v1 =	vld [tilespmem:s14+$0x12000]  }
0x67: {  	v2 =	vld [tilespmem:s14+$0x12010]  }
0x68: {  	v3 =	vld [tilespmem:s14+$0x12020]  }
0x69: {  	v4 =	vld [tilespmem:s14+$0x12030]  }
0x6a: {  	[tilespmem:s14+$0x8070] =	vst.add.f32.msk $0xffff, v0  }
0x6b: {  	v5 =	vld [tilespmem:s14+$0x12040]  }
0x6c: {  	v6 =	vld [tilespmem:s14+$0x12050]  }
0x6d: {  	v7 =	vld [tilespmem:s14+$0x12060]  }
0x6e: {  	[tilespmem:s14+$0x6000] =	vst.add.f32.msk $0xffff, v1  }
0x6f: {  	[tilespmem:s14+$0x6010] =	vst.add.f32.msk $0xffff, v2  }
0x70: {  	[tilespmem:s14+$0x6020] =	vst.add.f32.msk $0xffff, v3  }
0x71: {  	[tilespmem:s14+$0x6030] =	vst.add.f32.msk $0xffff, v4  }
0x72: {  	[tilespmem:s14+$0x6040] =	vst.add.f32.msk $0xffff, v5  }
0x73: {  	[tilespmem:s14+$0x6050] =	vst.add.f32.msk $0xffff, v6  }
0x74: {  	[tilespmem:s14+$0x6060] =	vst.add.f32.msk $0xffff, v7  }
0x75: {  	[tilespmem:s14+$0x6070] =	vst.add.f32.msk $0xffff, v0  }
0x76: {  	[tilespmem:s14+$0x8000] =	vst.add.f32.msk $0xffff, v1  }
0x77: {  	[tilespmem:s14+$0x8010] =	vst.add.f32.msk $0xffff, v2  }
.Ltmp3:
0x78: {  	[tilespmem:s14+$0x8020] =	vst.add.f32.msk $0xffff, v3;
	(pc) =	sbr.rel @p0 .LBB2_4-.Ltmp3, $4  }
0x79: {  	[tilespmem:s14+$0x8030] =	vst.add.f32.msk $0xffff, v4  }
0x7a: {  	[tilespmem:s14+$0x8040] =	vst.add.f32.msk $0xffff, v5  }
0x7b: {  	[tilespmem:s14+$0x8050] =	vst.add.f32.msk $0xffff, v6  }
0x7c: {  	[tilespmem:s14+$0x8060] =	vst.add.f32.msk $0xffff, v7;
	s14 =	sshra.s32 s0, $0x2;
	s0 =	sadd.s32 $0x200, s0  }
0x7d: {  	v0 =	vld [tilespmem:s14+$0x12070]  }
0x7e: {  	v1 =	vld [tilespmem:s14+$0x12000]  }
0x7f: {  	v2 =	vld [tilespmem:s14+$0x12010]  }
0x80: {  	v3 =	vld [tilespmem:s14+$0x12020]  }
0x81: {  	v4 =	vld [tilespmem:s14+$0x12030]  }
0x82: {  	v5 =	vld [tilespmem:s14+$0x12040]  }
0x83: {  	v6 =	vld [tilespmem:s14+$0x12050]  }
0x84: {  	v7 =	vld [tilespmem:s14+$0x12060]  }
0x85: {  	[tilespmem:s14+$0x8070] =	vst.add.f32.msk $0xffff, v0  }
0x86: {  	[tilespmem:s14+$0x6000] =	vst.add.f32.msk $0xffff, v1  }
0x87: {  	[tilespmem:s14+$0x6010] =	vst.add.f32.msk $0xffff, v2  }
0x88: {  	[tilespmem:s14+$0x6020] =	vst.add.f32.msk $0xffff, v3  }
0x89: {  	[tilespmem:s14+$0x6030] =	vst.add.f32.msk $0xffff, v4  }
0x8a: {  	[tilespmem:s14+$0x6040] =	vst.add.f32.msk $0xffff, v5  }
0x8b: {  	[tilespmem:s14+$0x6050] =	vst.add.f32.msk $0xffff, v6  }
0x8c: {  	[tilespmem:s14+$0x6060] =	vst.add.f32.msk $0xffff, v7  }
0x8d: {  	[tilespmem:s14+$0x6070] =	vst.add.f32.msk $0xffff, v0  }
0x8e: {  	[tilespmem:s14+$0x8000] =	vst.add.f32.msk $0xffff, v1  }
0x8f: {  	[tilespmem:s14+$0x8010] =	vst.add.f32.msk $0xffff, v2  }
0x90: {  	[tilespmem:s14+$0x8020] =	vst.add.f32.msk $0xffff, v3  }
0x91: {  	[tilespmem:s14+$0x8030] =	vst.add.f32.msk $0xffff, v4  }
0x92: {  	[tilespmem:s14+$0x8040] =	vst.add.f32.msk $0xffff, v5  }
0x93: {  	[tilespmem:s14+$0x8050] =	vst.add.f32.msk $0xffff, v6  }
0x94: {  	s0 =	simm.s32 $0x0;
	s8 =	rddreg [dreg:$0x6];
	[tilespmem:s14+$0x8060] =	vst.add.f32.msk $0xffff, v7  }
0x95: {  	[hbm4b:s8+s0] =	stream.linear.scatter [tilespmem:s17], [sflag:$0x6], $0x4000, $0x38;
	[tilespmem:$0x14000] =	vst v63  }
0x96: {  	_ =	swait.ge [sflag:s24], $0x4000  }
0x97: {  	[sflag:s24] =	ssyncset.done $0x0  }
0x98: {  	s29 =	simm.s32 $0x200;
	[sflag:s24] =	ssyncadd.s32 $0xFFFFC000  }
0x99: {  	[tilespmem:s16], [sflag:$0x1] =	stream.indirect.gather [hbm4b:s1+s15], $0x80, s29, s15, $0xb8;
	[tilespmem:$0x14000] =	vst v63  }
0x9a: {  	_ =	swait.ge [sflag:s26], $0x4000  }
0x9b: {  	[sflag:s26] =	ssyncset.done $0x0  }
0x9c: {  	s14 =	simm.s32 $0x0;
	s0 =	simm.s32 $0x200;
	[sflag:s26] =	ssyncadd.s32 $0xFFFFC000  }
.LBB2_6:
0x9d: {  	p0 =	sne.s32 s0, $0x7E00;
	v0 =	vld [tilespmem:s14+$0x12070]  }
0x9e: {  	v1 =	vld [tilespmem:s14+$0x12000]  }
0x9f: {  	v2 =	vld [tilespmem:s14+$0x12010]  }
0xa0: {  	v3 =	vld [tilespmem:s14+$0x12020]  }
0xa1: {  	v4 =	vld [tilespmem:s14+$0x12030]  }
0xa2: {  	[tilespmem:s14+$0xC070] =	vst.add.f32.msk $0xffff, v0  }
0xa3: {  	v5 =	vld [tilespmem:s14+$0x12040]  }
0xa4: {  	v6 =	vld [tilespmem:s14+$0x12050]  }
0xa5: {  	v7 =	vld [tilespmem:s14+$0x12060]  }
0xa6: {  	[tilespmem:s14+$0xA000] =	vst.add.f32.msk $0xffff, v1  }
0xa7: {  	[tilespmem:s14+$0xA010] =	vst.add.f32.msk $0xffff, v2  }
0xa8: {  	[tilespmem:s14+$0xA020] =	vst.add.f32.msk $0xffff, v3  }
0xa9: {  	[tilespmem:s14+$0xA030] =	vst.add.f32.msk $0xffff, v4  }
0xaa: {  	[tilespmem:s14+$0xA040] =	vst.add.f32.msk $0xffff, v5  }
0xab: {  	[tilespmem:s14+$0xA050] =	vst.add.f32.msk $0xffff, v6  }
0xac: {  	[tilespmem:s14+$0xA060] =	vst.add.f32.msk $0xffff, v7  }
0xad: {  	[tilespmem:s14+$0xA070] =	vst.add.f32.msk $0xffff, v0  }
0xae: {  	[tilespmem:s14+$0xC000] =	vst.add.f32.msk $0xffff, v1  }
0xaf: {  	[tilespmem:s14+$0xC010] =	vst.add.f32.msk $0xffff, v2  }
.Ltmp4:
0xb0: {  	[tilespmem:s14+$0xC020] =	vst.add.f32.msk $0xffff, v3;
	(pc) =	sbr.rel @p0 .LBB2_6-.Ltmp4, $4  }
0xb1: {  	[tilespmem:s14+$0xC030] =	vst.add.f32.msk $0xffff, v4  }
0xb2: {  	[tilespmem:s14+$0xC040] =	vst.add.f32.msk $0xffff, v5  }
0xb3: {  	[tilespmem:s14+$0xC050] =	vst.add.f32.msk $0xffff, v6  }
0xb4: {  	[tilespmem:s14+$0xC060] =	vst.add.f32.msk $0xffff, v7;
	s14 =	sshra.s32 s0, $0x2;
	s0 =	sadd.s32 $0x200, s0  }
0xb5: {  	v0 =	vld [tilespmem:s14+$0x12070]  }
0xb6: {  	v1 =	vld [tilespmem:s14+$0x12000]  }
0xb7: {  	v2 =	vld [tilespmem:s14+$0x12010]  }
0xb8: {  	v3 =	vld [tilespmem:s14+$0x12020]  }
0xb9: {  	v4 =	vld [tilespmem:s14+$0x12030]  }
0xba: {  	v5 =	vld [tilespmem:s14+$0x12040]  }
0xbb: {  	v6 =	vld [tilespmem:s14+$0x12050]  }
0xbc: {  	v7 =	vld [tilespmem:s14+$0x12060]  }
0xbd: {  	[tilespmem:s14+$0xC070] =	vst.add.f32.msk $0xffff, v0  }
0xbe: {  	[tilespmem:s14+$0xA000] =	vst.add.f32.msk $0xffff, v1  }
0xbf: {  	[tilespmem:s14+$0xA010] =	vst.add.f32.msk $0xffff, v2  }
0xc0: {  	[tilespmem:s14+$0xA020] =	vst.add.f32.msk $0xffff, v3  }
0xc1: {  	[tilespmem:s14+$0xA030] =	vst.add.f32.msk $0xffff, v4  }
0xc2: {  	[tilespmem:s14+$0xA040] =	vst.add.f32.msk $0xffff, v5  }
0xc3: {  	[tilespmem:s14+$0xA050] =	vst.add.f32.msk $0xffff, v6  }
0xc4: {  	[tilespmem:s14+$0xA060] =	vst.add.f32.msk $0xffff, v7  }
0xc5: {  	[tilespmem:s14+$0xA070] =	vst.add.f32.msk $0xffff, v0  }
0xc6: {  	[tilespmem:s14+$0xC000] =	vst.add.f32.msk $0xffff, v1  }
0xc7: {  	[tilespmem:s14+$0xC010] =	vst.add.f32.msk $0xffff, v2  }
0xc8: {  	[tilespmem:s14+$0xC020] =	vst.add.f32.msk $0xffff, v3  }
0xc9: {  	[tilespmem:s14+$0xC030] =	vst.add.f32.msk $0xffff, v4  }
0xca: {  	[tilespmem:s14+$0xC040] =	vst.add.f32.msk $0xffff, v5  }
0xcb: {  	[tilespmem:s14+$0xC050] =	vst.add.f32.msk $0xffff, v6  }
0xcc: {  	s0 =	simm.s32 $0x0;
	[tilespmem:s14+$0xC060] =	vst.add.f32.msk $0xffff, v7  }
0xcd: {  	[hbm4b:s10+s0] =	stream.linear.scatter [tilespmem:s19], [sflag:$0x7], $0x4000, $0x38;
	[tilespmem:$0x14000] =	vst v63  }
0xce: {  	_ =	swait.ge [sflag:s28], $0x4000  }
0xcf: {  	[sflag:s28] =	ssyncset.done $0x0  }
0xd0: {  	s29 =	simm.s32 $0x280;
	[sflag:s28] =	ssyncadd.s32 $0xFFFFC000  }
0xd1: {  	[tilespmem:s17], [sflag:$0x2] =	stream.indirect.gather [hbm4b:s1+s15], $0x80, s29, s15, $0xb8;
	[tilespmem:$0x14000] =	vst v63  }
0xd2: {  	_ =	swait.ge [sflag:s30], $0x4000  }
0xd3: {  	[sflag:s30] =	ssyncset.done $0x0  }
0xd4: {  	s14 =	simm.s32 $0x0;
	s0 =	simm.s32 $0x200;
	[sflag:s30] =	ssyncadd.s32 $0xFFFFC000  }
.LBB2_8:
0xd5: {  	p0 =	sne.s32 s0, $0x7E00;
	v0 =	vld [tilespmem:s14+$0x12070]  }
0xd6: {  	v1 =	vld [tilespmem:s14+$0x12000]  }
0xd7: {  	v2 =	vld [tilespmem:s14+$0x12010]  }
0xd8: {  	v3 =	vld [tilespmem:s14+$0x12020]  }
0xd9: {  	v4 =	vld [tilespmem:s14+$0x12030]  }
0xda: {  	[tilespmem:s14+$0x10070] =	vst.add.f32.msk $0xffff, v0  }
0xdb: {  	v5 =	vld [tilespmem:s14+$0x12040]  }
0xdc: {  	v6 =	vld [tilespmem:s14+$0x12050]  }
0xdd: {  	v7 =	vld [tilespmem:s14+$0x12060]  }
0xde: {  	[tilespmem:s14+$0xE000] =	vst.add.f32.msk $0xffff, v1  }
0xdf: {  	[tilespmem:s14+$0xE010] =	vst.add.f32.msk $0xffff, v2  }
0xe0: {  	[tilespmem:s14+$0xE020] =	vst.add.f32.msk $0xffff, v3  }
0xe1: {  	[tilespmem:s14+$0xE030] =	vst.add.f32.msk $0xffff, v4  }
0xe2: {  	[tilespmem:s14+$0xE040] =	vst.add.f32.msk $0xffff, v5  }
0xe3: {  	[tilespmem:s14+$0xE050] =	vst.add.f32.msk $0xffff, v6  }
0xe4: {  	[tilespmem:s14+$0xE060] =	vst.add.f32.msk $0xffff, v7  }
0xe5: {  	[tilespmem:s14+$0xE070] =	vst.add.f32.msk $0xffff, v0  }
0xe6: {  	[tilespmem:s14+$0x10000] =	vst.add.f32.msk $0xffff, v1  }
0xe7: {  	[tilespmem:s14+$0x10010] =	vst.add.f32.msk $0xffff, v2  }
.Ltmp5:
0xe8: {  	[tilespmem:s14+$0x10020] =	vst.add.f32.msk $0xffff, v3;
	(pc) =	sbr.rel @p0 .LBB2_8-.Ltmp5, $4  }
0xe9: {  	[tilespmem:s14+$0x10030] =	vst.add.f32.msk $0xffff, v4  }
0xea: {  	[tilespmem:s14+$0x10040] =	vst.add.f32.msk $0xffff, v5  }
0xeb: {  	[tilespmem:s14+$0x10050] =	vst.add.f32.msk $0xffff, v6  }
0xec: {  	[tilespmem:s14+$0x10060] =	vst.add.f32.msk $0xffff, v7;
	s14 =	sshra.s32 s0, $0x2;
	s0 =	sadd.s32 $0x200, s0  }
0xed: {  	v0 =	vld [tilespmem:s14+$0x12070]  }
0xee: {  	v1 =	vld [tilespmem:s14+$0x12000]  }
0xef: {  	v2 =	vld [tilespmem:s14+$0x12010]  }
0xf0: {  	v3 =	vld [tilespmem:s14+$0x12020]  }
0xf1: {  	v4 =	vld [tilespmem:s14+$0x12030]  }
0xf2: {  	v5 =	vld [tilespmem:s14+$0x12040]  }
0xf3: {  	v6 =	vld [tilespmem:s14+$0x12050]  }
0xf4: {  	v7 =	vld [tilespmem:s14+$0x12060]  }
0xf5: {  	[tilespmem:s14+$0x10070] =	vst.add.f32.msk $0xffff, v0  }
0xf6: {  	[tilespmem:s14+$0xE000] =	vst.add.f32.msk $0xffff, v1  }
0xf7: {  	[tilespmem:s14+$0xE010] =	vst.add.f32.msk $0xffff, v2  }
0xf8: {  	[tilespmem:s14+$0xE020] =	vst.add.f32.msk $0xffff, v3  }
0xf9: {  	[tilespmem:s14+$0xE030] =	vst.add.f32.msk $0xffff, v4  }
0xfa: {  	[tilespmem:s14+$0xE040] =	vst.add.f32.msk $0xffff, v5  }
0xfb: {  	[tilespmem:s14+$0xE050] =	vst.add.f32.msk $0xffff, v6  }
0xfc: {  	[tilespmem:s14+$0xE060] =	vst.add.f32.msk $0xffff, v7  }
0xfd: {  	[tilespmem:s14+$0xE070] =	vst.add.f32.msk $0xffff, v0  }
0xfe: {  	[tilespmem:s14+$0x10000] =	vst.add.f32.msk $0xffff, v1  }
0xff: {  	[tilespmem:s14+$0x10010] =	vst.add.f32.msk $0xffff, v2  }
0x100: {  	[tilespmem:s14+$0x10020] =	vst.add.f32.msk $0xffff, v3  }
0x101: {  	[tilespmem:s14+$0x10030] =	vst.add.f32.msk $0xffff, v4  }
0x102: {  	[tilespmem:s14+$0x10040] =	vst.add.f32.msk $0xffff, v5  }
0x103: {  	[tilespmem:s14+$0x10050] =	vst.add.f32.msk $0xffff, v6  }
0x104: {  	[tilespmem:s14+$0x10060] =	vst.add.f32.msk $0xffff, v7  }
0x105: {  	[hbm4b:s11+s5] =	stream.linear.scatter [tilespmem:s22], [sflag:$0x8], $0x4000, $0x38;
	[tilespmem:$0x14000] =	vst v63  }
0x106: {  	_ =	swait.ge [sflag:s31], $0x4000  }
0x107: {  	[sflag:s31] =	ssyncset.done $0x0  }
0x108: {  	s0 =	simm.s32 $0x300;
	s14 =	simm.s32 $0x1;
	[sflag:s31] =	ssyncadd.s32 $0xFFFFC000  }
0x109: {  	[tilespmem:s19], [sflag:$0x3] =	stream.indirect.gather [hbm4b:s1+s15], $0x80, s0, s15, $0xb8;
	[tilespmem:$0x14000] =	vst v63  }
.LBB2_10:
0x10a: {  	_ =	swait.ge [sflag:s20], $0x4000  }
0x10b: {  	[sflag:s20] =	ssyncset.done $0x0  }
0x10c: {  	s18 =	simm.s32 $0x0;
	s0 =	simm.s32 $0x200;
	[sflag:s20] =	ssyncadd.s32 $0xFFFFC000  }
.LBB2_11:
0x10d: {  	p0 =	sne.s32 s0, $0x7E00;
	v0 =	vld [tilespmem:s18+$0x12070]  }
0x10e: {  	v1 =	vld [tilespmem:s18+$0x12000]  }
0x10f: {  	v2 =	vld [tilespmem:s18+$0x12010]  }
0x110: {  	v3 =	vld [tilespmem:s18+$0x12020]  }
0x111: {  	v4 =	vld [tilespmem:s18+$0x12030]  }
0x112: {  	[tilespmem:s18+$0x4070] =	vst.add.f32.msk $0xffff, v0  }
0x113: {  	v5 =	vld [tilespmem:s18+$0x12040]  }
0x114: {  	v6 =	vld [tilespmem:s18+$0x12050]  }
0x115: {  	v7 =	vld [tilespmem:s18+$0x12060]  }
0x116: {  	[tilespmem:s18+$0x2000] =	vst.add.f32.msk $0xffff, v1  }
0x117: {  	[tilespmem:s18+$0x2010] =	vst.add.f32.msk $0xffff, v2  }
0x118: {  	[tilespmem:s18+$0x2020] =	vst.add.f32.msk $0xffff, v3  }
0x119: {  	[tilespmem:s18+$0x2030] =	vst.add.f32.msk $0xffff, v4  }
0x11a: {  	[tilespmem:s18+$0x2040] =	vst.add.f32.msk $0xffff, v5  }
0x11b: {  	[tilespmem:s18+$0x2050] =	vst.add.f32.msk $0xffff, v6  }
0x11c: {  	[tilespmem:s18+$0x2060] =	vst.add.f32.msk $0xffff, v7  }
0x11d: {  	[tilespmem:s18+$0x2070] =	vst.add.f32.msk $0xffff, v0  }
0x11e: {  	[tilespmem:s18+$0x4000] =	vst.add.f32.msk $0xffff, v1  }
0x11f: {  	[tilespmem:s18+$0x4010] =	vst.add.f32.msk $0xffff, v2  }
.Ltmp6:
0x120: {  	[tilespmem:s18+$0x4020] =	vst.add.f32.msk $0xffff, v3;
	(pc) =	sbr.rel @p0 .LBB2_11-.Ltmp6, $4  }
0x121: {  	[tilespmem:s18+$0x4030] =	vst.add.f32.msk $0xffff, v4  }
0x122: {  	[tilespmem:s18+$0x4040] =	vst.add.f32.msk $0xffff, v5  }
0x123: {  	[tilespmem:s18+$0x4050] =	vst.add.f32.msk $0xffff, v6  }
0x124: {  	[tilespmem:s18+$0x4060] =	vst.add.f32.msk $0xffff, v7;
	s18 =	sshra.s32 s0, $0x2;
	s0 =	sadd.s32 $0x200, s0  }
0x125: {  	v0 =	vld [tilespmem:s18+$0x12070]  }
0x126: {  	v1 =	vld [tilespmem:s18+$0x12000]  }
0x127: {  	v2 =	vld [tilespmem:s18+$0x12010]  }
0x128: {  	v3 =	vld [tilespmem:s18+$0x12020]  }
0x129: {  	v4 =	vld [tilespmem:s18+$0x12030]  }
0x12a: {  	v5 =	vld [tilespmem:s18+$0x12040]  }
0x12b: {  	v6 =	vld [tilespmem:s18+$0x12050]  }
0x12c: {  	v7 =	vld [tilespmem:s18+$0x12060]  }
0x12d: {  	[tilespmem:s18+$0x4070] =	vst.add.f32.msk $0xffff, v0  }
0x12e: {  	[tilespmem:s18+$0x2000] =	vst.add.f32.msk $0xffff, v1  }
0x12f: {  	[tilespmem:s18+$0x2010] =	vst.add.f32.msk $0xffff, v2  }
0x130: {  	[tilespmem:s18+$0x2020] =	vst.add.f32.msk $0xffff, v3  }
0x131: {  	[tilespmem:s18+$0x2030] =	vst.add.f32.msk $0xffff, v4  }
0x132: {  	[tilespmem:s18+$0x2040] =	vst.add.f32.msk $0xffff, v5  }
0x133: {  	[tilespmem:s18+$0x2050] =	vst.add.f32.msk $0xffff, v6  }
0x134: {  	[tilespmem:s18+$0x2060] =	vst.add.f32.msk $0xffff, v7  }
0x135: {  	[tilespmem:s18+$0x2070] =	vst.add.f32.msk $0xffff, v0  }
0x136: {  	[tilespmem:s18+$0x4000] =	vst.add.f32.msk $0xffff, v1  }
0x137: {  	[tilespmem:s18+$0x4010] =	vst.add.f32.msk $0xffff, v2  }
0x138: {  	[tilespmem:s18+$0x4020] =	vst.add.f32.msk $0xffff, v3  }
0x139: {  	[tilespmem:s18+$0x4030] =	vst.add.f32.msk $0xffff, v4  }
0x13a: {  	[tilespmem:s18+$0x4040] =	vst.add.f32.msk $0xffff, v5  }
0x13b: {  	s0 =	sshll.u32 s14, $0xD;
	[tilespmem:s18+$0x4050] =	vst.add.f32.msk $0xffff, v6  }
0x13c: {  	s8 =	simm.s32 $0x0;
	s0 =	sadd.s32 s0, s6;
	[tilespmem:s18+$0x4060] =	vst.add.f32.msk $0xffff, v7  }
0x13d: {  	[hbm4b:s0+s8] =	stream.linear.scatter [tilespmem:s16], [sflag:$0x5], $0x4000, $0x38;
	[tilespmem:$0x14000] =	vst v63  }
0x13e: {  	s18 =	sshllo.u32 s14, $0x2;
	_ =	swait.ge [sflag:s3], $0x4000  }
0x13f: {  	s25 =	sshll.u32 s18, $0x7;
	[sflag:s3] =	ssyncset.done $0x0  }
0x140: {  	s0 =	sand.u32 $0x3FFFFF80, s25;
	[sflag:s3] =	ssyncadd.s32 $0xFFFFC000  }
0x141: {  	[tilespmem:s22], [sflag:$0x4] =	stream.indirect.gather [hbm4b:s1+s15], $0x80, s0, s15, $0xb8;
	[tilespmem:$0x14000] =	vst v63  }
0x142: {  	_ =	swait.ge [sflag:s23], $0x4000  }
0x143: {  	[sflag:s23] =	ssyncset.done $0x0  }
0x144: {  	s29 =	simm.s32 $0x0;
	s0 =	simm.s32 $0x200;
	[sflag:s23] =	ssyncadd.s32 $0xFFFFC000  }
.LBB2_13:
0x145: {  	p0 =	sne.s32 s0, $0x7E00;
	v0 =	vld [tilespmem:s29+$0x12070]  }
0x146: {  	v1 =	vld [tilespmem:s29+$0x12000]  }
0x147: {  	v2 =	vld [tilespmem:s29+$0x12010]  }
0x148: {  	v3 =	vld [tilespmem:s29+$0x12020]  }
0x149: {  	v4 =	vld [tilespmem:s29+$0x12030]  }
0x14a: {  	[tilespmem:s29+$0x8070] =	vst.add.f32.msk $0xffff, v0  }
0x14b: {  	v5 =	vld [tilespmem:s29+$0x12040]  }
0x14c: {  	v6 =	vld [tilespmem:s29+$0x12050]  }
0x14d: {  	v7 =	vld [tilespmem:s29+$0x12060]  }
0x14e: {  	[tilespmem:s29+$0x6000] =	vst.add.f32.msk $0xffff, v1  }
0x14f: {  	[tilespmem:s29+$0x6010] =	vst.add.f32.msk $0xffff, v2  }
0x150: {  	[tilespmem:s29+$0x6020] =	vst.add.f32.msk $0xffff, v3  }
0x151: {  	[tilespmem:s29+$0x6030] =	vst.add.f32.msk $0xffff, v4  }
0x152: {  	[tilespmem:s29+$0x6040] =	vst.add.f32.msk $0xffff, v5  }
0x153: {  	[tilespmem:s29+$0x6050] =	vst.add.f32.msk $0xffff, v6  }
0x154: {  	[tilespmem:s29+$0x6060] =	vst.add.f32.msk $0xffff, v7  }
0x155: {  	[tilespmem:s29+$0x6070] =	vst.add.f32.msk $0xffff, v0  }
0x156: {  	[tilespmem:s29+$0x8000] =	vst.add.f32.msk $0xffff, v1  }
0x157: {  	[tilespmem:s29+$0x8010] =	vst.add.f32.msk $0xffff, v2  }
.Ltmp7:
0x158: {  	[tilespmem:s29+$0x8020] =	vst.add.f32.msk $0xffff, v3;
	(pc) =	sbr.rel @p0 .LBB2_13-.Ltmp7, $4  }
0x159: {  	[tilespmem:s29+$0x8030] =	vst.add.f32.msk $0xffff, v4  }
0x15a: {  	[tilespmem:s29+$0x8040] =	vst.add.f32.msk $0xffff, v5  }
0x15b: {  	[tilespmem:s29+$0x8050] =	vst.add.f32.msk $0xffff, v6  }
0x15c: {  	[tilespmem:s29+$0x8060] =	vst.add.f32.msk $0xffff, v7;
	s29 =	sshra.s32 s0, $0x2;
	s0 =	sadd.s32 $0x200, s0  }
0x15d: {  	v0 =	vld [tilespmem:s29+$0x12070]  }
0x15e: {  	v1 =	vld [tilespmem:s29+$0x12000]  }
0x15f: {  	v2 =	vld [tilespmem:s29+$0x12010]  }
0x160: {  	v3 =	vld [tilespmem:s29+$0x12020]  }
0x161: {  	v4 =	vld [tilespmem:s29+$0x12030]  }
0x162: {  	v5 =	vld [tilespmem:s29+$0x12040]  }
0x163: {  	v6 =	vld [tilespmem:s29+$0x12050]  }
0x164: {  	v7 =	vld [tilespmem:s29+$0x12060]  }
0x165: {  	[tilespmem:s29+$0x8070] =	vst.add.f32.msk $0xffff, v0  }
0x166: {  	[tilespmem:s29+$0x6000] =	vst.add.f32.msk $0xffff, v1  }
0x167: {  	[tilespmem:s29+$0x6010] =	vst.add.f32.msk $0xffff, v2  }
0x168: {  	[tilespmem:s29+$0x6020] =	vst.add.f32.msk $0xffff, v3  }
0x169: {  	[tilespmem:s29+$0x6030] =	vst.add.f32.msk $0xffff, v4  }
0x16a: {  	[tilespmem:s29+$0x6040] =	vst.add.f32.msk $0xffff, v5  }
0x16b: {  	[tilespmem:s29+$0x6050] =	vst.add.f32.msk $0xffff, v6  }
0x16c: {  	[tilespmem:s29+$0x6060] =	vst.add.f32.msk $0xffff, v7  }
0x16d: {  	[tilespmem:s29+$0x6070] =	vst.add.f32.msk $0xffff, v0  }
0x16e: {  	[tilespmem:s29+$0x8000] =	vst.add.f32.msk $0xffff, v1  }
0x16f: {  	[tilespmem:s29+$0x8010] =	vst.add.f32.msk $0xffff, v2  }
0x170: {  	s21 =	sshll.u32 s14, $0x9;
	[tilespmem:s29+$0x8020] =	vst.add.f32.msk $0xffff, v3  }
0x171: {  	s0 =	sadd.s32 s21, s7;
	[tilespmem:s29+$0x8030] =	vst.add.f32.msk $0xffff, v4  }
0x172: {  	s0 =	sshll.u32 s0, $0x4;
	[tilespmem:s29+$0x8040] =	vst.add.f32.msk $0xffff, v5  }
0x173: {  	s25 =	sadd.s32 s4, s0;
	[tilespmem:s29+$0x8050] =	vst.add.f32.msk $0xffff, v6  }
0x174: {  	p0 =	seq.s32 s14, $0xF;
	s0 =	sadd.s32 $0x800, s25;
	[tilespmem:s29+$0x8060] =	vst.add.f32.msk $0xffff, v7  }
0x175: {  	[hbm4b:s0+s5] =	stream.linear.scatter [tilespmem:s17], [sflag:$0x6], $0x4000, $0x38;
	[tilespmem:$0x14000] =	vst v63  }
0x176: {  	s0 =	simm.s32 @!p0 $0x5  }
0x177: {  	s8 =	sshll.u32 @!p0 s14, $0x9;
	_ =	swait.ge @!p0 [sflag:s0], $0x4000  }
0x178: {  	s9 =	simm.s32 @!p0 $0x2000;
	s29 =	sand.u32 @!p0 $0x3FFFFE00, s8;
	[sflag:s0] =	ssyncset.done @!p0 $0x0  }
0x179: {  	s8 =	simm.s32 @!p0 $0x80;
	[sflag:s0] =	ssyncadd.s32 @!p0 $0xFFFFC000;
	s0 =	sadd.s32 @!p0 $0x200, s29  }
0x17a: {  	[tilespmem:s9], [sflag:$0x1] =	stream.indirect.gather @!p0 [hbm4b:s1+s8], $0x80, s0, s8, $0xb8;
	[tilespmem:$0x14000] =	vst v63  }
0x17b: {  	_ =	swait.ge [sflag:s26], $0x4000  }
0x17c: {  	[sflag:s26] =	ssyncset.done $0x0  }
0x17d: {  	s0 =	simm.s32 $0x0;
	s8 =	simm.s32 $0x200;
	[sflag:s26] =	ssyncadd.s32 $0xFFFFC000  }
.LBB2_15:
0x17e: {  	p1 =	sne.s32 s8, $0x7E00;
	v0 =	vld [tilespmem:s0+$0x12070]  }
0x17f: {  	v1 =	vld [tilespmem:s0+$0x12000]  }
0x180: {  	v2 =	vld [tilespmem:s0+$0x12010]  }
0x181: {  	v3 =	vld [tilespmem:s0+$0x12020]  }
0x182: {  	v4 =	vld [tilespmem:s0+$0x12030]  }
0x183: {  	[tilespmem:s0+$0xC070] =	vst.add.f32.msk $0xffff, v0  }
0x184: {  	v5 =	vld [tilespmem:s0+$0x12040]  }
0x185: {  	v6 =	vld [tilespmem:s0+$0x12050]  }
0x186: {  	v7 =	vld [tilespmem:s0+$0x12060]  }
0x187: {  	[tilespmem:s0+$0xA000] =	vst.add.f32.msk $0xffff, v1  }
0x188: {  	[tilespmem:s0+$0xA010] =	vst.add.f32.msk $0xffff, v2  }
0x189: {  	[tilespmem:s0+$0xA020] =	vst.add.f32.msk $0xffff, v3  }
0x18a: {  	[tilespmem:s0+$0xA030] =	vst.add.f32.msk $0xffff, v4  }
0x18b: {  	[tilespmem:s0+$0xA040] =	vst.add.f32.msk $0xffff, v5  }
0x18c: {  	[tilespmem:s0+$0xA050] =	vst.add.f32.msk $0xffff, v6  }
0x18d: {  	[tilespmem:s0+$0xA060] =	vst.add.f32.msk $0xffff, v7  }
0x18e: {  	[tilespmem:s0+$0xA070] =	vst.add.f32.msk $0xffff, v0  }
0x18f: {  	[tilespmem:s0+$0xC000] =	vst.add.f32.msk $0xffff, v1  }
0x190: {  	[tilespmem:s0+$0xC010] =	vst.add.f32.msk $0xffff, v2  }
.Ltmp8:
0x191: {  	[tilespmem:s0+$0xC020] =	vst.add.f32.msk $0xffff, v3;
	(pc) =	sbr.rel @p1 .LBB2_15-.Ltmp8, $4  }
0x192: {  	[tilespmem:s0+$0xC030] =	vst.add.f32.msk $0xffff, v4  }
0x193: {  	[tilespmem:s0+$0xC040] =	vst.add.f32.msk $0xffff, v5  }
0x194: {  	[tilespmem:s0+$0xC050] =	vst.add.f32.msk $0xffff, v6  }
0x195: {  	[tilespmem:s0+$0xC060] =	vst.add.f32.msk $0xffff, v7;
	s0 =	sshra.s32 s8, $0x2;
	s8 =	sadd.s32 $0x200, s8  }
0x196: {  	v0 =	vld [tilespmem:s0+$0x12070]  }
0x197: {  	v1 =	vld [tilespmem:s0+$0x12000]  }
0x198: {  	v2 =	vld [tilespmem:s0+$0x12010]  }
0x199: {  	v3 =	vld [tilespmem:s0+$0x12020]  }
0x19a: {  	v4 =	vld [tilespmem:s0+$0x12030]  }
0x19b: {  	v5 =	vld [tilespmem:s0+$0x12040]  }
0x19c: {  	v6 =	vld [tilespmem:s0+$0x12050]  }
0x19d: {  	v7 =	vld [tilespmem:s0+$0x12060]  }
0x19e: {  	[tilespmem:s0+$0xC070] =	vst.add.f32.msk $0xffff, v0  }
0x19f: {  	[tilespmem:s0+$0xA000] =	vst.add.f32.msk $0xffff, v1  }
0x1a0: {  	[tilespmem:s0+$0xA010] =	vst.add.f32.msk $0xffff, v2  }
0x1a1: {  	[tilespmem:s0+$0xA020] =	vst.add.f32.msk $0xffff, v3  }
0x1a2: {  	[tilespmem:s0+$0xA030] =	vst.add.f32.msk $0xffff, v4  }
0x1a3: {  	[tilespmem:s0+$0xA040] =	vst.add.f32.msk $0xffff, v5  }
0x1a4: {  	[tilespmem:s0+$0xA050] =	vst.add.f32.msk $0xffff, v6  }
0x1a5: {  	[tilespmem:s0+$0xA060] =	vst.add.f32.msk $0xffff, v7  }
0x1a6: {  	[tilespmem:s0+$0xA070] =	vst.add.f32.msk $0xffff, v0  }
0x1a7: {  	[tilespmem:s0+$0xC000] =	vst.add.f32.msk $0xffff, v1  }
0x1a8: {  	[tilespmem:s0+$0xC010] =	vst.add.f32.msk $0xffff, v2  }
0x1a9: {  	[tilespmem:s0+$0xC020] =	vst.add.f32.msk $0xffff, v3  }
0x1aa: {  	[tilespmem:s0+$0xC030] =	vst.add.f32.msk $0xffff, v4  }
0x1ab: {  	[tilespmem:s0+$0xC040] =	vst.add.f32.msk $0xffff, v5  }
0x1ac: {  	[tilespmem:s0+$0xC050] =	vst.add.f32.msk $0xffff, v6  }
0x1ad: {  	s25 =	sadd.s32 $0x1000, s25;
	[tilespmem:s0+$0xC060] =	vst.add.f32.msk $0xffff, v7;
	s0 =	simm.s32 @!p0 $0x6  }
0x1ae: {  	[hbm4b:s25+s5] =	stream.linear.scatter [tilespmem:s19], [sflag:$0x7], $0x4000, $0x38;
	[tilespmem:$0x14000] =	vst v63  }
0x1af: {  	_ =	swait.ge @!p0 [sflag:s0], $0x4000  }
0x1b0: {  	s8 =	simm.s32 @!p0 $0x80;
	[sflag:s0] =	ssyncset.done @!p0 $0x0  }
0x1b1: {  	s9 =	simm.s32 @!p0 $0x6000;
	[sflag:s0] =	ssyncadd.s32 @!p0 $0xFFFFC000;
	s0 =	sadd.s32 @!p0 $0x280, s29  }
0x1b2: {  	[tilespmem:s9], [sflag:$0x2] =	stream.indirect.gather @!p0 [hbm4b:s1+s8], $0x80, s0, s8, $0xb8;
	[tilespmem:$0x14000] =	vst v63  }
0x1b3: {  	_ =	swait.ge [sflag:s30], $0x4000  }
0x1b4: {  	[sflag:s30] =	ssyncset.done $0x0  }
0x1b5: {  	s25 =	simm.s32 $0x0;
	s0 =	simm.s32 $0x200;
	[sflag:s30] =	ssyncadd.s32 $0xFFFFC000  }
.LBB2_17:
0x1b6: {  	p1 =	sne.s32 s0, $0x7E00;
	v0 =	vld [tilespmem:s25+$0x12070]  }
0x1b7: {  	v1 =	vld [tilespmem:s25+$0x12000]  }
0x1b8: {  	v2 =	vld [tilespmem:s25+$0x12010]  }
0x1b9: {  	v3 =	vld [tilespmem:s25+$0x12020]  }
0x1ba: {  	v4 =	vld [tilespmem:s25+$0x12030]  }
0x1bb: {  	[tilespmem:s25+$0x10070] =	vst.add.f32.msk $0xffff, v0  }
0x1bc: {  	v5 =	vld [tilespmem:s25+$0x12040]  }
0x1bd: {  	v6 =	vld [tilespmem:s25+$0x12050]  }
0x1be: {  	v7 =	vld [tilespmem:s25+$0x12060]  }
0x1bf: {  	[tilespmem:s25+$0xE000] =	vst.add.f32.msk $0xffff, v1  }
0x1c0: {  	[tilespmem:s25+$0xE010] =	vst.add.f32.msk $0xffff, v2  }
0x1c1: {  	[tilespmem:s25+$0xE020] =	vst.add.f32.msk $0xffff, v3  }
0x1c2: {  	[tilespmem:s25+$0xE030] =	vst.add.f32.msk $0xffff, v4  }
0x1c3: {  	[tilespmem:s25+$0xE040] =	vst.add.f32.msk $0xffff, v5  }
0x1c4: {  	[tilespmem:s25+$0xE050] =	vst.add.f32.msk $0xffff, v6  }
0x1c5: {  	[tilespmem:s25+$0xE060] =	vst.add.f32.msk $0xffff, v7  }
0x1c6: {  	[tilespmem:s25+$0xE070] =	vst.add.f32.msk $0xffff, v0  }
0x1c7: {  	[tilespmem:s25+$0x10000] =	vst.add.f32.msk $0xffff, v1  }
0x1c8: {  	[tilespmem:s25+$0x10010] =	vst.add.f32.msk $0xffff, v2  }
.Ltmp9:
0x1c9: {  	[tilespmem:s25+$0x10020] =	vst.add.f32.msk $0xffff, v3;
	(pc) =	sbr.rel @p1 .LBB2_17-.Ltmp9, $4  }
0x1ca: {  	[tilespmem:s25+$0x10030] =	vst.add.f32.msk $0xffff, v4  }
0x1cb: {  	[tilespmem:s25+$0x10040] =	vst.add.f32.msk $0xffff, v5  }
0x1cc: {  	[tilespmem:s25+$0x10050] =	vst.add.f32.msk $0xffff, v6  }
0x1cd: {  	[tilespmem:s25+$0x10060] =	vst.add.f32.msk $0xffff, v7;
	s25 =	sshra.s32 s0, $0x2;
	s0 =	sadd.s32 $0x200, s0  }
0x1ce: {  	v0 =	vld [tilespmem:s25+$0x12070]  }
0x1cf: {  	v1 =	vld [tilespmem:s25+$0x12000]  }
0x1d0: {  	v2 =	vld [tilespmem:s25+$0x12010]  }
0x1d1: {  	v3 =	vld [tilespmem:s25+$0x12020]  }
0x1d2: {  	v4 =	vld [tilespmem:s25+$0x12030]  }
0x1d3: {  	v5 =	vld [tilespmem:s25+$0x12040]  }
0x1d4: {  	v6 =	vld [tilespmem:s25+$0x12050]  }
0x1d5: {  	v7 =	vld [tilespmem:s25+$0x12060]  }
0x1d6: {  	[tilespmem:s25+$0x10070] =	vst.add.f32.msk $0xffff, v0  }
0x1d7: {  	[tilespmem:s25+$0xE000] =	vst.add.f32.msk $0xffff, v1  }
0x1d8: {  	[tilespmem:s25+$0xE010] =	vst.add.f32.msk $0xffff, v2  }
0x1d9: {  	[tilespmem:s25+$0xE020] =	vst.add.f32.msk $0xffff, v3  }
0x1da: {  	[tilespmem:s25+$0xE030] =	vst.add.f32.msk $0xffff, v4  }
0x1db: {  	[tilespmem:s25+$0xE040] =	vst.add.f32.msk $0xffff, v5  }
0x1dc: {  	[tilespmem:s25+$0xE050] =	vst.add.f32.msk $0xffff, v6  }
0x1dd: {  	[tilespmem:s25+$0xE060] =	vst.add.f32.msk $0xffff, v7  }
0x1de: {  	[tilespmem:s25+$0xE070] =	vst.add.f32.msk $0xffff, v0  }
0x1df: {  	[tilespmem:s25+$0x10000] =	vst.add.f32.msk $0xffff, v1  }
0x1e0: {  	[tilespmem:s25+$0x10010] =	vst.add.f32.msk $0xffff, v2  }
0x1e1: {  	[tilespmem:s25+$0x10020] =	vst.add.f32.msk $0xffff, v3  }
.Ltmp10:
0x1e2: {  	[tilespmem:s25+$0x10030] =	vst.add.f32.msk $0xffff, v4;
	(pc) =	sbr.rel @p0 .LBB2_20-.Ltmp10, $4  }
0x1e3: {  	[tilespmem:s25+$0x10040] =	vst.add.f32.msk $0xffff, v5  }
0x1e4: {  	s0 =	sshll.u32 s18, $0xB;
	[tilespmem:s25+$0x10050] =	vst.add.f32.msk $0xffff, v6  }
0x1e5: {  	s0 =	sadd.s32 s0, s6;
	[tilespmem:s25+$0x10060] =	vst.add.f32.msk $0xffff, v7  }
0x1e6: {  	[hbm4b:s0+s5] =	stream.linear.scatter [tilespmem:s22], [sflag:$0x8], $0x4000, $0x38;
	[tilespmem:$0x14000] =	vst v63  }
.Ltmp11:
0x1e7: {  	(pc) =	sbr.rel .LBB2_10-.Ltmp11, $4  }
0x1e8: {  	_ =	swait.ge [sflag:s31], $0x4000  }
0x1e9: {  	s0 =	sand.u32 $0x3FFFFE00, s21;
	[sflag:s31] =	ssyncset.done $0x0  }
0x1ea: {  	s14 =	sadd.s32 $0x1, s14;
	s0 =	sadd.s32 $0x300, s0;
	[sflag:s31] =	ssyncadd.s32 $0xFFFFC000  }
0x1eb: {  	[tilespmem:s19], [sflag:$0x3] =	stream.indirect.gather [hbm4b:s1+s15], $0x80, s0, s15, $0xb8;
	[tilespmem:$0x14000] =	vst v63  }
.LBB2_21:
0x1ec: {  	_ =	sfence.sel $0x180000  }
0x1ed: {  	[bflag:$0x0] =	sbarrier.arrive $0xFFFF  }
0x1ee: {  	_ =	strace $0x90000047  }
0x1ef: {  	s0 =	stileid.u32;
	[bflag:$0x2] =	sbarrier.arrive $0xFFFF  }
0x1f0: {  	p0 =	sne.s32 s0, $0x0;
	s0 =	rddreg [dreg:$0x4]  }
0x1f1: {  	s0 =	sadd.s32 @!p0 $0x100000, s0  }
0x1f2: {  	[sflag:s0] =	ssyncadd.tile.s32 @!p0 $0x1;
	_ =	shalt  }
.Lfunc_end2:
_tile_overlayer_lowered:
.L_overlay_start_2:
0x1f3: {  	(tag) =	ssettag $0x2  }
0x1f4: {  	s0 =	rddreg [dreg:$0x0];
	s2 =	stileid.u32  }
0x1f5: {  	s1 =	rddreg [dreg:$0x1];
	p0 =	sne.s32 s2, $0x0  }
0x1f6: {  	s3 =	rddreg [dreg:$0x2];
	[bflag:$0x3] =	sbarrier.arrive $0xFFFF;
	s2 =	simm.s32 @!p0 $0x1C09  }
0x1f7: {  	[timem:s3], [sflag:s2] =	dma.local @!p0 [hbm:s0], s1  }
0x1f8: {  	s0 =	simm.s32 @!p0 $0x9  }
0x1f9: {  	_ =	swait.ge @!p0 [sflag:s0], s1  }
0x1fa: {  	s1 =	ssub.s32 @!p0 $0x0, s1;
	[sflag:s0] =	ssyncset.done @!p0 $0x0  }
0x1fb: {  	[sflag:s0] =	ssyncadd.s32 @!p0 s1  }
0x1fc: {  	[bflag:$0x3] =	sbarrier.arrive $0xFFFF  }
0x1fd: {  	_ =	shalt  }

</sc_bundles>
